<compile_context>
chip_gen: v7x
topology: tpu7x:2x2x1
jax: 0.10.2.dev20260603
libtpu: 0.0.44.dev20260713+nightly
codegen_flags: <defaults>
</compile_context>

<pallas_src>
import functools

import jax
import jax.numpy as jnp
from jax import lax
from jax.experimental import pallas as pl
from jax.experimental.pallas import tpu as pltpu
from jax.experimental.pallas import tpu_sc as plsc

EMB = 64
SCALE = 8.0

NC = 2
NS = 16
NW = NC * NS

CHUNK = 128
NBUF = 4
MUL_UNROLL = 8


def _build(num_tokens):
    per_w = num_tokens // NW
    ngroups = per_w // CHUNK
    iters = ngroups // NBUF
    mesh = plsc.VectorSubcoreMesh(core_axis_name="c", subcore_axis_name="s")

    @functools.partial(
        pl.kernel,
        out_type=jax.ShapeDtypeStruct((num_tokens, EMB), jnp.float32),
        mesh=mesh,
        compiler_params=pltpu.CompilerParams(use_tc_tiling_on_sc=False),
        scratch_types=(
            [pltpu.VMEM((ngroups, CHUNK), jnp.int32)]
            + [pltpu.VMEM((CHUNK, EMB), jnp.float32) for _ in range(NBUF)]
            + [pltpu.SemaphoreType.DMA for _ in range(2 * NBUF)]
        ),
    )
    def emb_kernel(tokens_hbm, table_hbm, out_hbm, idx_v, *rest):
        bufs = rest[:NBUF]
        gsems = rest[NBUF:2 * NBUF]
        osems = rest[2 * NBUF:]

        wid = lax.axis_index("s") * NC + lax.axis_index("c")
        base = wid * per_w

        pltpu.sync_copy(tokens_hbm.at[wid], idx_v)

        def gather(gi, b):
            pltpu.async_copy(table_hbm.at[idx_v.at[gi]], bufs[b], gsems[b])

        def gather_wait(gi, b):
            pltpu.make_async_copy(table_hbm.at[idx_v.at[gi]], bufs[b], gsems[b]).wait()

        def out_start(gi, b):
            pltpu.async_copy(bufs[b], out_hbm.at[pl.ds(base + gi * CHUNK, CHUNK)], osems[b])

        def out_wait(gi, b):
            pltpu.make_async_copy(bufs[b], out_hbm.at[pl.ds(base + gi * CHUNK, CHUNK)], osems[b]).wait()

        for b in range(NBUF):
            gather(b, b)

        def outer(it, carry):
            for b in range(NBUF):
                gi = it * NBUF + b
                gather_wait(gi, b)

                def mul_body(r, c, b=b):
                    for rr in range(MUL_UNROLL):
                        row = r * MUL_UNROLL + rr
                        for j in range(EMB // 16):
                            sl = pl.ds(j * 16, 16)
                            bufs[b][row, sl] = bufs[b][row, sl] * SCALE
                    return c
                lax.fori_loop(0, CHUNK // MUL_UNROLL, mul_body, 0)

                out_start(gi, b)

                bt = (b + 2) % NBUF
                @pl.when(jnp.logical_and(gi >= 2, gi <= ngroups - 3))
                def _(gi=gi, bt=bt):
                    out_wait(gi - 2, bt)
                    gather(gi + 2, bt)
            return carry

        lax.fori_loop(0, iters, outer, 0)

        for b in range(NBUF):
            out_wait(ngroups - NBUF + b, b)

    return emb_kernel


def kernel(tokens, table):
    num_tokens = tokens.size
    tokens3 = tokens.reshape(NW, num_tokens // (NW * CHUNK), CHUNK).astype(jnp.int32)
    out = _build(num_tokens)(tokens3, table)
    return out.reshape(tokens.shape + (EMB,))

# --- scband reference (transcript-rebuilt; emitter-appended) ---
"""Pipeline reference for scband-token-embedding-36524401885467 (READ-ONLY COPY).

The authoritative reference and input builder live on the scoring server;
editing this copy changes nothing except your own understanding.
"""

import jax, jax.numpy as jnp
import numpy as np
import math

VOCAB = 1000000
EMB = 64

def setup_inputs(seed: int = 0) -> dict:
    key = jax.random.key(seed)
    k1, k2 = jax.random.split(key)
    tokens = jax.random.randint(k1, (4096, 200), 0, VOCAB, dtype=jnp.int64 if jax.config.jax_enable_x64 else jnp.int32)
    table = jax.random.normal(k2, (VOCAB, EMB), dtype=jnp.float32)
    return {"tokens": tokens, "table": table}

def reference(tokens, table):
    # torch.nn.Embedding lookup followed by sqrt(emb_size) scaling
    emb = jnp.take(table, tokens, axis=0)
    return emb * math.sqrt(EMB)

if __name__ == "__main__":
    import jax
    _d = setup_inputs()
    print(jax.jit(kernel)(*tuple(_d.values())))

</pallas_src>

<mosaic_0001>
#map = affine_map<(d0, d1) -> (0, 0, 0)>
#map1 = affine_map<(d0, d1) -> (0, 0)>
module attributes {stable_mosaic.version = 14 : i64} {
  func.func @emb_kernel(%arg0: i32, %arg1: i32, %arg2: memref<32x200x128xi32, #tpu.memory_space<hbm>>, %arg3: memref<1000000x64xf32, #tpu.memory_space<hbm>>, %arg4: memref<819200x64xf32, #tpu.memory_space<hbm>>, %arg5: memref<200x128xi32, #tpu.memory_space<vmem>>, %arg6: memref<128x64xf32, #tpu.memory_space<vmem>>, %arg7: memref<128x64xf32, #tpu.memory_space<vmem>>, %arg8: memref<128x64xf32, #tpu.memory_space<vmem>>, %arg9: memref<128x64xf32, #tpu.memory_space<vmem>>, %arg10: memref<!tpu.dma_semaphore, #tpu.memory_space<semaphore_mem>>, %arg11: memref<!tpu.dma_semaphore, #tpu.memory_space<semaphore_mem>>, %arg12: memref<!tpu.dma_semaphore, #tpu.memory_space<semaphore_mem>>, %arg13: memref<!tpu.dma_semaphore, #tpu.memory_space<semaphore_mem>>, %arg14: memref<!tpu.dma_semaphore, #tpu.memory_space<semaphore_mem>>, %arg15: memref<!tpu.dma_semaphore, #tpu.memory_space<semaphore_mem>>, %arg16: memref<!tpu.dma_semaphore, #tpu.memory_space<semaphore_mem>>, %arg17: memref<!tpu.dma_semaphore, #tpu.memory_space<semaphore_mem>>) attributes {dimension_semantics = [#tpu.dimension_semantics<core_parallel>, #tpu.dimension_semantics<subcore_parallel>], iteration_bounds = array<i64: 2, 16>, scalar_prefetch = 0 : i64, scratch_operands = 13 : i64, tpu.core_type = #tpu.core_type<sc_vector_subcore>, window_params = [{transform_indices = #map}, {transform_indices = #map1}, {transform_indices = #map1}]} {
    %mul3A = arith.constant 2 : i32
    %mul3A_0 = arith.muli %arg1, %mul3A : i32
    %add3A = arith.addi %mul3A_0, %arg0 : i32
    %mul3A_1 = arith.constant 25600 : i32
    %mul3A_2 = arith.muli %add3A, %mul3A_1 : i32
    "tpu.region"() ({
      %run_scoped3A = tpu.sem_alloc : memref<!tpu.dma_semaphore, #tpu.memory_space<semaphore_mem>>
      %dma_start3A_58 = arith.constant 0 : i32
      %dma_start3A_59 = arith.constant 0 : i32
      %dma_start3A_60 = tpu.memref_slice %arg2[%add3A, %dma_start3A_58, %dma_start3A_59] : memref<32x200x128xi32, #tpu.memory_space<hbm>> -> memref<1x200x128xi32, #tpu.memory_space<hbm>>
      %dma_start3A_61 = tpu.memref_squeeze %dma_start3A_60 : memref<1x200x128xi32, #tpu.memory_space<hbm>> -> memref<200x128xi32, #tpu.memory_space<hbm>>
      %dma_start3A_62 = arith.constant 0 : i32
      %dma_start3A_63 = arith.constant 0 : i32
      %dma_start3A_64 = tpu.memref_slice %arg2[%add3A, %dma_start3A_62, %dma_start3A_63] : memref<32x200x128xi32, #tpu.memory_space<hbm>> -> memref<1x200x128xi32, #tpu.memory_space<hbm>>
      %dma_start3A_65 = tpu.memref_squeeze %dma_start3A_64 : memref<1x200x128xi32, #tpu.memory_space<hbm>> -> memref<200x128xi32, #tpu.memory_space<hbm>>
      tpu.enqueue_dma source(%dma_start3A_65 : memref<200x128xi32, #tpu.memory_space<hbm>>) target(%arg5 : memref<200x128xi32, #tpu.memory_space<vmem>>) target_semaphore(%run_scoped3A : memref<!tpu.dma_semaphore, #tpu.memory_space<semaphore_mem>>)
      %dma_wait3A_66 = arith.constant 0 : i32
      %dma_wait3A_67 = arith.constant 0 : i32
      %dma_wait3A_68 = tpu.memref_slice %arg2[%add3A, %dma_wait3A_66, %dma_wait3A_67] : memref<32x200x128xi32, #tpu.memory_space<hbm>> -> memref<1x200x128xi32, #tpu.memory_space<hbm>>
      %dma_wait3A_69 = tpu.memref_squeeze %dma_wait3A_68 : memref<1x200x128xi32, #tpu.memory_space<hbm>> -> memref<200x128xi32, #tpu.memory_space<hbm>>
      %dma_wait3A_70 = arith.constant 0 : i32
      %dma_wait3A_71 = arith.constant 0 : i32
      %dma_wait3A_72 = tpu.memref_slice %arg2[%add3A, %dma_wait3A_70, %dma_wait3A_71] : memref<32x200x128xi32, #tpu.memory_space<hbm>> -> memref<1x200x128xi32, #tpu.memory_space<hbm>>
      %dma_wait3A_73 = tpu.memref_squeeze %dma_wait3A_72 : memref<1x200x128xi32, #tpu.memory_space<hbm>> -> memref<200x128xi32, #tpu.memory_space<hbm>>
      tpu.wait_dma2 semaphore(%run_scoped3A : memref<!tpu.dma_semaphore, #tpu.memory_space<semaphore_mem>>) src(%dma_wait3A_73 : memref<200x128xi32, #tpu.memory_space<hbm>>) dst(%arg5 : memref<200x128xi32, #tpu.memory_space<vmem>>)
      tpu.yield
    }) : () -> ()
    %dma_start3A = arith.constant 0 : i32
    %dma_start3A_3 = arith.constant 0 : i32
    %dma_start3A_4 = tpu.memref_slice %arg5[%dma_start3A, %dma_start3A_3] : memref<200x128xi32, #tpu.memory_space<vmem>> -> memref<1x128xi32, #tpu.memory_space<vmem>>
    %dma_start3A_5 = tpu.memref_squeeze %dma_start3A_4 : memref<1x128xi32, #tpu.memory_space<vmem>> -> memref<128xi32, #tpu.memory_space<vmem>>
    %dma_start3A_6 = arith.constant 0 : i32
    %dma_start3A_7 = arith.constant 0 : i32
    %dma_start3A_8 = tpu.memref_slice %arg3[%dma_start3A_6, %dma_start3A_7] : memref<1000000x64xf32, #tpu.memory_space<hbm>> -> memref<1000000x64xf32, #tpu.memory_space<hbm>>
    tpu.enqueue_indirect_dma source(%dma_start3A_8 : memref<1000000x64xf32, #tpu.memory_space<hbm>>) target(%arg6 : memref<128x64xf32, #tpu.memory_space<vmem>>) offsets(%dma_start3A_5 : memref<128xi32, #tpu.memory_space<vmem>>) semaphore(%arg10 : memref<!tpu.dma_semaphore, #tpu.memory_space<semaphore_mem>>)
    %dma_start3A_9 = arith.constant 1 : i32
    %dma_start3A_10 = arith.constant 0 : i32
    %dma_start3A_11 = tpu.memref_slice %arg5[%dma_start3A_9, %dma_start3A_10] : memref<200x128xi32, #tpu.memory_space<vmem>> -> memref<1x128xi32, #tpu.memory_space<vmem>>
    %dma_start3A_12 = tpu.memref_squeeze %dma_start3A_11 : memref<1x128xi32, #tpu.memory_space<vmem>> -> memref<128xi32, #tpu.memory_space<vmem>>
    %dma_start3A_13 = arith.constant 0 : i32
    %dma_start3A_14 = arith.constant 0 : i32
    %dma_start3A_15 = tpu.memref_slice %arg3[%dma_start3A_13, %dma_start3A_14] : memref<1000000x64xf32, #tpu.memory_space<hbm>> -> memref<1000000x64xf32, #tpu.memory_space<hbm>>
    tpu.enqueue_indirect_dma source(%dma_start3A_15 : memref<1000000x64xf32, #tpu.memory_space<hbm>>) target(%arg7 : memref<128x64xf32, #tpu.memory_space<vmem>>) offsets(%dma_start3A_12 : memref<128xi32, #tpu.memory_space<vmem>>) semaphore(%arg11 : memref<!tpu.dma_semaphore, #tpu.memory_space<semaphore_mem>>)
    %dma_start3A_16 = arith.constant 2 : i32
    %dma_start3A_17 = arith.constant 0 : i32
    %dma_start3A_18 = tpu.memref_slice %arg5[%dma_start3A_16, %dma_start3A_17] : memref<200x128xi32, #tpu.memory_space<vmem>> -> memref<1x128xi32, #tpu.memory_space<vmem>>
    %dma_start3A_19 = tpu.memref_squeeze %dma_start3A_18 : memref<1x128xi32, #tpu.memory_space<vmem>> -> memref<128xi32, #tpu.memory_space<vmem>>
    %dma_start3A_20 = arith.constant 0 : i32
    %dma_start3A_21 = arith.constant 0 : i32
    %dma_start3A_22 = tpu.memref_slice %arg3[%dma_start3A_20, %dma_start3A_21] : memref<1000000x64xf32, #tpu.memory_space<hbm>> -> memref<1000000x64xf32, #tpu.memory_space<hbm>>
    tpu.enqueue_indirect_dma source(%dma_start3A_22 : memref<1000000x64xf32, #tpu.memory_space<hbm>>) target(%arg8 : memref<128x64xf32, #tpu.memory_space<vmem>>) offsets(%dma_start3A_19 : memref<128xi32, #tpu.memory_space<vmem>>) semaphore(%arg12 : memref<!tpu.dma_semaphore, #tpu.memory_space<semaphore_mem>>)
    %dma_start3A_23 = arith.constant 3 : i32
    %dma_start3A_24 = arith.constant 0 : i32
    %dma_start3A_25 = tpu.memref_slice %arg5[%dma_start3A_23, %dma_start3A_24] : memref<200x128xi32, #tpu.memory_space<vmem>> -> memref<1x128xi32, #tpu.memory_space<vmem>>
    %dma_start3A_26 = tpu.memref_squeeze %dma_start3A_25 : memref<1x128xi32, #tpu.memory_space<vmem>> -> memref<128xi32, #tpu.memory_space<vmem>>
    %dma_start3A_27 = arith.constant 0 : i32
    %dma_start3A_28 = arith.constant 0 : i32
    %dma_start3A_29 = tpu.memref_slice %arg3[%dma_start3A_27, %dma_start3A_28] : memref<1000000x64xf32, #tpu.memory_space<hbm>> -> memref<1000000x64xf32, #tpu.memory_space<hbm>>
    tpu.enqueue_indirect_dma source(%dma_start3A_29 : memref<1000000x64xf32, #tpu.memory_space<hbm>>) target(%arg9 : memref<128x64xf32, #tpu.memory_space<vmem>>) offsets(%dma_start3A_26 : memref<128xi32, #tpu.memory_space<vmem>>) semaphore(%arg13 : memref<!tpu.dma_semaphore, #tpu.memory_space<semaphore_mem>>)
    %scan3A = arith.constant 0 : i32
    %scan3A_30 = arith.constant 0 : i32
    %scan3A_31 = arith.constant 50 : i32
    %scan3A_32 = arith.addi %scan3A_30, %scan3A_31 : i32
    %scan3A_33 = arith.constant 1 : i32
    scf.for %scan3A_58 = %scan3A_30 to %scan3A_32 step %scan3A_33  : i32 {
      %mul3A_59 = arith.constant 4 : i32
      %mul3A_60 = arith.muli %scan3A_58, %mul3A_59 : i32
      %add3A_61 = arith.constant 0 : i32
      %add3A_62 = arith.addi %mul3A_60, %add3A_61 : i32
      %dma_wait3A_63 = arith.constant 0 : i32
      %dma_wait3A_64 = tpu.memref_slice %arg5[%add3A_62, %dma_wait3A_63] : memref<200x128xi32, #tpu.memory_space<vmem>> -> memref<1x128xi32, #tpu.memory_space<vmem>>
      %dma_wait3A_65 = tpu.memref_squeeze %dma_wait3A_64 : memref<1x128xi32, #tpu.memory_space<vmem>> -> memref<128xi32, #tpu.memory_space<vmem>>
      %dma_wait3A_66 = arith.constant 0 : i32
      %dma_wait3A_67 = arith.constant 0 : i32
      %dma_wait3A_68 = tpu.memref_slice %arg3[%dma_wait3A_66, %dma_wait3A_67] : memref<1000000x64xf32, #tpu.memory_space<hbm>> -> memref<1000000x64xf32, #tpu.memory_space<hbm>>
      tpu.wait_indirect_dma semaphore(%arg10 : memref<!tpu.dma_semaphore, #tpu.memory_space<semaphore_mem>>) src(%dma_wait3A_68 : memref<1000000x64xf32, #tpu.memory_space<hbm>>) dst(%arg6 : memref<128x64xf32, #tpu.memory_space<vmem>>)
      %scan3A_69 = arith.constant 0 : i32
      %scan3A_70 = arith.constant 0 : i32
      %scan3A_71 = arith.constant 16 : i32
      %scan3A_72 = arith.addi %scan3A_70, %scan3A_71 : i32
      %scan3A_73 = arith.constant 1 : i32
      scf.for %scan3A_178 = %scan3A_70 to %scan3A_72 step %scan3A_73  : i32 {
        %mul3A_179 = arith.constant 8 : i32
        %mul3A_180 = arith.muli %scan3A_178, %mul3A_179 : i32
        %add3A_181 = arith.constant 0 : i32
        %add3A_182 = arith.addi %mul3A_180, %add3A_181 : i32
        %get3A = arith.index_cast %add3A_182 : i32 to index
        %get3A_183 = arith.constant 0 : index
        %get3A_184 = tpu.vector_load %arg6[%get3A, %get3A_183] {strides = array<i32>} : memref<128x64xf32, #tpu.memory_space<vmem>>, vector<1x16xf32>,
        %get3A_185 = vector.shape_cast %get3A_184 : vector<1x16xf32> to vector<16xf32>
        %mul3A_186 = arith.constant 8.000000e+00 : f32
        %mul3A_187 = vector.broadcast %mul3A_186 : f32 to vector<16xf32>
        %mul3A_188 = arith.mulf %get3A_185, %mul3A_187 : vector<16xf32>
        %swap3A = arith.index_cast %add3A_182 : i32 to index
        %swap3A_189 = arith.constant 0 : index
        %swap3A_190 = tpu.vector_load %arg6[%swap3A, %swap3A_189] {strides = array<i32>} : memref<128x64xf32, #tpu.memory_space<vmem>>, vector<1x16xf32>,
        %swap3A_191 = vector.shape_cast %swap3A_190 : vector<1x16xf32> to vector<16xf32>
        %swap3A_192 = vector.shape_cast %mul3A_188 : vector<16xf32> to vector<1x16xf32>
        tpu.vector_store %arg6[%swap3A, %swap3A_189], %swap3A_192 {strides = array<i32>} : memref<128x64xf32, #tpu.memory_space<vmem>>, vector<1x16xf32>,
        %get3A_193 = arith.index_cast %add3A_182 : i32 to index
        %get3A_194 = arith.constant 16 : index
        %get3A_195 = tpu.vector_load %arg6[%get3A_193, %get3A_194] {strides = array<i32>} : memref<128x64xf32, #tpu.memory_space<vmem>>, vector<1x16xf32>,
        %get3A_196 = vector.shape_cast %get3A_195 : vector<1x16xf32> to vector<16xf32>
        %mul3A_197 = arith.constant 8.000000e+00 : f32
        %mul3A_198 = vector.broadcast %mul3A_197 : f32 to vector<16xf32>
        %mul3A_199 = arith.mulf %get3A_196, %mul3A_198 : vector<16xf32>
        %swap3A_200 = arith.index_cast %add3A_182 : i32 to index
        %swap3A_201 = arith.constant 16 : index
        %swap3A_202 = tpu.vector_load %arg6[%swap3A_200, %swap3A_201] {strides = array<i32>} : memref<128x64xf32, #tpu.memory_space<vmem>>, vector<1x16xf32>,
        %swap3A_203 = vector.shape_cast %swap3A_202 : vector<1x16xf32> to vector<16xf32>
        %swap3A_204 = vector.shape_cast %mul3A_199 : vector<16xf32> to vector<1x16xf32>
        tpu.vector_store %arg6[%swap3A_200, %swap3A_201], %swap3A_204 {strides = array<i32>} : memref<128x64xf32, #tpu.memory_space<vmem>>, vector<1x16xf32>,
        %get3A_205 = arith.index_cast %add3A_182 : i32 to index
        %get3A_206 = arith.constant 32 : index
        %get3A_207 = tpu.vector_load %arg6[%get3A_205, %get3A_206] {strides = array<i32>} : memref<128x64xf32, #tpu.memory_space<vmem>>, vector<1x16xf32>,
        %get3A_208 = vector.shape_cast %get3A_207 : vector<1x16xf32> to vector<16xf32>
        %mul3A_209 = arith.constant 8.000000e+00 : f32
        %mul3A_210 = vector.broadcast %mul3A_209 : f32 to vector<16xf32>
        %mul3A_211 = arith.mulf %get3A_208, %mul3A_210 : vector<16xf32>
        %swap3A_212 = arith.index_cast %add3A_182 : i32 to index
        %swap3A_213 = arith.constant 32 : index
        %swap3A_214 = tpu.vector_load %arg6[%swap3A_212, %swap3A_213] {strides = array<i32>} : memref<128x64xf32, #tpu.memory_space<vmem>>, vector<1x16xf32>,
        %swap3A_215 = vector.shape_cast %swap3A_214 : vector<1x16xf32> to vector<16xf32>
        %swap3A_216 = vector.shape_cast %mul3A_211 : vector<16xf32> to vector<1x16xf32>
        tpu.vector_store %arg6[%swap3A_212, %swap3A_213], %swap3A_216 {strides = array<i32>} : memref<128x64xf32, #tpu.memory_space<vmem>>, vector<1x16xf32>,
        %get3A_217 = arith.index_cast %add3A_182 : i32 to index
        %get3A_218 = arith.constant 48 : index
        %get3A_219 = tpu.vector_load %arg6[%get3A_217, %get3A_218] {strides = array<i32>} : memref<128x64xf32, #tpu.memory_space<vmem>>, vector<1x16xf32>,
        %get3A_220 = vector.shape_cast %get3A_219 : vector<1x16xf32> to vector<16xf32>
        %mul3A_221 = arith.constant 8.000000e+00 : f32
        %mul3A_222 = vector.broadcast %mul3A_221 : f32 to vector<16xf32>
        %mul3A_223 = arith.mulf %get3A_220, %mul3A_222 : vector<16xf32>
        %swap3A_224 = arith.index_cast %add3A_182 : i32 to index
        %swap3A_225 = arith.constant 48 : index
        %swap3A_226 = tpu.vector_load %arg6[%swap3A_224, %swap3A_225] {strides = array<i32>} : memref<128x64xf32, #tpu.memory_space<vmem>>, vector<1x16xf32>,
        %swap3A_227 = vector.shape_cast %swap3A_226 : vector<1x16xf32> to vector<16xf32>
        %swap3A_228 = vector.shape_cast %mul3A_223 : vector<16xf32> to vector<1x16xf32>
        tpu.vector_store %arg6[%swap3A_224, %swap3A_225], %swap3A_228 {strides = array<i32>} : memref<128x64xf32, #tpu.memory_space<vmem>>, vector<1x16xf32>,
        %mul3A_229 = arith.constant 8 : i32
        %mul3A_230 = arith.muli %scan3A_178, %mul3A_229 : i32
        %add3A_231 = arith.constant 1 : i32
        %add3A_232 = arith.addi %mul3A_230, %add3A_231 : i32
        %get3A_233 = arith.index_cast %add3A_232 : i32 to index
        %get3A_234 = arith.constant 0 : index
        %get3A_235 = tpu.vector_load %arg6[%get3A_233, %get3A_234] {strides = array<i32>} : memref<128x64xf32, #tpu.memory_space<vmem>>, vector<1x16xf32>,
        %get3A_236 = vector.shape_cast %get3A_235 : vector<1x16xf32> to vector<16xf32>
        %mul3A_237 = arith.constant 8.000000e+00 : f32
        %mul3A_238 = vector.broadcast %mul3A_237 : f32 to vector<16xf32>
        %mul3A_239 = arith.mulf %get3A_236, %mul3A_238 : vector<16xf32>
        %swap3A_240 = arith.index_cast %add3A_232 : i32 to index
        %swap3A_241 = arith.constant 0 : index
        %swap3A_242 = tpu.vector_load %arg6[%swap3A_240, %swap3A_241] {strides = array<i32>} : memref<128x64xf32, #tpu.memory_space<vmem>>, vector<1x16xf32>,
        %swap3A_243 = vector.shape_cast %swap3A_242 : vector<1x16xf32> to vector<16xf32>
        %swap3A_244 = vector.shape_cast %mul3A_239 : vector<16xf32> to vector<1x16xf32>
        tpu.vector_store %arg6[%swap3A_240, %swap3A_241], %swap3A_244 {strides = array<i32>} : memref<128x64xf32, #tpu.memory_space<vmem>>, vector<1x16xf32>,
        %get3A_245 = arith.index_cast %add3A_232 : i32 to index
        %get3A_246 = arith.constant 16 : index
        %get3A_247 = tpu.vector_load %arg6[%get3A_245, %get3A_246] {strides = array<i32>} : memref<128x64xf32, #tpu.memory_space<vmem>>, vector<1x16xf32>,
        %get3A_248 = vector.shape_cast %get3A_247 : vector<1x16xf32> to vector<16xf32>
        %mul3A_249 = arith.constant 8.000000e+00 : f32
        %mul3A_250 = vector.broadcast %mul3A_249 : f32 to vector<16xf32>
        %mul3A_251 = arith.mulf %get3A_248, %mul3A_250 : vector<16xf32>
        %swap3A_252 = arith.index_cast %add3A_232 : i32 to index
        %swap3A_253 = arith.constant 16 : index
        %swap3A_254 = tpu.vector_load %arg6[%swap3A_252, %swap3A_253] {strides = array<i32>} : memref<128x64xf32, #tpu.memory_space<vmem>>, vector<1x16xf32>,
        %swap3A_255 = vector.shape_cast %swap3A_254 : vector<1x16xf32> to vector<16xf32>
        %swap3A_256 = vector.shape_cast %mul3A_251 : vector<16xf32> to vector<1x16xf32>
        tpu.vector_store %arg6[%swap3A_252, %swap3A_253], %swap3A_256 {strides = array<i32>} : memref<128x64xf32, #tpu.memory_space<vmem>>, vector<1x16xf32>,
        %get3A_257 = arith.index_cast %add3A_232 : i32 to index
        %get3A_258 = arith.constant 32 : index
        %get3A_259 = tpu.vector_load %arg6[%get3A_257, %get3A_258] {strides = array<i32>} : memref<128x64xf32, #tpu.memory_space<vmem>>, vector<1x16xf32>,
        %get3A_260 = vector.shape_cast %get3A_259 : vector<1x16xf32> to vector<16xf32>
        %mul3A_261 = arith.constant 8.000000e+00 : f32
        %mul3A_262 = vector.broadcast %mul3A_261 : f32 to vector<16xf32>
        %mul3A_263 = arith.mulf %get3A_260, %mul3A_262 : vector<16xf32>
        %swap3A_264 = arith.index_cast %add3A_232 : i32 to index
        %swap3A_265 = arith.constant 32 : index
        %swap3A_266 = tpu.vector_load %arg6[%swap3A_264, %swap3A_265] {strides = array<i32>} : memref<128x64xf32, #tpu.memory_space<vmem>>, vector<1x16xf32>,
        %swap3A_267 = vector.shape_cast %swap3A_266 : vector<1x16xf32> to vector<16xf32>
        %swap3A_268 = vector.shape_cast %mul3A_263 : vector<16xf32> to vector<1x16xf32>
        tpu.vector_store %arg6[%swap3A_264, %swap3A_265], %swap3A_268 {strides = array<i32>} : memref<128x64xf32, #tpu.memory_space<vmem>>, vector<1x16xf32>,
        %get3A_269 = arith.index_cast %add3A_232 : i32 to index
        %get3A_270 = arith.constant 48 : index
        %get3A_271 = tpu.vector_load %arg6[%get3A_269, %get3A_270] {strides = array<i32>} : memref<128x64xf32, #tpu.memory_space<vmem>>, vector<1x16xf32>,
        %get3A_272 = vector.shape_cast %get3A_271 : vector<1x16xf32> to vector<16xf32>
        %mul3A_273 = arith.constant 8.000000e+00 : f32
        %mul3A_274 = vector.broadcast %mul3A_273 : f32 to vector<16xf32>
        %mul3A_275 = arith.mulf %get3A_272, %mul3A_274 : vector<16xf32>
        %swap3A_276 = arith.index_cast %add3A_232 : i32 to index
        %swap3A_277 = arith.constant 48 : index
        %swap3A_278 = tpu.vector_load %arg6[%swap3A_276, %swap3A_277] {strides = array<i32>} : memref<128x64xf32, #tpu.memory_space<vmem>>, vector<1x16xf32>,
        %swap3A_279 = vector.shape_cast %swap3A_278 : vector<1x16xf32> to vector<16xf32>
        %swap3A_280 = vector.shape_cast %mul3A_275 : vector<16xf32> to vector<1x16xf32>
        tpu.vector_store %arg6[%swap3A_276, %swap3A_277], %swap3A_280 {strides = array<i32>} : memref<128x64xf32, #tpu.memory_space<vmem>>, vector<1x16xf32>,
        %mul3A_281 = arith.constant 8 : i32
        %mul3A_282 = arith.muli %scan3A_178, %mul3A_281 : i32
        %add3A_283 = arith.constant 2 : i32
        %add3A_284 = arith.addi %mul3A_282, %add3A_283 : i32
        %get3A_285 = arith.index_cast %add3A_284 : i32 to index
        %get3A_286 = arith.constant 0 : index
        %get3A_287 = tpu.vector_load %arg6[%get3A_285, %get3A_286] {strides = array<i32>} : memref<128x64xf32, #tpu.memory_space<vmem>>, vector<1x16xf32>,
        %get3A_288 = vector.shape_cast %get3A_287 : vector<1x16xf32> to vector<16xf32>
        %mul3A_289 = arith.constant 8.000000e+00 : f32
        %mul3A_290 = vector.broadcast %mul3A_289 : f32 to vector<16xf32>
        %mul3A_291 = arith.mulf %get3A_288, %mul3A_290 : vector<16xf32>
        %swap3A_292 = arith.index_cast %add3A_284 : i32 to index
        %swap3A_293 = arith.constant 0 : index
        %swap3A_294 = tpu.vector_load %arg6[%swap3A_292, %swap3A_293] {strides = array<i32>} : memref<128x64xf32, #tpu.memory_space<vmem>>, vector<1x16xf32>,
        %swap3A_295 = vector.shape_cast %swap3A_294 : vector<1x16xf32> to vector<16xf32>
        %swap3A_296 = vector.shape_cast %mul3A_291 : vector<16xf32> to vector<1x16xf32>
        tpu.vector_store %arg6[%swap3A_292, %swap3A_293], %swap3A_296 {strides = array<i32>} : memref<128x64xf32, #tpu.memory_space<vmem>>, vector<1x16xf32>,
        %get3A_297 = arith.index_cast %add3A_284 : i32 to index
        %get3A_298 = arith.constant 16 : index
        %get3A_299 = tpu.vector_load %arg6[%get3A_297, %get3A_298] {strides = array<i32>} : memref<128x64xf32, #tpu.memory_space<vmem>>, vector<1x16xf32>,
        %get3A_300 = vector.shape_cast %get3A_299 : vector<1x16xf32> to vector<16xf32>
        %mul3A_301 = arith.constant 8.000000e+00 : f32
        %mul3A_302 = vector.broadcast %mul3A_301 : f32 to vector<16xf32>
        %mul3A_303 = arith.mulf %get3A_300, %mul3A_302 : vector<16xf32>
        %swap3A_304 = arith.index_cast %add3A_284 : i32 to index
        %swap3A_305 = arith.constant 16 : index
        %swap3A_306 = tpu.vector_load %arg6[%swap3A_304, %swap3A_305] {strides = array<i32>} : memref<128x64xf32, #tpu.memory_space<vmem>>, vector<1x16xf32>,
        %swap3A_307 = vector.shape_cast %swap3A_306 : vector<1x16xf32> to vector<16xf32>
        %swap3A_308 = vector.shape_cast %mul3A_303 : vector<16xf32> to vector<1x16xf32>
        tpu.vector_store %arg6[%swap3A_304, %swap3A_305], %swap3A_308 {strides = array<i32>} : memref<128x64xf32, #tpu.memory_space<vmem>>, vector<1x16xf32>,
        %get3A_309 = arith.index_cast %add3A_284 : i32 to index
        %get3A_310 = arith.constant 32 : index
        %get3A_311 = tpu.vector_load %arg6[%get3A_309, %get3A_310] {strides = array<i32>} : memref<128x64xf32, #tpu.memory_space<vmem>>, vector<1x16xf32>,
        %get3A_312 = vector.shape_cast %get3A_311 : vector<1x16xf32> to vector<16xf32>
        %mul3A_313 = arith.constant 8.000000e+00 : f32
        %mul3A_314 = vector.broadcast %mul3A_313 : f32 to vector<16xf32>
        %mul3A_315 = arith.mulf %get3A_312, %mul3A_314 : vector<16xf32>
        %swap3A_316 = arith.index_cast %add3A_284 : i32 to index
        %swap3A_317 = arith.constant 32 : index
        %swap3A_318 = tpu.vector_load %arg6[%swap3A_316, %swap3A_317] {strides = array<i32>} : memref<128x64xf32, #tpu.memory_space<vmem>>, vector<1x16xf32>,
        %swap3A_319 = vector.shape_cast %swap3A_318 : vector<1x16xf32> to vector<16xf32>
        %swap3A_320 = vector.shape_cast %mul3A_315 : vector<16xf32> to vector<1x16xf32>
        tpu.vector_store %arg6[%swap3A_316, %swap3A_317], %swap3A_320 {strides = array<i32>} : memref<128x64xf32, #tpu.memory_space<vmem>>, vector<1x16xf32>,
        %get3A_321 = arith.index_cast %add3A_284 : i32 to index
        %get3A_322 = arith.constant 48 : index
        %get3A_323 = tpu.vector_load %arg6[%get3A_321, %get3A_322] {strides = array<i32>} : memref<128x64xf32, #tpu.memory_space<vmem>>, vector<1x16xf32>,
        %get3A_324 = vector.shape_cast %get3A_323 : vector<1x16xf32> to vector<16xf32>
        %mul3A_325 = arith.constant 8.000000e+00 : f32
        %mul3A_326 = vector.broadcast %mul3A_325 : f32 to vector<16xf32>
        %mul3A_327 = arith.mulf %get3A_324, %mul3A_326 : vector<16xf32>
        %swap3A_328 = arith.index_cast %add3A_284 : i32 to index
        %swap3A_329 = arith.constant 48 : index
        %swap3A_330 = tpu.vector_load %arg6[%swap3A_328, %swap3A_329] {strides = array<i32>} : memref<128x64xf32, #tpu.memory_space<vmem>>, vector<1x16xf32>,
        %swap3A_331 = vector.shape_cast %swap3A_330 : vector<1x16xf32> to vector<16xf32>
        %swap3A_332 = vector.shape_cast %mul3A_327 : vector<16xf32> to vector<1x16xf32>
        tpu.vector_store %arg6[%swap3A_328, %swap3A_329], %swap3A_332 {strides = array<i32>} : memref<128x64xf32, #tpu.memory_space<vmem>>, vector<1x16xf32>,
        %mul3A_333 = arith.constant 8 : i32
        %mul3A_334 = arith.muli %scan3A_178, %mul3A_333 : i32
        %add3A_335 = arith.constant 3 : i32
        %add3A_336 = arith.addi %mul3A_334, %add3A_335 : i32
        %get3A_337 = arith.index_cast %add3A_336 : i32 to index
        %get3A_338 = arith.constant 0 : index
        %get3A_339 = tpu.vector_load %arg6[%get3A_337, %get3A_338] {strides = array<i32>} : memref<128x64xf32, #tpu.memory_space<vmem>>, vector<1x16xf32>,
        %get3A_340 = vector.shape_cast %get3A_339 : vector<1x16xf32> to vector<16xf32>
        %mul3A_341 = arith.constant 8.000000e+00 : f32
        %mul3A_342 = vector.broadcast %mul3A_341 : f32 to vector<16xf32>
        %mul3A_343 = arith.mulf %get3A_340, %mul3A_342 : vector<16xf32>
        %swap3A_344 = arith.index_cast %add3A_336 : i32 to index
        %swap3A_345 = arith.constant 0 : index
        %swap3A_346 = tpu.vector_load %arg6[%swap3A_344, %swap3A_345] {strides = array<i32>} : memref<128x64xf32, #tpu.memory_space<vmem>>, vector<1x16xf32>,
        %swap3A_347 = vector.shape_cast %swap3A_346 : vector<1x16xf32> to vector<16xf32>
        %swap3A_348 = vector.shape_cast %mul3A_343 : vector<16xf32> to vector<1x16xf32>
        tpu.vector_store %arg6[%swap3A_344, %swap3A_345], %swap3A_348 {strides = array<i32>} : memref<128x64xf32, #tpu.memory_space<vmem>>, vector<1x16xf32>,
        %get3A_349 = arith.index_cast %add3A_336 : i32 to index
        %get3A_350 = arith.constant 16 : index
        %get3A_351 = tpu.vector_load %arg6[%get3A_349, %get3A_350] {strides = array<i32>} : memref<128x64xf32, #tpu.memory_space<vmem>>, vector<1x16xf32>,
        %get3A_352 = vector.shape_cast %get3A_351 : vector<1x16xf32> to vector<16xf32>
        %mul3A_353 = arith.constant 8.000000e+00 : f32
        %mul3A_354 = vector.broadcast %mul3A_353 : f32 to vector<16xf32>
        %mul3A_355 = arith.mulf %get3A_352, %mul3A_354 : vector<16xf32>
        %swap3A_356 = arith.index_cast %add3A_336 : i32 to index
        %swap3A_357 = arith.constant 16 : index
        %swap3A_358 = tpu.vector_load %arg6[%swap3A_356, %swap3A_357] {strides = array<i32>} : memref<128x64xf32, #tpu.memory_space<vmem>>, vector<1x16xf32>,
        %swap3A_359 = vector.shape_cast %swap3A_358 : vector<1x16xf32> to vector<16xf32>
        %swap3A_360 = vector.shape_cast %mul3A_355 : vector<16xf32> to vector<1x16xf32>
        tpu.vector_store %arg6[%swap3A_356, %swap3A_357], %swap3A_360 {strides = array<i32>} : memref<128x64xf32, #tpu.memory_space<vmem>>, vector<1x16xf32>,
        %get3A_361 = arith.index_cast %add3A_336 : i32 to index
        %get3A_362 = arith.constant 32 : index
        %get3A_363 = tpu.vector_load %arg6[%get3A_361, %get3A_362] {strides = array<i32>} : memref<128x64xf32, #tpu.memory_space<vmem>>, vector<1x16xf32>,
        %get3A_364 = vector.shape_cast %get3A_363 : vector<1x16xf32> to vector<16xf32>
        %mul3A_365 = arith.constant 8.000000e+00 : f32
        %mul3A_366 = vector.broadcast %mul3A_365 : f32 to vector<16xf32>
        %mul3A_367 = arith.mulf %get3A_364, %mul3A_366 : vector<16xf32>
        %swap3A_368 = arith.index_cast %add3A_336 : i32 to index
        %swap3A_369 = arith.constant 32 : index
        %swap3A_370 = tpu.vector_load %arg6[%swap3A_368, %swap3A_369] {strides = array<i32>} : memref<128x64xf32, #tpu.memory_space<vmem>>, vector<1x16xf32>,
        %swap3A_371 = vector.shape_cast %swap3A_370 : vector<1x16xf32> to vector<16xf32>
        %swap3A_372 = vector.shape_cast %mul3A_367 : vector<16xf32> to vector<1x16xf32>
        tpu.vector_store %arg6[%swap3A_368, %swap3A_369], %swap3A_372 {strides = array<i32>} : memref<128x64xf32, #tpu.memory_space<vmem>>, vector<1x16xf32>,
        %get3A_373 = arith.index_cast %add3A_336 : i32 to index
        %get3A_374 = arith.constant 48 : index
        %get3A_375 = tpu.vector_load %arg6[%get3A_373, %get3A_374] {strides = array<i32>} : memref<128x64xf32, #tpu.memory_space<vmem>>, vector<1x16xf32>,
        %get3A_376 = vector.shape_cast %get3A_375 : vector<1x16xf32> to vector<16xf32>
        %mul3A_377 = arith.constant 8.000000e+00 : f32
        %mul3A_378 = vector.broadcast %mul3A_377 : f32 to vector<16xf32>
        %mul3A_379 = arith.mulf %get3A_376, %mul3A_378 : vector<16xf32>
        %swap3A_380 = arith.index_cast %add3A_336 : i32 to index
        %swap3A_381 = arith.constant 48 : index
        %swap3A_382 = tpu.vector_load %arg6[%swap3A_380, %swap3A_381] {strides = array<i32>} : memref<128x64xf32, #tpu.memory_space<vmem>>, vector<1x16xf32>,
        %swap3A_383 = vector.shape_cast %swap3A_382 : vector<1x16xf32> to vector<16xf32>
        %swap3A_384 = vector.shape_cast %mul3A_379 : vector<16xf32> to vector<1x16xf32>
        tpu.vector_store %arg6[%swap3A_380, %swap3A_381], %swap3A_384 {strides = array<i32>} : memref<128x64xf32, #tpu.memory_space<vmem>>, vector<1x16xf32>,
        %mul3A_385 = arith.constant 8 : i32
        %mul3A_386 = arith.muli %scan3A_178, %mul3A_385 : i32
        %add3A_387 = arith.constant 4 : i32
        %add3A_388 = arith.addi %mul3A_386, %add3A_387 : i32
        %get3A_389 = arith.index_cast %add3A_388 : i32 to index
        %get3A_390 = arith.constant 0 : index
        %get3A_391 = tpu.vector_load %arg6[%get3A_389, %get3A_390] {strides = array<i32>} : memref<128x64xf32, #tpu.memory_space<vmem>>, vector<1x16xf32>,
        %get3A_392 = vector.shape_cast %get3A_391 : vector<1x16xf32> to vector<16xf32>
        %mul3A_393 = arith.constant 8.000000e+00 : f32
        %mul3A_394 = vector.broadcast %mul3A_393 : f32 to vector<16xf32>
        %mul3A_395 = arith.mulf %get3A_392, %mul3A_394 : vector<16xf32>
        %swap3A_396 = arith.index_cast %add3A_388 : i32 to index
        %swap3A_397 = arith.constant 0 : index
        %swap3A_398 = tpu.vector_load %arg6[%swap3A_396, %swap3A_397] {strides = array<i32>} : memref<128x64xf32, #tpu.memory_space<vmem>>, vector<1x16xf32>,
        %swap3A_399 = vector.shape_cast %swap3A_398 : vector<1x16xf32> to vector<16xf32>
        %swap3A_400 = vector.shape_cast %mul3A_395 : vector<16xf32> to vector<1x16xf32>
        tpu.vector_store %arg6[%swap3A_396, %swap3A_397], %swap3A_400 {strides = array<i32>} : memref<128x64xf32, #tpu.memory_space<vmem>>, vector<1x16xf32>,
        %get3A_401 = arith.index_cast %add3A_388 : i32 to index
        %get3A_402 = arith.constant 16 : index
        %get3A_403 = tpu.vector_load %arg6[%get3A_401, %get3A_402] {strides = array<i32>} : memref<128x64xf32, #tpu.memory_space<vmem>>, vector<1x16xf32>,
        %get3A_404 = vector.shape_cast %get3A_403 : vector<1x16xf32> to vector<16xf32>
        %mul3A_405 = arith.constant 8.000000e+00 : f32
        %mul3A_406 = vector.broadcast %mul3A_405 : f32 to vector<16xf32>
        %mul3A_407 = arith.mulf %get3A_404, %mul3A_406 : vector<16xf32>
        %swap3A_408 = arith.index_cast %add3A_388 : i32 to index
        %swap3A_409 = arith.constant 16 : index
        %swap3A_410 = tpu.vector_load %arg6[%swap3A_408, %swap3A_409] {strides = array<i32>} : memref<128x64xf32, #tpu.memory_space<vmem>>, vector<1x16xf32>,
        %swap3A_411 = vector.shape_cast %swap3A_410 : vector<1x16xf32> to vector<16xf32>
        %swap3A_412 = vector.shape_cast %mul3A_407 : vector<16xf32> to vector<1x16xf32>
        tpu.vector_store %arg6[%swap3A_408, %swap3A_409], %swap3A_412 {strides = array<i32>} : memref<128x64xf32, #tpu.memory_space<vmem>>, vector<1x16xf32>,
        %get3A_413 = arith.index_cast %add3A_388 : i32 to index
        %get3A_414 = arith.constant 32 : index
        %get3A_415 = tpu.vector_load %arg6[%get3A_413, %get3A_414] {strides = array<i32>} : memref<128x64xf32, #tpu.memory_space<vmem>>, vector<1x16xf32>,
        %get3A_416 = vector.shape_cast %get3A_415 : vector<1x16xf32> to vector<16xf32>
        %mul3A_417 = arith.constant 8.000000e+00 : f32
        %mul3A_418 = vector.broadcast %mul3A_417 : f32 to vector<16xf32>
        %mul3A_419 = arith.mulf %get3A_416, %mul3A_418 : vector<16xf32>
        %swap3A_420 = arith.index_cast %add3A_388 : i32 to index
        %swap3A_421 = arith.constant 32 : index
        %swap3A_422 = tpu.vector_load %arg6[%swap3A_420, %swap3A_421] {strides = array<i32>} : memref<128x64xf32, #tpu.memory_space<vmem>>, vector<1x16xf32>,
        %swap3A_423 = vector.shape_cast %swap3A_422 : vector<1x16xf32> to vector<16xf32>
        %swap3A_424 = vector.shape_cast %mul3A_419 : vector<16xf32> to vector<1x16xf32>
        tpu.vector_store %arg6[%swap3A_420, %swap3A_421], %swap3A_424 {strides = array<i32>} : memref<128x64xf32, #tpu.memory_space<vmem>>, vector<1x16xf32>,
        %get3A_425 = arith.index_cast %add3A_388 : i32 to index
        %get3A_426 = arith.constant 48 : index
        %get3A_427 = tpu.vector_load %arg6[%get3A_425, %get3A_426] {strides = array<i32>} : memref<128x64xf32, #tpu.memory_space<vmem>>, vector<1x16xf32>,
        %get3A_428 = vector.shape_cast %get3A_427 : vector<1x16xf32> to vector<16xf32>
        %mul3A_429 = arith.constant 8.000000e+00 : f32
        %mul3A_430 = vector.broadcast %mul3A_429 : f32 to vector<16xf32>
        %mul3A_431 = arith.mulf %get3A_428, %mul3A_430 : vector<16xf32>
        %swap3A_432 = arith.index_cast %add3A_388 : i32 to index
        %swap3A_433 = arith.constant 48 : index
        %swap3A_434 = tpu.vector_load %arg6[%swap3A_432, %swap3A_433] {strides = array<i32>} : memref<128x64xf32, #tpu.memory_space<vmem>>, vector<1x16xf32>,
        %swap3A_435 = vector.shape_cast %swap3A_434 : vector<1x16xf32> to vector<16xf32>
        %swap3A_436 = vector.shape_cast %mul3A_431 : vector<16xf32> to vector<1x16xf32>
        tpu.vector_store %arg6[%swap3A_432, %swap3A_433], %swap3A_436 {strides = array<i32>} : memref<128x64xf32, #tpu.memory_space<vmem>>, vector<1x16xf32>,
        %mul3A_437 = arith.constant 8 : i32
        %mul3A_438 = arith.muli %scan3A_178, %mul3A_437 : i32
        %add3A_439 = arith.constant 5 : i32
        %add3A_440 = arith.addi %mul3A_438, %add3A_439 : i32
        %get3A_441 = arith.index_cast %add3A_440 : i32 to index
        %get3A_442 = arith.constant 0 : index
        %get3A_443 = tpu.vector_load %arg6[%get3A_441, %get3A_442] {strides = array<i32>} : memref<128x64xf32, #tpu.memory_space<vmem>>, vector<1x16xf32>,
        %get3A_444 = vector.shape_cast %get3A_443 : vector<1x16xf32> to vector<16xf32>
        %mul3A_445 = arith.constant 8.000000e+00 : f32
        %mul3A_446 = vector.broadcast %mul3A_445 : f32 to vector<16xf32>
        %mul3A_447 = arith.mulf %get3A_444, %mul3A_446 : vector<16xf32>
        %swap3A_448 = arith.index_cast %add3A_440 : i32 to index
        %swap3A_449 = arith.constant 0 : index
        %swap3A_450 = tpu.vector_load %arg6[%swap3A_448, %swap3A_449] {strides = array<i32>} : memref<128x64xf32, #tpu.memory_space<vmem>>, vector<1x16xf32>,
        %swap3A_451 = vector.shape_cast %swap3A_450 : vector<1x16xf32> to vector<16xf32>
        %swap3A_452 = vector.shape_cast %mul3A_447 : vector<16xf32> to vector<1x16xf32>
        tpu.vector_store %arg6[%swap3A_448, %swap3A_449], %swap3A_452 {strides = array<i32>} : memref<128x64xf32, #tpu.memory_space<vmem>>, vector<1x16xf32>,
        %get3A_453 = arith.index_cast %add3A_440 : i32 to index
        %get3A_454 = arith.constant 16 : index
        %get3A_455 = tpu.vector_load %arg6[%get3A_453, %get3A_454] {strides = array<i32>} : memref<128x64xf32, #tpu.memory_space<vmem>>, vector<1x16xf32>,
        %get3A_456 = vector.shape_cast %get3A_455 : vector<1x16xf32> to vector<16xf32>
        %mul3A_457 = arith.constant 8.000000e+00 : f32
        %mul3A_458 = vector.broadcast %mul3A_457 : f32 to vector<16xf32>
        %mul3A_459 = arith.mulf %get3A_456, %mul3A_458 : vector<16xf32>
        %swap3A_460 = arith.index_cast %add3A_440 : i32 to index
        %swap3A_461 = arith.constant 16 : index
        %swap3A_462 = tpu.vector_load %arg6[%swap3A_460, %swap3A_461] {strides = array<i32>} : memref<128x64xf32, #tpu.memory_space<vmem>>, vector<1x16xf32>,
        %swap3A_463 = vector.shape_cast %swap3A_462 : vector<1x16xf32> to vector<16xf32>
        %swap3A_464 = vector.shape_cast %mul3A_459 : vector<16xf32> to vector<1x16xf32>
        tpu.vector_store %arg6[%swap3A_460, %swap3A_461], %swap3A_464 {strides = array<i32>} : memref<128x64xf32, #tpu.memory_space<vmem>>, vector<1x16xf32>,
        %get3A_465 = arith.index_cast %add3A_440 : i32 to index
        %get3A_466 = arith.constant 32 : index
        %get3A_467 = tpu.vector_load %arg6[%get3A_465, %get3A_466] {strides = array<i32>} : memref<128x64xf32, #tpu.memory_space<vmem>>, vector<1x16xf32>,
        %get3A_468 = vector.shape_cast %get3A_467 : vector<1x16xf32> to vector<16xf32>
        %mul3A_469 = arith.constant 8.000000e+00 : f32
        %mul3A_470 = vector.broadcast %mul3A_469 : f32 to vector<16xf32>
        %mul3A_471 = arith.mulf %get3A_468, %mul3A_470 : vector<16xf32>
        %swap3A_472 = arith.index_cast %add3A_440 : i32 to index
        %swap3A_473 = arith.constant 32 : index
        %swap3A_474 = tpu.vector_load %arg6[%swap3A_472, %swap3A_473] {strides = array<i32>} : memref<128x64xf32, #tpu.memory_space<vmem>>, vector<1x16xf32>,
        %swap3A_475 = vector.shape_cast %swap3A_474 : vector<1x16xf32> to vector<16xf32>
        %swap3A_476 = vector.shape_cast %mul3A_471 : vector<16xf32> to vector<1x16xf32>
        tpu.vector_store %arg6[%swap3A_472, %swap3A_473], %swap3A_476 {strides = array<i32>} : memref<128x64xf32, #tpu.memory_space<vmem>>, vector<1x16xf32>,
        %get3A_477 = arith.index_cast %add3A_440 : i32 to index
        %get3A_478 = arith.constant 48 : index
        %get3A_479 = tpu.vector_load %arg6[%get3A_477, %get3A_478] {strides = array<i32>} : memref<128x64xf32, #tpu.memory_space<vmem>>, vector<1x16xf32>,
        %get3A_480 = vector.shape_cast %get3A_479 : vector<1x16xf32> to vector<16xf32>
        %mul3A_481 = arith.constant 8.000000e+00 : f32
        %mul3A_482 = vector.broadcast %mul3A_481 : f32 to vector<16xf32>
        %mul3A_483 = arith.mulf %get3A_480, %mul3A_482 : vector<16xf32>
        %swap3A_484 = arith.index_cast %add3A_440 : i32 to index
        %swap3A_485 = arith.constant 48 : index
        %swap3A_486 = tpu.vector_load %arg6[%swap3A_484, %swap3A_485] {strides = array<i32>} : memref<128x64xf32, #tpu.memory_space<vmem>>, vector<1x16xf32>,
        %swap3A_487 = vector.shape_cast %swap3A_486 : vector<1x16xf32> to vector<16xf32>
        %swap3A_488 = vector.shape_cast %mul3A_483 : vector<16xf32> to vector<1x16xf32>
        tpu.vector_store %arg6[%swap3A_484, %swap3A_485], %swap3A_488 {strides = array<i32>} : memref<128x64xf32, #tpu.memory_space<vmem>>, vector<1x16xf32>,
        %mul3A_489 = arith.constant 8 : i32
        %mul3A_490 = arith.muli %scan3A_178, %mul3A_489 : i32
        %add3A_491 = arith.constant 6 : i32
        %add3A_492 = arith.addi %mul3A_490, %add3A_491 : i32
        %get3A_493 = arith.index_cast %add3A_492 : i32 to index
        %get3A_494 = arith.constant 0 : index
        %get3A_495 = tpu.vector_load %arg6[%get3A_493, %get3A_494] {strides = array<i32>} : memref<128x64xf32, #tpu.memory_space<vmem>>, vector<1x16xf32>,
        %get3A_496 = vector.shape_cast %get3A_495 : vector<1x16xf32> to vector<16xf32>
        %mul3A_497 = arith.constant 8.000000e+00 : f32
        %mul3A_498 = vector.broadcast %mul3A_497 : f32 to vector<16xf32>
        %mul3A_499 = arith.mulf %get3A_496, %mul3A_498 : vector<16xf32>
        %swap3A_500 = arith.index_cast %add3A_492 : i32 to index
        %swap3A_501 = arith.constant 0 : index
        %swap3A_502 = tpu.vector_load %arg6[%swap3A_500, %swap3A_501] {strides = array<i32>} : memref<128x64xf32, #tpu.memory_space<vmem>>, vector<1x16xf32>,
        %swap3A_503 = vector.shape_cast %swap3A_502 : vector<1x16xf32> to vector<16xf32>
        %swap3A_504 = vector.shape_cast %mul3A_499 : vector<16xf32> to vector<1x16xf32>
        tpu.vector_store %arg6[%swap3A_500, %swap3A_501], %swap3A_504 {strides = array<i32>} : memref<128x64xf32, #tpu.memory_space<vmem>>, vector<1x16xf32>,
        %get3A_505 = arith.index_cast %add3A_492 : i32 to index
        %get3A_506 = arith.constant 16 : index
        %get3A_507 = tpu.vector_load %arg6[%get3A_505, %get3A_506] {strides = array<i32>} : memref<128x64xf32, #tpu.memory_space<vmem>>, vector<1x16xf32>,
        %get3A_508 = vector.shape_cast %get3A_507 : vector<1x16xf32> to vector<16xf32>
        %mul3A_509 = arith.constant 8.000000e+00 : f32
        %mul3A_510 = vector.broadcast %mul3A_509 : f32 to vector<16xf32>
        %mul3A_511 = arith.mulf %get3A_508, %mul3A_510 : vector<16xf32>
        %swap3A_512 = arith.index_cast %add3A_492 : i32 to index
        %swap3A_513 = arith.constant 16 : index
        %swap3A_514 = tpu.vector_load %arg6[%swap3A_512, %swap3A_513] {strides = array<i32>} : memref<128x64xf32, #tpu.memory_space<vmem>>, vector<1x16xf32>,
        %swap3A_515 = vector.shape_cast %swap3A_514 : vector<1x16xf32> to vector<16xf32>
        %swap3A_516 = vector.shape_cast %mul3A_511 : vector<16xf32> to vector<1x16xf32>
        tpu.vector_store %arg6[%swap3A_512, %swap3A_513], %swap3A_516 {strides = array<i32>} : memref<128x64xf32, #tpu.memory_space<vmem>>, vector<1x16xf32>,
        %get3A_517 = arith.index_cast %add3A_492 : i32 to index
        %get3A_518 = arith.constant 32 : index
        %get3A_519 = tpu.vector_load %arg6[%get3A_517, %get3A_518] {strides = array<i32>} : memref<128x64xf32, #tpu.memory_space<vmem>>, vector<1x16xf32>,
        %get3A_520 = vector.shape_cast %get3A_519 : vector<1x16xf32> to vector<16xf32>
        %mul3A_521 = arith.constant 8.000000e+00 : f32
        %mul3A_522 = vector.broadcast %mul3A_521 : f32 to vector<16xf32>
        %mul3A_523 = arith.mulf %get3A_520, %mul3A_522 : vector<16xf32>
        %swap3A_524 = arith.index_cast %add3A_492 : i32 to index
        %swap3A_525 = arith.constant 32 : index
        %swap3A_526 = tpu.vector_load %arg6[%swap3A_524, %swap3A_525] {strides = array<i32>} : memref<128x64xf32, #tpu.memory_space<vmem>>, vector<1x16xf32>,
        %swap3A_527 = vector.shape_cast %swap3A_526 : vector<1x16xf32> to vector<16xf32>
        %swap3A_528 = vector.shape_cast %mul3A_523 : vector<16xf32> to vector<1x16xf32>
        tpu.vector_store %arg6[%swap3A_524, %swap3A_525], %swap3A_528 {strides = array<i32>} : memref<128x64xf32, #tpu.memory_space<vmem>>, vector<1x16xf32>,
        %get3A_529 = arith.index_cast %add3A_492 : i32 to index
        %get3A_530 = arith.constant 48 : index
        %get3A_531 = tpu.vector_load %arg6[%get3A_529, %get3A_530] {strides = array<i32>} : memref<128x64xf32, #tpu.memory_space<vmem>>, vector<1x16xf32>,
        %get3A_532 = vector.shape_cast %get3A_531 : vector<1x16xf32> to vector<16xf32>
        %mul3A_533 = arith.constant 8.000000e+00 : f32
        %mul3A_534 = vector.broadcast %mul3A_533 : f32 to vector<16xf32>
        %mul3A_535 = arith.mulf %get3A_532, %mul3A_534 : vector<16xf32>
        %swap3A_536 = arith.index_cast %add3A_492 : i32 to index
        %swap3A_537 = arith.constant 48 : index
        %swap3A_538 = tpu.vector_load %arg6[%swap3A_536, %swap3A_537] {strides = array<i32>} : memref<128x64xf32, #tpu.memory_space<vmem>>, vector<1x16xf32>,
        %swap3A_539 = vector.shape_cast %swap3A_538 : vector<1x16xf32> to vector<16xf32>
        %swap3A_540 = vector.shape_cast %mul3A_535 : vector<16xf32> to vector<1x16xf32>
        tpu.vector_store %arg6[%swap3A_536, %swap3A_537], %swap3A_540 {strides = array<i32>} : memref<128x64xf32, #tpu.memory_space<vmem>>, vector<1x16xf32>,
        %mul3A_541 = arith.constant 8 : i32
        %mul3A_542 = arith.muli %scan3A_178, %mul3A_541 : i32
        %add3A_543 = arith.constant 7 : i32
        %add3A_544 = arith.addi %mul3A_542, %add3A_543 : i32
        %get3A_545 = arith.index_cast %add3A_544 : i32 to index
        %get3A_546 = arith.constant 0 : index
        %get3A_547 = tpu.vector_load %arg6[%get3A_545, %get3A_546] {strides = array<i32>} : memref<128x64xf32, #tpu.memory_space<vmem>>, vector<1x16xf32>,
        %get3A_548 = vector.shape_cast %get3A_547 : vector<1x16xf32> to vector<16xf32>
        %mul3A_549 = arith.constant 8.000000e+00 : f32
        %mul3A_550 = vector.broadcast %mul3A_549 : f32 to vector<16xf32>
        %mul3A_551 = arith.mulf %get3A_548, %mul3A_550 : vector<16xf32>
        %swap3A_552 = arith.index_cast %add3A_544 : i32 to index
        %swap3A_553 = arith.constant 0 : index
        %swap3A_554 = tpu.vector_load %arg6[%swap3A_552, %swap3A_553] {strides = array<i32>} : memref<128x64xf32, #tpu.memory_space<vmem>>, vector<1x16xf32>,
        %swap3A_555 = vector.shape_cast %swap3A_554 : vector<1x16xf32> to vector<16xf32>
        %swap3A_556 = vector.shape_cast %mul3A_551 : vector<16xf32> to vector<1x16xf32>
        tpu.vector_store %arg6[%swap3A_552, %swap3A_553], %swap3A_556 {strides = array<i32>} : memref<128x64xf32, #tpu.memory_space<vmem>>, vector<1x16xf32>,
        %get3A_557 = arith.index_cast %add3A_544 : i32 to index
        %get3A_558 = arith.constant 16 : index
        %get3A_559 = tpu.vector_load %arg6[%get3A_557, %get3A_558] {strides = array<i32>} : memref<128x64xf32, #tpu.memory_space<vmem>>, vector<1x16xf32>,
        %get3A_560 = vector.shape_cast %get3A_559 : vector<1x16xf32> to vector<16xf32>
        %mul3A_561 = arith.constant 8.000000e+00 : f32
        %mul3A_562 = vector.broadcast %mul3A_561 : f32 to vector<16xf32>
        %mul3A_563 = arith.mulf %get3A_560, %mul3A_562 : vector<16xf32>
        %swap3A_564 = arith.index_cast %add3A_544 : i32 to index
        %swap3A_565 = arith.constant 16 : index
        %swap3A_566 = tpu.vector_load %arg6[%swap3A_564, %swap3A_565] {strides = array<i32>} : memref<128x64xf32, #tpu.memory_space<vmem>>, vector<1x16xf32>,
        %swap3A_567 = vector.shape_cast %swap3A_566 : vector<1x16xf32> to vector<16xf32>
        %swap3A_568 = vector.shape_cast %mul3A_563 : vector<16xf32> to vector<1x16xf32>
        tpu.vector_store %arg6[%swap3A_564, %swap3A_565], %swap3A_568 {strides = array<i32>} : memref<128x64xf32, #tpu.memory_space<vmem>>, vector<1x16xf32>,
        %get3A_569 = arith.index_cast %add3A_544 : i32 to index
        %get3A_570 = arith.constant 32 : index
        %get3A_571 = tpu.vector_load %arg6[%get3A_569, %get3A_570] {strides = array<i32>} : memref<128x64xf32, #tpu.memory_space<vmem>>, vector<1x16xf32>,
        %get3A_572 = vector.shape_cast %get3A_571 : vector<1x16xf32> to vector<16xf32>
        %mul3A_573 = arith.constant 8.000000e+00 : f32
        %mul3A_574 = vector.broadcast %mul3A_573 : f32 to vector<16xf32>
        %mul3A_575 = arith.mulf %get3A_572, %mul3A_574 : vector<16xf32>
        %swap3A_576 = arith.index_cast %add3A_544 : i32 to index
        %swap3A_577 = arith.constant 32 : index
        %swap3A_578 = tpu.vector_load %arg6[%swap3A_576, %swap3A_577] {strides = array<i32>} : memref<128x64xf32, #tpu.memory_space<vmem>>, vector<1x16xf32>,
        %swap3A_579 = vector.shape_cast %swap3A_578 : vector<1x16xf32> to vector<16xf32>
        %swap3A_580 = vector.shape_cast %mul3A_575 : vector<16xf32> to vector<1x16xf32>
        tpu.vector_store %arg6[%swap3A_576, %swap3A_577], %swap3A_580 {strides = array<i32>} : memref<128x64xf32, #tpu.memory_space<vmem>>, vector<1x16xf32>,
        %get3A_581 = arith.index_cast %add3A_544 : i32 to index
        %get3A_582 = arith.constant 48 : index
        %get3A_583 = tpu.vector_load %arg6[%get3A_581, %get3A_582] {strides = array<i32>} : memref<128x64xf32, #tpu.memory_space<vmem>>, vector<1x16xf32>,
        %get3A_584 = vector.shape_cast %get3A_583 : vector<1x16xf32> to vector<16xf32>
        %mul3A_585 = arith.constant 8.000000e+00 : f32
        %mul3A_586 = vector.broadcast %mul3A_585 : f32 to vector<16xf32>
        %mul3A_587 = arith.mulf %get3A_584, %mul3A_586 : vector<16xf32>
        %swap3A_588 = arith.index_cast %add3A_544 : i32 to index
        %swap3A_589 = arith.constant 48 : index
        %swap3A_590 = tpu.vector_load %arg6[%swap3A_588, %swap3A_589] {strides = array<i32>} : memref<128x64xf32, #tpu.memory_space<vmem>>, vector<1x16xf32>,
        %swap3A_591 = vector.shape_cast %swap3A_590 : vector<1x16xf32> to vector<16xf32>
        %swap3A_592 = vector.shape_cast %mul3A_587 : vector<16xf32> to vector<1x16xf32>
        tpu.vector_store %arg6[%swap3A_588, %swap3A_589], %swap3A_592 {strides = array<i32>} : memref<128x64xf32, #tpu.memory_space<vmem>>, vector<1x16xf32>,
      }
      %scan3A_74 = arith.constant 16 : i32
      %mul3A_75 = arith.constant 128 : i32
      %mul3A_76 = arith.muli %add3A_62, %mul3A_75 : i32
      %add3A_77 = arith.addi %mul3A_2, %mul3A_76 : i32
      %dma_start3A_78 = arith.constant 0 : i32
      %dma_start3A_79 = tpu.memref_slice %arg4[%add3A_77, %dma_start3A_78] : memref<819200x64xf32, #tpu.memory_space<hbm>> -> memref<128x64xf32, #tpu.memory_space<hbm>>
      %dma_start3A_80 = arith.constant 0 : i32
      %dma_start3A_81 = tpu.memref_slice %arg4[%add3A_77, %dma_start3A_80] : memref<819200x64xf32, #tpu.memory_space<hbm>> -> memref<128x64xf32, #tpu.memory_space<hbm>>
      tpu.enqueue_dma source(%arg6 : memref<128x64xf32, #tpu.memory_space<vmem>>) target(%dma_start3A_81 : memref<128x64xf32, #tpu.memory_space<hbm>>) target_semaphore(%arg14 : memref<!tpu.dma_semaphore, #tpu.memory_space<semaphore_mem>>)
      %ge3A = arith.constant 2 : i32
      %ge3A_82 = arith.cmpi sge, %add3A_62, %ge3A : i32
      %le3A = arith.constant 197 : i32
      %le3A_83 = arith.cmpi sle, %add3A_62, %le3A : i32
      %and3A = arith.andi %ge3A_82, %le3A_83 : i1
      %convert_element_type3A = arith.extui %and3A : i1 to i32
      %cond3A = arith.constant 0 : i32
      %cond3A_84 = arith.cmpi ne, %convert_element_type3A, %cond3A : i32
      scf.if %cond3A_84 {
        %sub3A = arith.constant 2 : i32
        %sub3A_178 = arith.subi %add3A_62, %sub3A : i32
        %mul3A_179 = arith.constant 128 : i32
        %mul3A_180 = arith.muli %sub3A_178, %mul3A_179 : i32
        %add3A_181 = arith.addi %mul3A_2, %mul3A_180 : i32
        %dma_wait3A_182 = arith.constant 0 : i32
        %dma_wait3A_183 = tpu.memref_slice %arg4[%add3A_181, %dma_wait3A_182] : memref<819200x64xf32, #tpu.memory_space<hbm>> -> memref<128x64xf32, #tpu.memory_space<hbm>>
        %dma_wait3A_184 = arith.constant 0 : i32
        %dma_wait3A_185 = tpu.memref_slice %arg4[%add3A_181, %dma_wait3A_184] : memref<819200x64xf32, #tpu.memory_space<hbm>> -> memref<128x64xf32, #tpu.memory_space<hbm>>
        tpu.wait_dma2 semaphore(%arg16 : memref<!tpu.dma_semaphore, #tpu.memory_space<semaphore_mem>>) src(%arg8 : memref<128x64xf32, #tpu.memory_space<vmem>>) dst(%dma_wait3A_185 : memref<128x64xf32, #tpu.memory_space<hbm>>)
        %add3A_186 = arith.constant 2 : i32
        %add3A_187 = arith.addi %add3A_62, %add3A_186 : i32
        %dma_start3A_188 = arith.constant 0 : i32
        %dma_start3A_189 = tpu.memref_slice %arg5[%add3A_187, %dma_start3A_188] : memref<200x128xi32, #tpu.memory_space<vmem>> -> memref<1x128xi32, #tpu.memory_space<vmem>>
        %dma_start3A_190 = tpu.memref_squeeze %dma_start3A_189 : memref<1x128xi32, #tpu.memory_space<vmem>> -> memref<128xi32, #tpu.memory_space<vmem>>
        %dma_start3A_191 = arith.constant 0 : i32
        %dma_start3A_192 = arith.constant 0 : i32
        %dma_start3A_193 = tpu.memref_slice %arg3[%dma_start3A_191, %dma_start3A_192] : memref<1000000x64xf32, #tpu.memory_space<hbm>> -> memref<1000000x64xf32, #tpu.memory_space<hbm>>
        tpu.enqueue_indirect_dma source(%dma_start3A_193 : memref<1000000x64xf32, #tpu.memory_space<hbm>>) target(%arg8 : memref<128x64xf32, #tpu.memory_space<vmem>>) offsets(%dma_start3A_190 : memref<128xi32, #tpu.memory_space<vmem>>) semaphore(%arg12 : memref<!tpu.dma_semaphore, #tpu.memory_space<semaphore_mem>>)
      } else {
      }
      %mul3A_85 = arith.constant 4 : i32
      %mul3A_86 = arith.muli %scan3A_58, %mul3A_85 : i32
      %add3A_87 = arith.constant 1 : i32
      %add3A_88 = arith.addi %mul3A_86, %add3A_87 : i32
      %dma_wait3A_89 = arith.constant 0 : i32
      %dma_wait3A_90 = tpu.memref_slice %arg5[%add3A_88, %dma_wait3A_89] : memref<200x128xi32, #tpu.memory_space<vmem>> -> memref<1x128xi32, #tpu.memory_space<vmem>>
      %dma_wait3A_91 = tpu.memref_squeeze %dma_wait3A_90 : memref<1x128xi32, #tpu.memory_space<vmem>> -> memref<128xi32, #tpu.memory_space<vmem>>
      %dma_wait3A_92 = arith.constant 0 : i32
      %dma_wait3A_93 = arith.constant 0 : i32
      %dma_wait3A_94 = tpu.memref_slice %arg3[%dma_wait3A_92, %dma_wait3A_93] : memref<1000000x64xf32, #tpu.memory_space<hbm>> -> memref<1000000x64xf32, #tpu.memory_space<hbm>>
      tpu.wait_indirect_dma semaphore(%arg11 : memref<!tpu.dma_semaphore, #tpu.memory_space<semaphore_mem>>) src(%dma_wait3A_94 : memref<1000000x64xf32, #tpu.memory_space<hbm>>) dst(%arg7 : memref<128x64xf32, #tpu.memory_space<vmem>>)
      %scan3A_95 = arith.constant 0 : i32
      %scan3A_96 = arith.constant 0 : i32
      %scan3A_97 = arith.constant 16 : i32
      %scan3A_98 = arith.addi %scan3A_96, %scan3A_97 : i32
      %scan3A_99 = arith.constant 1 : i32
      scf.for %scan3A_178 = %scan3A_96 to %scan3A_98 step %scan3A_99  : i32 {
        %mul3A_179 = arith.constant 8 : i32
        %mul3A_180 = arith.muli %scan3A_178, %mul3A_179 : i32
        %add3A_181 = arith.constant 0 : i32
        %add3A_182 = arith.addi %mul3A_180, %add3A_181 : i32
        %get3A = arith.index_cast %add3A_182 : i32 to index
        %get3A_183 = arith.constant 0 : index
        %get3A_184 = tpu.vector_load %arg7[%get3A, %get3A_183] {strides = array<i32>} : memref<128x64xf32, #tpu.memory_space<vmem>>, vector<1x16xf32>,
        %get3A_185 = vector.shape_cast %get3A_184 : vector<1x16xf32> to vector<16xf32>
        %mul3A_186 = arith.constant 8.000000e+00 : f32
        %mul3A_187 = vector.broadcast %mul3A_186 : f32 to vector<16xf32>
        %mul3A_188 = arith.mulf %get3A_185, %mul3A_187 : vector<16xf32>
        %swap3A = arith.index_cast %add3A_182 : i32 to index
        %swap3A_189 = arith.constant 0 : index
        %swap3A_190 = tpu.vector_load %arg7[%swap3A, %swap3A_189] {strides = array<i32>} : memref<128x64xf32, #tpu.memory_space<vmem>>, vector<1x16xf32>,
        %swap3A_191 = vector.shape_cast %swap3A_190 : vector<1x16xf32> to vector<16xf32>
        %swap3A_192 = vector.shape_cast %mul3A_188 : vector<16xf32> to vector<1x16xf32>
        tpu.vector_store %arg7[%swap3A, %swap3A_189], %swap3A_192 {strides = array<i32>} : memref<128x64xf32, #tpu.memory_space<vmem>>, vector<1x16xf32>,
        %get3A_193 = arith.index_cast %add3A_182 : i32 to index
        %get3A_194 = arith.constant 16 : index
        %get3A_195 = tpu.vector_load %arg7[%get3A_193, %get3A_194] {strides = array<i32>} : memref<128x64xf32, #tpu.memory_space<vmem>>, vector<1x16xf32>,
        %get3A_196 = vector.shape_cast %get3A_195 : vector<1x16xf32> to vector<16xf32>
        %mul3A_197 = arith.constant 8.000000e+00 : f32
        %mul3A_198 = vector.broadcast %mul3A_197 : f32 to vector<16xf32>
        %mul3A_199 = arith.mulf %get3A_196, %mul3A_198 : vector<16xf32>
        %swap3A_200 = arith.index_cast %add3A_182 : i32 to index
        %swap3A_201 = arith.constant 16 : index
        %swap3A_202 = tpu.vector_load %arg7[%swap3A_200, %swap3A_201] {strides = array<i32>} : memref<128x64xf32, #tpu.memory_space<vmem>>, vector<1x16xf32>,
        %swap3A_203 = vector.shape_cast %swap3A_202 : vector<1x16xf32> to vector<16xf32>
        %swap3A_204 = vector.shape_cast %mul3A_199 : vector<16xf32> to vector<1x16xf32>
        tpu.vector_store %arg7[%swap3A_200, %swap3A_201], %swap3A_204 {strides = array<i32>} : memref<128x64xf32, #tpu.memory_space<vmem>>, vector<1x16xf32>,
        %get3A_205 = arith.index_cast %add3A_182 : i32 to index
        %get3A_206 = arith.constant 32 : index
        %get3A_207 = tpu.vector_load %arg7[%get3A_205, %get3A_206] {strides = array<i32>} : memref<128x64xf32, #tpu.memory_space<vmem>>, vector<1x16xf32>,
        %get3A_208 = vector.shape_cast %get3A_207 : vector<1x16xf32> to vector<16xf32>
        %mul3A_209 = arith.constant 8.000000e+00 : f32
        %mul3A_210 = vector.broadcast %mul3A_209 : f32 to vector<16xf32>
        %mul3A_211 = arith.mulf %get3A_208, %mul3A_210 : vector<16xf32>
        %swap3A_212 = arith.index_cast %add3A_182 : i32 to index
        %swap3A_213 = arith.constant 32 : index
        %swap3A_214 = tpu.vector_load %arg7[%swap3A_212, %swap3A_213] {strides = array<i32>} : memref<128x64xf32, #tpu.memory_space<vmem>>, vector<1x16xf32>,
        %swap3A_215 = vector.shape_cast %swap3A_214 : vector<1x16xf32> to vector<16xf32>
        %swap3A_216 = vector.shape_cast %mul3A_211 : vector<16xf32> to vector<1x16xf32>
        tpu.vector_store %arg7[%swap3A_212, %swap3A_213], %swap3A_216 {strides = array<i32>} : memref<128x64xf32, #tpu.memory_space<vmem>>, vector<1x16xf32>,
        %get3A_217 = arith.index_cast %add3A_182 : i32 to index
        %get3A_218 = arith.constant 48 : index
        %get3A_219 = tpu.vector_load %arg7[%get3A_217, %get3A_218] {strides = array<i32>} : memref<128x64xf32, #tpu.memory_space<vmem>>, vector<1x16xf32>,
        %get3A_220 = vector.shape_cast %get3A_219 : vector<1x16xf32> to vector<16xf32>
        %mul3A_221 = arith.constant 8.000000e+00 : f32
        %mul3A_222 = vector.broadcast %mul3A_221 : f32 to vector<16xf32>
        %mul3A_223 = arith.mulf %get3A_220, %mul3A_222 : vector<16xf32>
        %swap3A_224 = arith.index_cast %add3A_182 : i32 to index
        %swap3A_225 = arith.constant 48 : index
        %swap3A_226 = tpu.vector_load %arg7[%swap3A_224, %swap3A_225] {strides = array<i32>} : memref<128x64xf32, #tpu.memory_space<vmem>>, vector<1x16xf32>,
        %swap3A_227 = vector.shape_cast %swap3A_226 : vector<1x16xf32> to vector<16xf32>
        %swap3A_228 = vector.shape_cast %mul3A_223 : vector<16xf32> to vector<1x16xf32>
        tpu.vector_store %arg7[%swap3A_224, %swap3A_225], %swap3A_228 {strides = array<i32>} : memref<128x64xf32, #tpu.memory_space<vmem>>, vector<1x16xf32>,
        %mul3A_229 = arith.constant 8 : i32
        %mul3A_230 = arith.muli %scan3A_178, %mul3A_229 : i32
        %add3A_231 = arith.constant 1 : i32
        %add3A_232 = arith.addi %mul3A_230, %add3A_231 : i32
        %get3A_233 = arith.index_cast %add3A_232 : i32 to index
        %get3A_234 = arith.constant 0 : index
        %get3A_235 = tpu.vector_load %arg7[%get3A_233, %get3A_234] {strides = array<i32>} : memref<128x64xf32, #tpu.memory_space<vmem>>, vector<1x16xf32>,
        %get3A_236 = vector.shape_cast %get3A_235 : vector<1x16xf32> to vector<16xf32>
        %mul3A_237 = arith.constant 8.000000e+00 : f32
        %mul3A_238 = vector.broadcast %mul3A_237 : f32 to vector<16xf32>
        %mul3A_239 = arith.mulf %get3A_236, %mul3A_238 : vector<16xf32>
        %swap3A_240 = arith.index_cast %add3A_232 : i32 to index
        %swap3A_241 = arith.constant 0 : index
        %swap3A_242 = tpu.vector_load %arg7[%swap3A_240, %swap3A_241] {strides = array<i32>} : memref<128x64xf32, #tpu.memory_space<vmem>>, vector<1x16xf32>,
        %swap3A_243 = vector.shape_cast %swap3A_242 : vector<1x16xf32> to vector<16xf32>
        %swap3A_244 = vector.shape_cast %mul3A_239 : vector<16xf32> to vector<1x16xf32>
        tpu.vector_store %arg7[%swap3A_240, %swap3A_241], %swap3A_244 {strides = array<i32>} : memref<128x64xf32, #tpu.memory_space<vmem>>, vector<1x16xf32>,
        %get3A_245 = arith.index_cast %add3A_232 : i32 to index
        %get3A_246 = arith.constant 16 : index
        %get3A_247 = tpu.vector_load %arg7[%get3A_245, %get3A_246] {strides = array<i32>} : memref<128x64xf32, #tpu.memory_space<vmem>>, vector<1x16xf32>,
        %get3A_248 = vector.shape_cast %get3A_247 : vector<1x16xf32> to vector<16xf32>
        %mul3A_249 = arith.constant 8.000000e+00 : f32
        %mul3A_250 = vector.broadcast %mul3A_249 : f32 to vector<16xf32>
        %mul3A_251 = arith.mulf %get3A_248, %mul3A_250 : vector<16xf32>
        %swap3A_252 = arith.index_cast %add3A_232 : i32 to index
        %swap3A_253 = arith.constant 16 : index
        %swap3A_254 = tpu.vector_load %arg7[%swap3A_252, %swap3A_253] {strides = array<i32>} : memref<128x64xf32, #tpu.memory_space<vmem>>, vector<1x16xf32>,
        %swap3A_255 = vector.shape_cast %swap3A_254 : vector<1x16xf32> to vector<16xf32>
        %swap3A_256 = vector.shape_cast %mul3A_251 : vector<16xf32> to vector<1x16xf32>
        tpu.vector_store %arg7[%swap3A_252, %swap3A_253], %swap3A_256 {strides = array<i32>} : memref<128x64xf32, #tpu.memory_space<vmem>>, vector<1x16xf32>,
        %get3A_257 = arith.index_cast %add3A_232 : i32 to index
        %get3A_258 = arith.constant 32 : index
        %get3A_259 = tpu.vector_load %arg7[%get3A_257, %get3A_258] {strides = array<i32>} : memref<128x64xf32, #tpu.memory_space<vmem>>, vector<1x16xf32>,
        %get3A_260 = vector.shape_cast %get3A_259 : vector<1x16xf32> to vector<16xf32>
        %mul3A_261 = arith.constant 8.000000e+00 : f32
        %mul3A_262 = vector.broadcast %mul3A_261 : f32 to vector<16xf32>
        %mul3A_263 = arith.mulf %get3A_260, %mul3A_262 : vector<16xf32>
        %swap3A_264 = arith.index_cast %add3A_232 : i32 to index
        %swap3A_265 = arith.constant 32 : index
        %swap3A_266 = tpu.vector_load %arg7[%swap3A_264, %swap3A_265] {strides = array<i32>} : memref<128x64xf32, #tpu.memory_space<vmem>>, vector<1x16xf32>,
        %swap3A_267 = vector.shape_cast %swap3A_266 : vector<1x16xf32> to vector<16xf32>
        %swap3A_268 = vector.shape_cast %mul3A_263 : vector<16xf32> to vector<1x16xf32>
        tpu.vector_store %arg7[%swap3A_264, %swap3A_265], %swap3A_268 {strides = array<i32>} : memref<128x64xf32, #tpu.memory_space<vmem>>, vector<1x16xf32>,
        %get3A_269 = arith.index_cast %add3A_232 : i32 to index
        %get3A_270 = arith.constant 48 : index
        %get3A_271 = tpu.vector_load %arg7[%get3A_269, %get3A_270] {strides = array<i32>} : memref<128x64xf32, #tpu.memory_space<vmem>>, vector<1x16xf32>,
        %get3A_272 = vector.shape_cast %get3A_271 : vector<1x16xf32> to vector<16xf32>
        %mul3A_273 = arith.constant 8.000000e+00 : f32
        %mul3A_274 = vector.broadcast %mul3A_273 : f32 to vector<16xf32>
        %mul3A_275 = arith.mulf %get3A_272, %mul3A_274 : vector<16xf32>
        %swap3A_276 = arith.index_cast %add3A_232 : i32 to index
        %swap3A_277 = arith.constant 48 : index
        %swap3A_278 = tpu.vector_load %arg7[%swap3A_276, %swap3A_277] {strides = array<i32>} : memref<128x64xf32, #tpu.memory_space<vmem>>, vector<1x16xf32>,
        %swap3A_279 = vector.shape_cast %swap3A_278 : vector<1x16xf32> to vector<16xf32>
        %swap3A_280 = vector.shape_cast %mul3A_275 : vector<16xf32> to vector<1x16xf32>
        tpu.vector_store %arg7[%swap3A_276, %swap3A_277], %swap3A_280 {strides = array<i32>} : memref<128x64xf32, #tpu.memory_space<vmem>>, vector<1x16xf32>,
        %mul3A_281 = arith.constant 8 : i32
        %mul3A_282 = arith.muli %scan3A_178, %mul3A_281 : i32
        %add3A_283 = arith.constant 2 : i32
        %add3A_284 = arith.addi %mul3A_282, %add3A_283 : i32
        %get3A_285 = arith.index_cast %add3A_284 : i32 to index
        %get3A_286 = arith.constant 0 : index
        %get3A_287 = tpu.vector_load %arg7[%get3A_285, %get3A_286] {strides = array<i32>} : memref<128x64xf32, #tpu.memory_space<vmem>>, vector<1x16xf32>,
        %get3A_288 = vector.shape_cast %get3A_287 : vector<1x16xf32> to vector<16xf32>
        %mul3A_289 = arith.constant 8.000000e+00 : f32
        %mul3A_290 = vector.broadcast %mul3A_289 : f32 to vector<16xf32>
        %mul3A_291 = arith.mulf %get3A_288, %mul3A_290 : vector<16xf32>
        %swap3A_292 = arith.index_cast %add3A_284 : i32 to index
        %swap3A_293 = arith.constant 0 : index
        %swap3A_294 = tpu.vector_load %arg7[%swap3A_292, %swap3A_293] {strides = array<i32>} : memref<128x64xf32, #tpu.memory_space<vmem>>, vector<1x16xf32>,
        %swap3A_295 = vector.shape_cast %swap3A_294 : vector<1x16xf32> to vector<16xf32>
        %swap3A_296 = vector.shape_cast %mul3A_291 : vector<16xf32> to vector<1x16xf32>
        tpu.vector_store %arg7[%swap3A_292, %swap3A_293], %swap3A_296 {strides = array<i32>} : memref<128x64xf32, #tpu.memory_space<vmem>>, vector<1x16xf32>,
        %get3A_297 = arith.index_cast %add3A_284 : i32 to index
        %get3A_298 = arith.constant 16 : index
        %get3A_299 = tpu.vector_load %arg7[%get3A_297, %get3A_298] {strides = array<i32>} : memref<128x64xf32, #tpu.memory_space<vmem>>, vector<1x16xf32>,
        %get3A_300 = vector.shape_cast %get3A_299 : vector<1x16xf32> to vector<16xf32>
        %mul3A_301 = arith.constant 8.000000e+00 : f32
        %mul3A_302 = vector.broadcast %mul3A_301 : f32 to vector<16xf32>
        %mul3A_303 = arith.mulf %get3A_300, %mul3A_302 : vector<16xf32>
        %swap3A_304 = arith.index_cast %add3A_284 : i32 to index
        %swap3A_305 = arith.constant 16 : index
        %swap3A_306 = tpu.vector_load %arg7[%swap3A_304, %swap3A_305] {strides = array<i32>} : memref<128x64xf32, #tpu.memory_space<vmem>>, vector<1x16xf32>,
        %swap3A_307 = vector.shape_cast %swap3A_306 : vector<1x16xf32> to vector<16xf32>
        %swap3A_308 = vector.shape_cast %mul3A_303 : vector<16xf32> to vector<1x16xf32>
        tpu.vector_store %arg7[%swap3A_304, %swap3A_305], %swap3A_308 {strides = array<i32>} : memref<128x64xf32, #tpu.memory_space<vmem>>, vector<1x16xf32>,
        %get3A_309 = arith.index_cast %add3A_284 : i32 to index
        %get3A_310 = arith.constant 32 : index
        %get3A_311 = tpu.vector_load %arg7[%get3A_309, %get3A_310] {strides = array<i32>} : memref<128x64xf32, #tpu.memory_space<vmem>>, vector<1x16xf32>,
        %get3A_312 = vector.shape_cast %get3A_311 : vector<1x16xf32> to vector<16xf32>
        %mul3A_313 = arith.constant 8.000000e+00 : f32
        %mul3A_314 = vector.broadcast %mul3A_313 : f32 to vector<16xf32>
        %mul3A_315 = arith.mulf %get3A_312, %mul3A_314 : vector<16xf32>
        %swap3A_316 = arith.index_cast %add3A_284 : i32 to index
        %swap3A_317 = arith.constant 32 : index
        %swap3A_318 = tpu.vector_load %arg7[%swap3A_316, %swap3A_317] {strides = array<i32>} : memref<128x64xf32, #tpu.memory_space<vmem>>, vector<1x16xf32>,
        %swap3A_319 = vector.shape_cast %swap3A_318 : vector<1x16xf32> to vector<16xf32>
        %swap3A_320 = vector.shape_cast %mul3A_315 : vector<16xf32> to vector<1x16xf32>
        tpu.vector_store %arg7[%swap3A_316, %swap3A_317], %swap3A_320 {strides = array<i32>} : memref<128x64xf32, #tpu.memory_space<vmem>>, vector<1x16xf32>,
        %get3A_321 = arith.index_cast %add3A_284 : i32 to index
        %get3A_322 = arith.constant 48 : index
        %get3A_323 = tpu.vector_load %arg7[%get3A_321, %get3A_322] {strides = array<i32>} : memref<128x64xf32, #tpu.memory_space<vmem>>, vector<1x16xf32>,
        %get3A_324 = vector.shape_cast %get3A_323 : vector<1x16xf32> to vector<16xf32>
        %mul3A_325 = arith.constant 8.000000e+00 : f32
        %mul3A_326 = vector.broadcast %mul3A_325 : f32 to vector<16xf32>
        %mul3A_327 = arith.mulf %get3A_324, %mul3A_326 : vector<16xf32>
        %swap3A_328 = arith.index_cast %add3A_284 : i32 to index
        %swap3A_329 = arith.constant 48 : index
        %swap3A_330 = tpu.vector_load %arg7[%swap3A_328, %swap3A_329] {strides = array<i32>} : memref<128x64xf32, #tpu.memory_space<vmem>>, vector<1x16xf32>,
        %swap3A_331 = vector.shape_cast %swap3A_330 : vector<1x16xf32> to vector<16xf32>
        %swap3A_332 = vector.shape_cast %mul3A_327 : vector<16xf32> to vector<1x16xf32>
        tpu.vector_store %arg7[%swap3A_328, %swap3A_329], %swap3A_332 {strides = array<i32>} : memref<128x64xf32, #tpu.memory_space<vmem>>, vector<1x16xf32>,
        %mul3A_333 = arith.constant 8 : i32
        %mul3A_334 = arith.muli %scan3A_178, %mul3A_333 : i32
        %add3A_335 = arith.constant 3 : i32
        %add3A_336 = arith.addi %mul3A_334, %add3A_335 : i32
        %get3A_337 = arith.index_cast %add3A_336 : i32 to index
        %get3A_338 = arith.constant 0 : index
        %get3A_339 = tpu.vector_load %arg7[%get3A_337, %get3A_338] {strides = array<i32>} : memref<128x64xf32, #tpu.memory_space<vmem>>, vector<1x16xf32>,
        %get3A_340 = vector.shape_cast %get3A_339 : vector<1x16xf32> to vector<16xf32>
        %mul3A_341 = arith.constant 8.000000e+00 : f32
        %mul3A_342 = vector.broadcast %mul3A_341 : f32 to vector<16xf32>
        %mul3A_343 = arith.mulf %get3A_340, %mul3A_342 : vector<16xf32>
        %swap3A_344 = arith.index_cast %add3A_336 : i32 to index
        %swap3A_345 = arith.constant 0 : index
        %swap3A_346 = tpu.vector_load %arg7[%swap3A_344, %swap3A_345] {strides = array<i32>} : memref<128x64xf32, #tpu.memory_space<vmem>>, vector<1x16xf32>,
        %swap3A_347 = vector.shape_cast %swap3A_346 : vector<1x16xf32> to vector<16xf32>
        %swap3A_348 = vector.shape_cast %mul3A_343 : vector<16xf32> to vector<1x16xf32>
        tpu.vector_store %arg7[%swap3A_344, %swap3A_345], %swap3A_348 {strides = array<i32>} : memref<128x64xf32, #tpu.memory_space<vmem>>, vector<1x16xf32>,
        %get3A_349 = arith.index_cast %add3A_336 : i32 to index
        %get3A_350 = arith.constant 16 : index
        %get3A_351 = tpu.vector_load %arg7[%get3A_349, %get3A_350] {strides = array<i32>} : memref<128x64xf32, #tpu.memory_space<vmem>>, vector<1x16xf32>,
        %get3A_352 = vector.shape_cast %get3A_351 : vector<1x16xf32> to vector<16xf32>
        %mul3A_353 = arith.constant 8.000000e+00 : f32
        %mul3A_354 = vector.broadcast %mul3A_353 : f32 to vector<16xf32>
        %mul3A_355 = arith.mulf %get3A_352, %mul3A_354 : vector<16xf32>
        %swap3A_356 = arith.index_cast %add3A_336 : i32 to index
        %swap3A_357 = arith.constant 16 : index
        %swap3A_358 = tpu.vector_load %arg7[%swap3A_356, %swap3A_357] {strides = array<i32>} : memref<128x64xf32, #tpu.memory_space<vmem>>, vector<1x16xf32>,
        %swap3A_359 = vector.shape_cast %swap3A_358 : vector<1x16xf32> to vector<16xf32>
        %swap3A_360 = vector.shape_cast %mul3A_355 : vector<16xf32> to vector<1x16xf32>
        tpu.vector_store %arg7[%swap3A_356, %swap3A_357], %swap3A_360 {strides = array<i32>} : memref<128x64xf32, #tpu.memory_space<vmem>>, vector<1x16xf32>,
        %get3A_361 = arith.index_cast %add3A_336 : i32 to index
        %get3A_362 = arith.constant 32 : index
        %get3A_363 = tpu.vector_load %arg7[%get3A_361, %get3A_362] {strides = array<i32>} : memref<128x64xf32, #tpu.memory_space<vmem>>, vector<1x16xf32>,
        %get3A_364 = vector.shape_cast %get3A_363 : vector<1x16xf32> to vector<16xf32>
        %mul3A_365 = arith.constant 8.000000e+00 : f32
        %mul3A_366 = vector.broadcast %mul3A_365 : f32 to vector<16xf32>
        %mul3A_367 = arith.mulf %get3A_364, %mul3A_366 : vector<16xf32>
        %swap3A_368 = arith.index_cast %add3A_336 : i32 to index
        %swap3A_369 = arith.constant 32 : index
        %swap3A_370 = tpu.vector_load %arg7[%swap3A_368, %swap3A_369] {strides = array<i32>} : memref<128x64xf32, #tpu.memory_space<vmem>>, vector<1x16xf32>,
        %swap3A_371 = vector.shape_cast %swap3A_370 : vector<1x16xf32> to vector<16xf32>
        %swap3A_372 = vector.shape_cast %mul3A_367 : vector<16xf32> to vector<1x16xf32>
        tpu.vector_store %arg7[%swap3A_368, %swap3A_369], %swap3A_372 {strides = array<i32>} : memref<128x64xf32, #tpu.memory_space<vmem>>, vector<1x16xf32>,
        %get3A_373 = arith.index_cast %add3A_336 : i32 to index
        %get3A_374 = arith.constant 48 : index
        %get3A_375 = tpu.vector_load %arg7[%get3A_373, %get3A_374] {strides = array<i32>} : memref<128x64xf32, #tpu.memory_space<vmem>>, vector<1x16xf32>,
        %get3A_376 = vector.shape_cast %get3A_375 : vector<1x16xf32> to vector<16xf32>
        %mul3A_377 = arith.constant 8.000000e+00 : f32
        %mul3A_378 = vector.broadcast %mul3A_377 : f32 to vector<16xf32>
        %mul3A_379 = arith.mulf %get3A_376, %mul3A_378 : vector<16xf32>
        %swap3A_380 = arith.index_cast %add3A_336 : i32 to index
        %swap3A_381 = arith.constant 48 : index
        %swap3A_382 = tpu.vector_load %arg7[%swap3A_380, %swap3A_381] {strides = array<i32>} : memref<128x64xf32, #tpu.memory_space<vmem>>, vector<1x16xf32>,
        %swap3A_383 = vector.shape_cast %swap3A_382 : vector<1x16xf32> to vector<16xf32>
        %swap3A_384 = vector.shape_cast %mul3A_379 : vector<16xf32> to vector<1x16xf32>
        tpu.vector_store %arg7[%swap3A_380, %swap3A_381], %swap3A_384 {strides = array<i32>} : memref<128x64xf32, #tpu.memory_space<vmem>>, vector<1x16xf32>,
        %mul3A_385 = arith.constant 8 : i32
        %mul3A_386 = arith.muli %scan3A_178, %mul3A_385 : i32
        %add3A_387 = arith.constant 4 : i32
        %add3A_388 = arith.addi %mul3A_386, %add3A_387 : i32
        %get3A_389 = arith.index_cast %add3A_388 : i32 to index
        %get3A_390 = arith.constant 0 : index
        %get3A_391 = tpu.vector_load %arg7[%get3A_389, %get3A_390] {strides = array<i32>} : memref<128x64xf32, #tpu.memory_space<vmem>>, vector<1x16xf32>,
        %get3A_392 = vector.shape_cast %get3A_391 : vector<1x16xf32> to vector<16xf32>
        %mul3A_393 = arith.constant 8.000000e+00 : f32
        %mul3A_394 = vector.broadcast %mul3A_393 : f32 to vector<16xf32>
        %mul3A_395 = arith.mulf %get3A_392, %mul3A_394 : vector<16xf32>
        %swap3A_396 = arith.index_cast %add3A_388 : i32 to index
        %swap3A_397 = arith.constant 0 : index
        %swap3A_398 = tpu.vector_load %arg7[%swap3A_396, %swap3A_397] {strides = array<i32>} : memref<128x64xf32, #tpu.memory_space<vmem>>, vector<1x16xf32>,
        %swap3A_399 = vector.shape_cast %swap3A_398 : vector<1x16xf32> to vector<16xf32>
        %swap3A_400 = vector.shape_cast %mul3A_395 : vector<16xf32> to vector<1x16xf32>
        tpu.vector_store %arg7[%swap3A_396, %swap3A_397], %swap3A_400 {strides = array<i32>} : memref<128x64xf32, #tpu.memory_space<vmem>>, vector<1x16xf32>,
        %get3A_401 = arith.index_cast %add3A_388 : i32 to index
        %get3A_402 = arith.constant 16 : index
        %get3A_403 = tpu.vector_load %arg7[%get3A_401, %get3A_402] {strides = array<i32>} : memref<128x64xf32, #tpu.memory_space<vmem>>, vector<1x16xf32>,
        %get3A_404 = vector.shape_cast %get3A_403 : vector<1x16xf32> to vector<16xf32>
        %mul3A_405 = arith.constant 8.000000e+00 : f32
        %mul3A_406 = vector.broadcast %mul3A_405 : f32 to vector<16xf32>
        %mul3A_407 = arith.mulf %get3A_404, %mul3A_406 : vector<16xf32>
        %swap3A_408 = arith.index_cast %add3A_388 : i32 to index
        %swap3A_409 = arith.constant 16 : index
        %swap3A_410 = tpu.vector_load %arg7[%swap3A_408, %swap3A_409] {strides = array<i32>} : memref<128x64xf32, #tpu.memory_space<vmem>>, vector<1x16xf32>,
        %swap3A_411 = vector.shape_cast %swap3A_410 : vector<1x16xf32> to vector<16xf32>
        %swap3A_412 = vector.shape_cast %mul3A_407 : vector<16xf32> to vector<1x16xf32>
        tpu.vector_store %arg7[%swap3A_408, %swap3A_409], %swap3A_412 {strides = array<i32>} : memref<128x64xf32, #tpu.memory_space<vmem>>, vector<1x16xf32>,
        %get3A_413 = arith.index_cast %add3A_388 : i32 to index
        %get3A_414 = arith.constant 32 : index
        %get3A_415 = tpu.vector_load %arg7[%get3A_413, %get3A_414] {strides = array<i32>} : memref<128x64xf32, #tpu.memory_space<vmem>>, vector<1x16xf32>,
        %get3A_416 = vector.shape_cast %get3A_415 : vector<1x16xf32> to vector<16xf32>
        %mul3A_417 = arith.constant 8.000000e+00 : f32
        %mul3A_418 = vector.broadcast %mul3A_417 : f32 to vector<16xf32>
        %mul3A_419 = arith.mulf %get3A_416, %mul3A_418 : vector<16xf32>
        %swap3A_420 = arith.index_cast %add3A_388 : i32 to index
        %swap3A_421 = arith.constant 32 : index
        %swap3A_422 = tpu.vector_load %arg7[%swap3A_420, %swap3A_421] {strides = array<i32>} : memref<128x64xf32, #tpu.memory_space<vmem>>, vector<1x16xf32>,
        %swap3A_423 = vector.shape_cast %swap3A_422 : vector<1x16xf32> to vector<16xf32>
        %swap3A_424 = vector.shape_cast %mul3A_419 : vector<16xf32> to vector<1x16xf32>
        tpu.vector_store %arg7[%swap3A_420, %swap3A_421], %swap3A_424 {strides = array<i32>} : memref<128x64xf32, #tpu.memory_space<vmem>>, vector<1x16xf32>,
        %get3A_425 = arith.index_cast %add3A_388 : i32 to index
        %get3A_426 = arith.constant 48 : index
        %get3A_427 = tpu.vector_load %arg7[%get3A_425, %get3A_426] {strides = array<i32>} : memref<128x64xf32, #tpu.memory_space<vmem>>, vector<1x16xf32>,
        %get3A_428 = vector.shape_cast %get3A_427 : vector<1x16xf32> to vector<16xf32>
        %mul3A_429 = arith.constant 8.000000e+00 : f32
        %mul3A_430 = vector.broadcast %mul3A_429 : f32 to vector<16xf32>
        %mul3A_431 = arith.mulf %get3A_428, %mul3A_430 : vector<16xf32>
        %swap3A_432 = arith.index_cast %add3A_388 : i32 to index
        %swap3A_433 = arith.constant 48 : index
        %swap3A_434 = tpu.vector_load %arg7[%swap3A_432, %swap3A_433] {strides = array<i32>} : memref<128x64xf32, #tpu.memory_space<vmem>>, vector<1x16xf32>,
        %swap3A_435 = vector.shape_cast %swap3A_434 : vector<1x16xf32> to vector<16xf32>
        %swap3A_436 = vector.shape_cast %mul3A_431 : vector<16xf32> to vector<1x16xf32>
        tpu.vector_store %arg7[%swap3A_432, %swap3A_433], %swap3A_436 {strides = array<i32>} : memref<128x64xf32, #tpu.memory_space<vmem>>, vector<1x16xf32>,
        %mul3A_437 = arith.constant 8 : i32
        %mul3A_438 = arith.muli %scan3A_178, %mul3A_437 : i32
        %add3A_439 = arith.constant 5 : i32
        %add3A_440 = arith.addi %mul3A_438, %add3A_439 : i32
        %get3A_441 = arith.index_cast %add3A_440 : i32 to index
        %get3A_442 = arith.constant 0 : index
        %get3A_443 = tpu.vector_load %arg7[%get3A_441, %get3A_442] {strides = array<i32>} : memref<128x64xf32, #tpu.memory_space<vmem>>, vector<1x16xf32>,
        %get3A_444 = vector.shape_cast %get3A_443 : vector<1x16xf32> to vector<16xf32>
        %mul3A_445 = arith.constant 8.000000e+00 : f32
        %mul3A_446 = vector.broadcast %mul3A_445 : f32 to vector<16xf32>
        %mul3A_447 = arith.mulf %get3A_444, %mul3A_446 : vector<16xf32>
        %swap3A_448 = arith.index_cast %add3A_440 : i32 to index
        %swap3A_449 = arith.constant 0 : index
        %swap3A_450 = tpu.vector_load %arg7[%swap3A_448, %swap3A_449] {strides = array<i32>} : memref<128x64xf32, #tpu.memory_space<vmem>>, vector<1x16xf32>,
        %swap3A_451 = vector.shape_cast %swap3A_450 : vector<1x16xf32> to vector<16xf32>
        %swap3A_452 = vector.shape_cast %mul3A_447 : vector<16xf32> to vector<1x16xf32>
        tpu.vector_store %arg7[%swap3A_448, %swap3A_449], %swap3A_452 {strides = array<i32>} : memref<128x64xf32, #tpu.memory_space<vmem>>, vector<1x16xf32>,
        %get3A_453 = arith.index_cast %add3A_440 : i32 to index
        %get3A_454 = arith.constant 16 : index
        %get3A_455 = tpu.vector_load %arg7[%get3A_453, %get3A_454] {strides = array<i32>} : memref<128x64xf32, #tpu.memory_space<vmem>>, vector<1x16xf32>,
        %get3A_456 = vector.shape_cast %get3A_455 : vector<1x16xf32> to vector<16xf32>
        %mul3A_457 = arith.constant 8.000000e+00 : f32
        %mul3A_458 = vector.broadcast %mul3A_457 : f32 to vector<16xf32>
        %mul3A_459 = arith.mulf %get3A_456, %mul3A_458 : vector<16xf32>
        %swap3A_460 = arith.index_cast %add3A_440 : i32 to index
        %swap3A_461 = arith.constant 16 : index
        %swap3A_462 = tpu.vector_load %arg7[%swap3A_460, %swap3A_461] {strides = array<i32>} : memref<128x64xf32, #tpu.memory_space<vmem>>, vector<1x16xf32>,
        %swap3A_463 = vector.shape_cast %swap3A_462 : vector<1x16xf32> to vector<16xf32>
        %swap3A_464 = vector.shape_cast %mul3A_459 : vector<16xf32> to vector<1x16xf32>
        tpu.vector_store %arg7[%swap3A_460, %swap3A_461], %swap3A_464 {strides = array<i32>} : memref<128x64xf32, #tpu.memory_space<vmem>>, vector<1x16xf32>,
        %get3A_465 = arith.index_cast %add3A_440 : i32 to index
        %get3A_466 = arith.constant 32 : index
        %get3A_467 = tpu.vector_load %arg7[%get3A_465, %get3A_466] {strides = array<i32>} : memref<128x64xf32, #tpu.memory_space<vmem>>, vector<1x16xf32>,
        %get3A_468 = vector.shape_cast %get3A_467 : vector<1x16xf32> to vector<16xf32>
        %mul3A_469 = arith.constant 8.000000e+00 : f32
        %mul3A_470 = vector.broadcast %mul3A_469 : f32 to vector<16xf32>
        %mul3A_471 = arith.mulf %get3A_468, %mul3A_470 : vector<16xf32>
        %swap3A_472 = arith.index_cast %add3A_440 : i32 to index
        %swap3A_473 = arith.constant 32 : index
        %swap3A_474 = tpu.vector_load %arg7[%swap3A_472, %swap3A_473] {strides = array<i32>} : memref<128x64xf32, #tpu.memory_space<vmem>>, vector<1x16xf32>,
        %swap3A_475 = vector.shape_cast %swap3A_474 : vector<1x16xf32> to vector<16xf32>
        %swap3A_476 = vector.shape_cast %mul3A_471 : vector<16xf32> to vector<1x16xf32>
        tpu.vector_store %arg7[%swap3A_472, %swap3A_473], %swap3A_476 {strides = array<i32>} : memref<128x64xf32, #tpu.memory_space<vmem>>, vector<1x16xf32>,
        %get3A_477 = arith.index_cast %add3A_440 : i32 to index
        %get3A_478 = arith.constant 48 : index
        %get3A_479 = tpu.vector_load %arg7[%get3A_477, %get3A_478] {strides = array<i32>} : memref<128x64xf32, #tpu.memory_space<vmem>>, vector<1x16xf32>,
        %get3A_480 = vector.shape_cast %get3A_479 : vector<1x16xf32> to vector<16xf32>
        %mul3A_481 = arith.constant 8.000000e+00 : f32
        %mul3A_482 = vector.broadcast %mul3A_481 : f32 to vector<16xf32>
        %mul3A_483 = arith.mulf %get3A_480, %mul3A_482 : vector<16xf32>
        %swap3A_484 = arith.index_cast %add3A_440 : i32 to index
        %swap3A_485 = arith.constant 48 : index
        %swap3A_486 = tpu.vector_load %arg7[%swap3A_484, %swap3A_485] {strides = array<i32>} : memref<128x64xf32, #tpu.memory_space<vmem>>, vector<1x16xf32>,
        %swap3A_487 = vector.shape_cast %swap3A_486 : vector<1x16xf32> to vector<16xf32>
        %swap3A_488 = vector.shape_cast %mul3A_483 : vector<16xf32> to vector<1x16xf32>
        tpu.vector_store %arg7[%swap3A_484, %swap3A_485], %swap3A_488 {strides = array<i32>} : memref<128x64xf32, #tpu.memory_space<vmem>>, vector<1x16xf32>,
        %mul3A_489 = arith.constant 8 : i32
        %mul3A_490 = arith.muli %scan3A_178, %mul3A_489 : i32
        %add3A_491 = arith.constant 6 : i32
        %add3A_492 = arith.addi %mul3A_490, %add3A_491 : i32
        %get3A_493 = arith.index_cast %add3A_492 : i32 to index
        %get3A_494 = arith.constant 0 : index
        %get3A_495 = tpu.vector_load %arg7[%get3A_493, %get3A_494] {strides = array<i32>} : memref<128x64xf32, #tpu.memory_space<vmem>>, vector<1x16xf32>,
        %get3A_496 = vector.shape_cast %get3A_495 : vector<1x16xf32> to vector<16xf32>
        %mul3A_497 = arith.constant 8.000000e+00 : f32
        %mul3A_498 = vector.broadcast %mul3A_497 : f32 to vector<16xf32>
        %mul3A_499 = arith.mulf %get3A_496, %mul3A_498 : vector<16xf32>
        %swap3A_500 = arith.index_cast %add3A_492 : i32 to index
        %swap3A_501 = arith.constant 0 : index
        %swap3A_502 = tpu.vector_load %arg7[%swap3A_500, %swap3A_501] {strides = array<i32>} : memref<128x64xf32, #tpu.memory_space<vmem>>, vector<1x16xf32>,
        %swap3A_503 = vector.shape_cast %swap3A_502 : vector<1x16xf32> to vector<16xf32>
        %swap3A_504 = vector.shape_cast %mul3A_499 : vector<16xf32> to vector<1x16xf32>
        tpu.vector_store %arg7[%swap3A_500, %swap3A_501], %swap3A_504 {strides = array<i32>} : memref<128x64xf32, #tpu.memory_space<vmem>>, vector<1x16xf32>,
        %get3A_505 = arith.index_cast %add3A_492 : i32 to index
        %get3A_506 = arith.constant 16 : index
        %get3A_507 = tpu.vector_load %arg7[%get3A_505, %get3A_506] {strides = array<i32>} : memref<128x64xf32, #tpu.memory_space<vmem>>, vector<1x16xf32>,
        %get3A_508 = vector.shape_cast %get3A_507 : vector<1x16xf32> to vector<16xf32>
        %mul3A_509 = arith.constant 8.000000e+00 : f32
        %mul3A_510 = vector.broadcast %mul3A_509 : f32 to vector<16xf32>
        %mul3A_511 = arith.mulf %get3A_508, %mul3A_510 : vector<16xf32>
        %swap3A_512 = arith.index_cast %add3A_492 : i32 to index
        %swap3A_513 = arith.constant 16 : index
        %swap3A_514 = tpu.vector_load %arg7[%swap3A_512, %swap3A_513] {strides = array<i32>} : memref<128x64xf32, #tpu.memory_space<vmem>>, vector<1x16xf32>,
        %swap3A_515 = vector.shape_cast %swap3A_514 : vector<1x16xf32> to vector<16xf32>
        %swap3A_516 = vector.shape_cast %mul3A_511 : vector<16xf32> to vector<1x16xf32>
        tpu.vector_store %arg7[%swap3A_512, %swap3A_513], %swap3A_516 {strides = array<i32>} : memref<128x64xf32, #tpu.memory_space<vmem>>, vector<1x16xf32>,
        %get3A_517 = arith.index_cast %add3A_492 : i32 to index
        %get3A_518 = arith.constant 32 : index
        %get3A_519 = tpu.vector_load %arg7[%get3A_517, %get3A_518] {strides = array<i32>} : memref<128x64xf32, #tpu.memory_space<vmem>>, vector<1x16xf32>,
        %get3A_520 = vector.shape_cast %get3A_519 : vector<1x16xf32> to vector<16xf32>
        %mul3A_521 = arith.constant 8.000000e+00 : f32
        %mul3A_522 = vector.broadcast %mul3A_521 : f32 to vector<16xf32>
        %mul3A_523 = arith.mulf %get3A_520, %mul3A_522 : vector<16xf32>
        %swap3A_524 = arith.index_cast %add3A_492 : i32 to index
        %swap3A_525 = arith.constant 32 : index
        %swap3A_526 = tpu.vector_load %arg7[%swap3A_524, %swap3A_525] {strides = array<i32>} : memref<128x64xf32, #tpu.memory_space<vmem>>, vector<1x16xf32>,
        %swap3A_527 = vector.shape_cast %swap3A_526 : vector<1x16xf32> to vector<16xf32>
        %swap3A_528 = vector.shape_cast %mul3A_523 : vector<16xf32> to vector<1x16xf32>
        tpu.vector_store %arg7[%swap3A_524, %swap3A_525], %swap3A_528 {strides = array<i32>} : memref<128x64xf32, #tpu.memory_space<vmem>>, vector<1x16xf32>,
        %get3A_529 = arith.index_cast %add3A_492 : i32 to index
        %get3A_530 = arith.constant 48 : index
        %get3A_531 = tpu.vector_load %arg7[%get3A_529, %get3A_530] {strides = array<i32>} : memref<128x64xf32, #tpu.memory_space<vmem>>, vector<1x16xf32>,
        %get3A_532 = vector.shape_cast %get3A_531 : vector<1x16xf32> to vector<16xf32>
        %mul3A_533 = arith.constant 8.000000e+00 : f32
        %mul3A_534 = vector.broadcast %mul3A_533 : f32 to vector<16xf32>
        %mul3A_535 = arith.mulf %get3A_532, %mul3A_534 : vector<16xf32>
        %swap3A_536 = arith.index_cast %add3A_492 : i32 to index
        %swap3A_537 = arith.constant 48 : index
        %swap3A_538 = tpu.vector_load %arg7[%swap3A_536, %swap3A_537] {strides = array<i32>} : memref<128x64xf32, #tpu.memory_space<vmem>>, vector<1x16xf32>,
        %swap3A_539 = vector.shape_cast %swap3A_538 : vector<1x16xf32> to vector<16xf32>
        %swap3A_540 = vector.shape_cast %mul3A_535 : vector<16xf32> to vector<1x16xf32>
        tpu.vector_store %arg7[%swap3A_536, %swap3A_537], %swap3A_540 {strides = array<i32>} : memref<128x64xf32, #tpu.memory_space<vmem>>, vector<1x16xf32>,
        %mul3A_541 = arith.constant 8 : i32
        %mul3A_542 = arith.muli %scan3A_178, %mul3A_541 : i32
        %add3A_543 = arith.constant 7 : i32
        %add3A_544 = arith.addi %mul3A_542, %add3A_543 : i32
        %get3A_545 = arith.index_cast %add3A_544 : i32 to index
        %get3A_546 = arith.constant 0 : index
        %get3A_547 = tpu.vector_load %arg7[%get3A_545, %get3A_546] {strides = array<i32>} : memref<128x64xf32, #tpu.memory_space<vmem>>, vector<1x16xf32>,
        %get3A_548 = vector.shape_cast %get3A_547 : vector<1x16xf32> to vector<16xf32>
        %mul3A_549 = arith.constant 8.000000e+00 : f32
        %mul3A_550 = vector.broadcast %mul3A_549 : f32 to vector<16xf32>
        %mul3A_551 = arith.mulf %get3A_548, %mul3A_550 : vector<16xf32>
        %swap3A_552 = arith.index_cast %add3A_544 : i32 to index
        %swap3A_553 = arith.constant 0 : index
        %swap3A_554 = tpu.vector_load %arg7[%swap3A_552, %swap3A_553] {strides = array<i32>} : memref<128x64xf32, #tpu.memory_space<vmem>>, vector<1x16xf32>,
        %swap3A_555 = vector.shape_cast %swap3A_554 : vector<1x16xf32> to vector<16xf32>
        %swap3A_556 = vector.shape_cast %mul3A_551 : vector<16xf32> to vector<1x16xf32>
        tpu.vector_store %arg7[%swap3A_552, %swap3A_553], %swap3A_556 {strides = array<i32>} : memref<128x64xf32, #tpu.memory_space<vmem>>, vector<1x16xf32>,
        %get3A_557 = arith.index_cast %add3A_544 : i32 to index
        %get3A_558 = arith.constant 16 : index
        %get3A_559 = tpu.vector_load %arg7[%get3A_557, %get3A_558] {strides = array<i32>} : memref<128x64xf32, #tpu.memory_space<vmem>>, vector<1x16xf32>,
        %get3A_560 = vector.shape_cast %get3A_559 : vector<1x16xf32> to vector<16xf32>
        %mul3A_561 = arith.constant 8.000000e+00 : f32
        %mul3A_562 = vector.broadcast %mul3A_561 : f32 to vector<16xf32>
        %mul3A_563 = arith.mulf %get3A_560, %mul3A_562 : vector<16xf32>
        %swap3A_564 = arith.index_cast %add3A_544 : i32 to index
        %swap3A_565 = arith.constant 16 : index
        %swap3A_566 = tpu.vector_load %arg7[%swap3A_564, %swap3A_565] {strides = array<i32>} : memref<128x64xf32, #tpu.memory_space<vmem>>, vector<1x16xf32>,
        %swap3A_567 = vector.shape_cast %swap3A_566 : vector<1x16xf32> to vector<16xf32>
        %swap3A_568 = vector.shape_cast %mul3A_563 : vector<16xf32> to vector<1x16xf32>
        tpu.vector_store %arg7[%swap3A_564, %swap3A_565], %swap3A_568 {strides = array<i32>} : memref<128x64xf32, #tpu.memory_space<vmem>>, vector<1x16xf32>,
        %get3A_569 = arith.index_cast %add3A_544 : i32 to index
        %get3A_570 = arith.constant 32 : index
        %get3A_571 = tpu.vector_load %arg7[%get3A_569, %get3A_570] {strides = array<i32>} : memref<128x64xf32, #tpu.memory_space<vmem>>, vector<1x16xf32>,
        %get3A_572 = vector.shape_cast %get3A_571 : vector<1x16xf32> to vector<16xf32>
        %mul3A_573 = arith.constant 8.000000e+00 : f32
        %mul3A_574 = vector.broadcast %mul3A_573 : f32 to vector<16xf32>
        %mul3A_575 = arith.mulf %get3A_572, %mul3A_574 : vector<16xf32>
        %swap3A_576 = arith.index_cast %add3A_544 : i32 to index
        %swap3A_577 = arith.constant 32 : index
        %swap3A_578 = tpu.vector_load %arg7[%swap3A_576, %swap3A_577] {strides = array<i32>} : memref<128x64xf32, #tpu.memory_space<vmem>>, vector<1x16xf32>,
        %swap3A_579 = vector.shape_cast %swap3A_578 : vector<1x16xf32> to vector<16xf32>
        %swap3A_580 = vector.shape_cast %mul3A_575 : vector<16xf32> to vector<1x16xf32>
        tpu.vector_store %arg7[%swap3A_576, %swap3A_577], %swap3A_580 {strides = array<i32>} : memref<128x64xf32, #tpu.memory_space<vmem>>, vector<1x16xf32>,
        %get3A_581 = arith.index_cast %add3A_544 : i32 to index
        %get3A_582 = arith.constant 48 : index
        %get3A_583 = tpu.vector_load %arg7[%get3A_581, %get3A_582] {strides = array<i32>} : memref<128x64xf32, #tpu.memory_space<vmem>>, vector<1x16xf32>,
        %get3A_584 = vector.shape_cast %get3A_583 : vector<1x16xf32> to vector<16xf32>
        %mul3A_585 = arith.constant 8.000000e+00 : f32
        %mul3A_586 = vector.broadcast %mul3A_585 : f32 to vector<16xf32>
        %mul3A_587 = arith.mulf %get3A_584, %mul3A_586 : vector<16xf32>
        %swap3A_588 = arith.index_cast %add3A_544 : i32 to index
        %swap3A_589 = arith.constant 48 : index
        %swap3A_590 = tpu.vector_load %arg7[%swap3A_588, %swap3A_589] {strides = array<i32>} : memref<128x64xf32, #tpu.memory_space<vmem>>, vector<1x16xf32>,
        %swap3A_591 = vector.shape_cast %swap3A_590 : vector<1x16xf32> to vector<16xf32>
        %swap3A_592 = vector.shape_cast %mul3A_587 : vector<16xf32> to vector<1x16xf32>
        tpu.vector_store %arg7[%swap3A_588, %swap3A_589], %swap3A_592 {strides = array<i32>} : memref<128x64xf32, #tpu.memory_space<vmem>>, vector<1x16xf32>,
      }
      %scan3A_100 = arith.constant 16 : i32
      %mul3A_101 = arith.constant 128 : i32
      %mul3A_102 = arith.muli %add3A_88, %mul3A_101 : i32
      %add3A_103 = arith.addi %mul3A_2, %mul3A_102 : i32
      %dma_start3A_104 = arith.constant 0 : i32
      %dma_start3A_105 = tpu.memref_slice %arg4[%add3A_103, %dma_start3A_104] : memref<819200x64xf32, #tpu.memory_space<hbm>> -> memref<128x64xf32, #tpu.memory_space<hbm>>
      %dma_start3A_106 = arith.constant 0 : i32
      %dma_start3A_107 = tpu.memref_slice %arg4[%add3A_103, %dma_start3A_106] : memref<819200x64xf32, #tpu.memory_space<hbm>> -> memref<128x64xf32, #tpu.memory_space<hbm>>
      tpu.enqueue_dma source(%arg7 : memref<128x64xf32, #tpu.memory_space<vmem>>) target(%dma_start3A_107 : memref<128x64xf32, #tpu.memory_space<hbm>>) target_semaphore(%arg15 : memref<!tpu.dma_semaphore, #tpu.memory_space<semaphore_mem>>)
      %ge3A_108 = arith.constant 2 : i32
      %ge3A_109 = arith.cmpi sge, %add3A_88, %ge3A_108 : i32
      %le3A_110 = arith.constant 197 : i32
      %le3A_111 = arith.cmpi sle, %add3A_88, %le3A_110 : i32
      %and3A_112 = arith.andi %ge3A_109, %le3A_111 : i1
      %convert_element_type3A_113 = arith.extui %and3A_112 : i1 to i32
      %cond3A_114 = arith.constant 0 : i32
      %cond3A_115 = arith.cmpi ne, %convert_element_type3A_113, %cond3A_114 : i32
      scf.if %cond3A_115 {
        %sub3A = arith.constant 2 : i32
        %sub3A_178 = arith.subi %add3A_88, %sub3A : i32
        %mul3A_179 = arith.constant 128 : i32
        %mul3A_180 = arith.muli %sub3A_178, %mul3A_179 : i32
        %add3A_181 = arith.addi %mul3A_2, %mul3A_180 : i32
        %dma_wait3A_182 = arith.constant 0 : i32
        %dma_wait3A_183 = tpu.memref_slice %arg4[%add3A_181, %dma_wait3A_182] : memref<819200x64xf32, #tpu.memory_space<hbm>> -> memref<128x64xf32, #tpu.memory_space<hbm>>
        %dma_wait3A_184 = arith.constant 0 : i32
        %dma_wait3A_185 = tpu.memref_slice %arg4[%add3A_181, %dma_wait3A_184] : memref<819200x64xf32, #tpu.memory_space<hbm>> -> memref<128x64xf32, #tpu.memory_space<hbm>>
        tpu.wait_dma2 semaphore(%arg17 : memref<!tpu.dma_semaphore, #tpu.memory_space<semaphore_mem>>) src(%arg9 : memref<128x64xf32, #tpu.memory_space<vmem>>) dst(%dma_wait3A_185 : memref<128x64xf32, #tpu.memory_space<hbm>>)
        %add3A_186 = arith.constant 2 : i32
        %add3A_187 = arith.addi %add3A_88, %add3A_186 : i32
        %dma_start3A_188 = arith.constant 0 : i32
        %dma_start3A_189 = tpu.memref_slice %arg5[%add3A_187, %dma_start3A_188] : memref<200x128xi32, #tpu.memory_space<vmem>> -> memref<1x128xi32, #tpu.memory_space<vmem>>
        %dma_start3A_190 = tpu.memref_squeeze %dma_start3A_189 : memref<1x128xi32, #tpu.memory_space<vmem>> -> memref<128xi32, #tpu.memory_space<vmem>>
        %dma_start3A_191 = arith.constant 0 : i32
        %dma_start3A_192 = arith.constant 0 : i32
        %dma_start3A_193 = tpu.memref_slice %arg3[%dma_start3A_191, %dma_start3A_192] : memref<1000000x64xf32, #tpu.memory_space<hbm>> -> memref<1000000x64xf32, #tpu.memory_space<hbm>>
        tpu.enqueue_indirect_dma source(%dma_start3A_193 : memref<1000000x64xf32, #tpu.memory_space<hbm>>) target(%arg9 : memref<128x64xf32, #tpu.memory_space<vmem>>) offsets(%dma_start3A_190 : memref<128xi32, #tpu.memory_space<vmem>>) semaphore(%arg13 : memref<!tpu.dma_semaphore, #tpu.memory_space<semaphore_mem>>)
      } else {
      }
      %mul3A_116 = arith.constant 4 : i32
      %mul3A_117 = arith.muli %scan3A_58, %mul3A_116 : i32
      %add3A_118 = arith.constant 2 : i32
      %add3A_119 = arith.addi %mul3A_117, %add3A_118 : i32
      %dma_wait3A_120 = arith.constant 0 : i32
      %dma_wait3A_121 = tpu.memref_slice %arg5[%add3A_119, %dma_wait3A_120] : memref<200x128xi32, #tpu.memory_space<vmem>> -> memref<1x128xi32, #tpu.memory_space<vmem>>
      %dma_wait3A_122 = tpu.memref_squeeze %dma_wait3A_121 : memref<1x128xi32, #tpu.memory_space<vmem>> -> memref<128xi32, #tpu.memory_space<vmem>>
      %dma_wait3A_123 = arith.constant 0 : i32
      %dma_wait3A_124 = arith.constant 0 : i32
      %dma_wait3A_125 = tpu.memref_slice %arg3[%dma_wait3A_123, %dma_wait3A_124] : memref<1000000x64xf32, #tpu.memory_space<hbm>> -> memref<1000000x64xf32, #tpu.memory_space<hbm>>
      tpu.wait_indirect_dma semaphore(%arg12 : memref<!tpu.dma_semaphore, #tpu.memory_space<semaphore_mem>>) src(%dma_wait3A_125 : memref<1000000x64xf32, #tpu.memory_space<hbm>>) dst(%arg8 : memref<128x64xf32, #tpu.memory_space<vmem>>)
      %scan3A_126 = arith.constant 0 : i32
      %scan3A_127 = arith.constant 0 : i32
      %scan3A_128 = arith.constant 16 : i32
      %scan3A_129 = arith.addi %scan3A_127, %scan3A_128 : i32
      %scan3A_130 = arith.constant 1 : i32
      scf.for %scan3A_178 = %scan3A_127 to %scan3A_129 step %scan3A_130  : i32 {
        %mul3A_179 = arith.constant 8 : i32
        %mul3A_180 = arith.muli %scan3A_178, %mul3A_179 : i32
        %add3A_181 = arith.constant 0 : i32
        %add3A_182 = arith.addi %mul3A_180, %add3A_181 : i32
        %get3A = arith.index_cast %add3A_182 : i32 to index
        %get3A_183 = arith.constant 0 : index
        %get3A_184 = tpu.vector_load %arg8[%get3A, %get3A_183] {strides = array<i32>} : memref<128x64xf32, #tpu.memory_space<vmem>>, vector<1x16xf32>,
        %get3A_185 = vector.shape_cast %get3A_184 : vector<1x16xf32> to vector<16xf32>
        %mul3A_186 = arith.constant 8.000000e+00 : f32
        %mul3A_187 = vector.broadcast %mul3A_186 : f32 to vector<16xf32>
        %mul3A_188 = arith.mulf %get3A_185, %mul3A_187 : vector<16xf32>
        %swap3A = arith.index_cast %add3A_182 : i32 to index
        %swap3A_189 = arith.constant 0 : index
        %swap3A_190 = tpu.vector_load %arg8[%swap3A, %swap3A_189] {strides = array<i32>} : memref<128x64xf32, #tpu.memory_space<vmem>>, vector<1x16xf32>,
        %swap3A_191 = vector.shape_cast %swap3A_190 : vector<1x16xf32> to vector<16xf32>
        %swap3A_192 = vector.shape_cast %mul3A_188 : vector<16xf32> to vector<1x16xf32>
        tpu.vector_store %arg8[%swap3A, %swap3A_189], %swap3A_192 {strides = array<i32>} : memref<128x64xf32, #tpu.memory_space<vmem>>, vector<1x16xf32>,
        %get3A_193 = arith.index_cast %add3A_182 : i32 to index
        %get3A_194 = arith.constant 16 : index
        %get3A_195 = tpu.vector_load %arg8[%get3A_193, %get3A_194] {strides = array<i32>} : memref<128x64xf32, #tpu.memory_space<vmem>>, vector<1x16xf32>,
        %get3A_196 = vector.shape_cast %get3A_195 : vector<1x16xf32> to vector<16xf32>
        %mul3A_197 = arith.constant 8.000000e+00 : f32
        %mul3A_198 = vector.broadcast %mul3A_197 : f32 to vector<16xf32>
        %mul3A_199 = arith.mulf %get3A_196, %mul3A_198 : vector<16xf32>
        %swap3A_200 = arith.index_cast %add3A_182 : i32 to index
        %swap3A_201 = arith.constant 16 : index
        %swap3A_202 = tpu.vector_load %arg8[%swap3A_200, %swap3A_201] {strides = array<i32>} : memref<128x64xf32, #tpu.memory_space<vmem>>, vector<1x16xf32>,
        %swap3A_203 = vector.shape_cast %swap3A_202 : vector<1x16xf32> to vector<16xf32>
        %swap3A_204 = vector.shape_cast %mul3A_199 : vector<16xf32> to vector<1x16xf32>
        tpu.vector_store %arg8[%swap3A_200, %swap3A_201], %swap3A_204 {strides = array<i32>} : memref<128x64xf32, #tpu.memory_space<vmem>>, vector<1x16xf32>,
        %get3A_205 = arith.index_cast %add3A_182 : i32 to index
        %get3A_206 = arith.constant 32 : index
        %get3A_207 = tpu.vector_load %arg8[%get3A_205, %get3A_206] {strides = array<i32>} : memref<128x64xf32, #tpu.memory_space<vmem>>, vector<1x16xf32>,
        %get3A_208 = vector.shape_cast %get3A_207 : vector<1x16xf32> to vector<16xf32>
        %mul3A_209 = arith.constant 8.000000e+00 : f32
        %mul3A_210 = vector.broadcast %mul3A_209 : f32 to vector<16xf32>
        %mul3A_211 = arith.mulf %get3A_208, %mul3A_210 : vector<16xf32>
        %swap3A_212 = arith.index_cast %add3A_182 : i32 to index
        %swap3A_213 = arith.constant 32 : index
        %swap3A_214 = tpu.vector_load %arg8[%swap3A_212, %swap3A_213] {strides = array<i32>} : memref<128x64xf32, #tpu.memory_space<vmem>>, vector<1x16xf32>,
        %swap3A_215 = vector.shape_cast %swap3A_214 : vector<1x16xf32> to vector<16xf32>
        %swap3A_216 = vector.shape_cast %mul3A_211 : vector<16xf32> to vector<1x16xf32>
        tpu.vector_store %arg8[%swap3A_212, %swap3A_213], %swap3A_216 {strides = array<i32>} : memref<128x64xf32, #tpu.memory_space<vmem>>, vector<1x16xf32>,
        %get3A_217 = arith.index_cast %add3A_182 : i32 to index
        %get3A_218 = arith.constant 48 : index
        %get3A_219 = tpu.vector_load %arg8[%get3A_217, %get3A_218] {strides = array<i32>} : memref<128x64xf32, #tpu.memory_space<vmem>>, vector<1x16xf32>,
        %get3A_220 = vector.shape_cast %get3A_219 : vector<1x16xf32> to vector<16xf32>
        %mul3A_221 = arith.constant 8.000000e+00 : f32
        %mul3A_222 = vector.broadcast %mul3A_221 : f32 to vector<16xf32>
        %mul3A_223 = arith.mulf %get3A_220, %mul3A_222 : vector<16xf32>
        %swap3A_224 = arith.index_cast %add3A_182 : i32 to index
        %swap3A_225 = arith.constant 48 : index
        %swap3A_226 = tpu.vector_load %arg8[%swap3A_224, %swap3A_225] {strides = array<i32>} : memref<128x64xf32, #tpu.memory_space<vmem>>, vector<1x16xf32>,
        %swap3A_227 = vector.shape_cast %swap3A_226 : vector<1x16xf32> to vector<16xf32>
        %swap3A_228 = vector.shape_cast %mul3A_223 : vector<16xf32> to vector<1x16xf32>
        tpu.vector_store %arg8[%swap3A_224, %swap3A_225], %swap3A_228 {strides = array<i32>} : memref<128x64xf32, #tpu.memory_space<vmem>>, vector<1x16xf32>,
        %mul3A_229 = arith.constant 8 : i32
        %mul3A_230 = arith.muli %scan3A_178, %mul3A_229 : i32
        %add3A_231 = arith.constant 1 : i32
        %add3A_232 = arith.addi %mul3A_230, %add3A_231 : i32
        %get3A_233 = arith.index_cast %add3A_232 : i32 to index
        %get3A_234 = arith.constant 0 : index
        %get3A_235 = tpu.vector_load %arg8[%get3A_233, %get3A_234] {strides = array<i32>} : memref<128x64xf32, #tpu.memory_space<vmem>>, vector<1x16xf32>,
        %get3A_236 = vector.shape_cast %get3A_235 : vector<1x16xf32> to vector<16xf32>
        %mul3A_237 = arith.constant 8.000000e+00 : f32
        %mul3A_238 = vector.broadcast %mul3A_237 : f32 to vector<16xf32>
        %mul3A_239 = arith.mulf %get3A_236, %mul3A_238 : vector<16xf32>
        %swap3A_240 = arith.index_cast %add3A_232 : i32 to index
        %swap3A_241 = arith.constant 0 : index
        %swap3A_242 = tpu.vector_load %arg8[%swap3A_240, %swap3A_241] {strides = array<i32>} : memref<128x64xf32, #tpu.memory_space<vmem>>, vector<1x16xf32>,
        %swap3A_243 = vector.shape_cast %swap3A_242 : vector<1x16xf32> to vector<16xf32>
        %swap3A_244 = vector.shape_cast %mul3A_239 : vector<16xf32> to vector<1x16xf32>
        tpu.vector_store %arg8[%swap3A_240, %swap3A_241], %swap3A_244 {strides = array<i32>} : memref<128x64xf32, #tpu.memory_space<vmem>>, vector<1x16xf32>,
        %get3A_245 = arith.index_cast %add3A_232 : i32 to index
        %get3A_246 = arith.constant 16 : index
        %get3A_247 = tpu.vector_load %arg8[%get3A_245, %get3A_246] {strides = array<i32>} : memref<128x64xf32, #tpu.memory_space<vmem>>, vector<1x16xf32>,
        %get3A_248 = vector.shape_cast %get3A_247 : vector<1x16xf32> to vector<16xf32>
        %mul3A_249 = arith.constant 8.000000e+00 : f32
        %mul3A_250 = vector.broadcast %mul3A_249 : f32 to vector<16xf32>
        %mul3A_251 = arith.mulf %get3A_248, %mul3A_250 : vector<16xf32>
        %swap3A_252 = arith.index_cast %add3A_232 : i32 to index
        %swap3A_253 = arith.constant 16 : index
        %swap3A_254 = tpu.vector_load %arg8[%swap3A_252, %swap3A_253] {strides = array<i32>} : memref<128x64xf32, #tpu.memory_space<vmem>>, vector<1x16xf32>,
        %swap3A_255 = vector.shape_cast %swap3A_254 : vector<1x16xf32> to vector<16xf32>
        %swap3A_256 = vector.shape_cast %mul3A_251 : vector<16xf32> to vector<1x16xf32>
        tpu.vector_store %arg8[%swap3A_252, %swap3A_253], %swap3A_256 {strides = array<i32>} : memref<128x64xf32, #tpu.memory_space<vmem>>, vector<1x16xf32>,
        %get3A_257 = arith.index_cast %add3A_232 : i32 to index
        %get3A_258 = arith.constant 32 : index
        %get3A_259 = tpu.vector_load %arg8[%get3A_257, %get3A_258] {strides = array<i32>} : memref<128x64xf32, #tpu.memory_space<vmem>>, vector<1x16xf32>,
        %get3A_260 = vector.shape_cast %get3A_259 : vector<1x16xf32> to vector<16xf32>
        %mul3A_261 = arith.constant 8.000000e+00 : f32
        %mul3A_262 = vector.broadcast %mul3A_261 : f32 to vector<16xf32>
        %mul3A_263 = arith.mulf %get3A_260, %mul3A_262 : vector<16xf32>
        %swap3A_264 = arith.index_cast %add3A_232 : i32 to index
        %swap3A_265 = arith.constant 32 : index
        %swap3A_266 = tpu.vector_load %arg8[%swap3A_264, %swap3A_265] {strides = array<i32>} : memref<128x64xf32, #tpu.memory_space<vmem>>, vector<1x16xf32>,
        %swap3A_267 = vector.shape_cast %swap3A_266 : vector<1x16xf32> to vector<16xf32>
        %swap3A_268 = vector.shape_cast %mul3A_263 : vector<16xf32> to vector<1x16xf32>
        tpu.vector_store %arg8[%swap3A_264, %swap3A_265], %swap3A_268 {strides = array<i32>} : memref<128x64xf32, #tpu.memory_space<vmem>>, vector<1x16xf32>,
        %get3A_269 = arith.index_cast %add3A_232 : i32 to index
        %get3A_270 = arith.constant 48 : index
        %get3A_271 = tpu.vector_load %arg8[%get3A_269, %get3A_270] {strides = array<i32>} : memref<128x64xf32, #tpu.memory_space<vmem>>, vector<1x16xf32>,
        %get3A_272 = vector.shape_cast %get3A_271 : vector<1x16xf32> to vector<16xf32>
        %mul3A_273 = arith.constant 8.000000e+00 : f32
        %mul3A_274 = vector.broadcast %mul3A_273 : f32 to vector<16xf32>
        %mul3A_275 = arith.mulf %get3A_272, %mul3A_274 : vector<16xf32>
        %swap3A_276 = arith.index_cast %add3A_232 : i32 to index
        %swap3A_277 = arith.constant 48 : index
        %swap3A_278 = tpu.vector_load %arg8[%swap3A_276, %swap3A_277] {strides = array<i32>} : memref<128x64xf32, #tpu.memory_space<vmem>>, vector<1x16xf32>,
        %swap3A_279 = vector.shape_cast %swap3A_278 : vector<1x16xf32> to vector<16xf32>
        %swap3A_280 = vector.shape_cast %mul3A_275 : vector<16xf32> to vector<1x16xf32>
        tpu.vector_store %arg8[%swap3A_276, %swap3A_277], %swap3A_280 {strides = array<i32>} : memref<128x64xf32, #tpu.memory_space<vmem>>, vector<1x16xf32>,
        %mul3A_281 = arith.constant 8 : i32
        %mul3A_282 = arith.muli %scan3A_178, %mul3A_281 : i32
        %add3A_283 = arith.constant 2 : i32
        %add3A_284 = arith.addi %mul3A_282, %add3A_283 : i32
        %get3A_285 = arith.index_cast %add3A_284 : i32 to index
        %get3A_286 = arith.constant 0 : index
        %get3A_287 = tpu.vector_load %arg8[%get3A_285, %get3A_286] {strides = array<i32>} : memref<128x64xf32, #tpu.memory_space<vmem>>, vector<1x16xf32>,
        %get3A_288 = vector.shape_cast %get3A_287 : vector<1x16xf32> to vector<16xf32>
        %mul3A_289 = arith.constant 8.000000e+00 : f32
        %mul3A_290 = vector.broadcast %mul3A_289 : f32 to vector<16xf32>
        %mul3A_291 = arith.mulf %get3A_288, %mul3A_290 : vector<16xf32>
        %swap3A_292 = arith.index_cast %add3A_284 : i32 to index
        %swap3A_293 = arith.constant 0 : index
        %swap3A_294 = tpu.vector_load %arg8[%swap3A_292, %swap3A_293] {strides = array<i32>} : memref<128x64xf32, #tpu.memory_space<vmem>>, vector<1x16xf32>,
        %swap3A_295 = vector.shape_cast %swap3A_294 : vector<1x16xf32> to vector<16xf32>
        %swap3A_296 = vector.shape_cast %mul3A_291 : vector<16xf32> to vector<1x16xf32>
        tpu.vector_store %arg8[%swap3A_292, %swap3A_293], %swap3A_296 {strides = array<i32>} : memref<128x64xf32, #tpu.memory_space<vmem>>, vector<1x16xf32>,
        %get3A_297 = arith.index_cast %add3A_284 : i32 to index
        %get3A_298 = arith.constant 16 : index
        %get3A_299 = tpu.vector_load %arg8[%get3A_297, %get3A_298] {strides = array<i32>} : memref<128x64xf32, #tpu.memory_space<vmem>>, vector<1x16xf32>,
        %get3A_300 = vector.shape_cast %get3A_299 : vector<1x16xf32> to vector<16xf32>
        %mul3A_301 = arith.constant 8.000000e+00 : f32
        %mul3A_302 = vector.broadcast %mul3A_301 : f32 to vector<16xf32>
        %mul3A_303 = arith.mulf %get3A_300, %mul3A_302 : vector<16xf32>
        %swap3A_304 = arith.index_cast %add3A_284 : i32 to index
        %swap3A_305 = arith.constant 16 : index
        %swap3A_306 = tpu.vector_load %arg8[%swap3A_304, %swap3A_305] {strides = array<i32>} : memref<128x64xf32, #tpu.memory_space<vmem>>, vector<1x16xf32>,
        %swap3A_307 = vector.shape_cast %swap3A_306 : vector<1x16xf32> to vector<16xf32>
        %swap3A_308 = vector.shape_cast %mul3A_303 : vector<16xf32> to vector<1x16xf32>
        tpu.vector_store %arg8[%swap3A_304, %swap3A_305], %swap3A_308 {strides = array<i32>} : memref<128x64xf32, #tpu.memory_space<vmem>>, vector<1x16xf32>,
        %get3A_309 = arith.index_cast %add3A_284 : i32 to index
        %get3A_310 = arith.constant 32 : index
        %get3A_311 = tpu.vector_load %arg8[%get3A_309, %get3A_310] {strides = array<i32>} : memref<128x64xf32, #tpu.memory_space<vmem>>, vector<1x16xf32>,
        %get3A_312 = vector.shape_cast %get3A_311 : vector<1x16xf32> to vector<16xf32>
        %mul3A_313 = arith.constant 8.000000e+00 : f32
        %mul3A_314 = vector.broadcast %mul3A_313 : f32 to vector<16xf32>
        %mul3A_315 = arith.mulf %get3A_312, %mul3A_314 : vector<16xf32>
        %swap3A_316 = arith.index_cast %add3A_284 : i32 to index
        %swap3A_317 = arith.constant 32 : index
        %swap3A_318 = tpu.vector_load %arg8[%swap3A_316, %swap3A_317] {strides = array<i32>} : memref<128x64xf32, #tpu.memory_space<vmem>>, vector<1x16xf32>,
        %swap3A_319 = vector.shape_cast %swap3A_318 : vector<1x16xf32> to vector<16xf32>
        %swap3A_320 = vector.shape_cast %mul3A_315 : vector<16xf32> to vector<1x16xf32>
        tpu.vector_store %arg8[%swap3A_316, %swap3A_317], %swap3A_320 {strides = array<i32>} : memref<128x64xf32, #tpu.memory_space<vmem>>, vector<1x16xf32>,
        %get3A_321 = arith.index_cast %add3A_284 : i32 to index
        %get3A_322 = arith.constant 48 : index
        %get3A_323 = tpu.vector_load %arg8[%get3A_321, %get3A_322] {strides = array<i32>} : memref<128x64xf32, #tpu.memory_space<vmem>>, vector<1x16xf32>,
        %get3A_324 = vector.shape_cast %get3A_323 : vector<1x16xf32> to vector<16xf32>
        %mul3A_325 = arith.constant 8.000000e+00 : f32
        %mul3A_326 = vector.broadcast %mul3A_325 : f32 to vector<16xf32>
        %mul3A_327 = arith.mulf %get3A_324, %mul3A_326 : vector<16xf32>
        %swap3A_328 = arith.index_cast %add3A_284 : i32 to index
        %swap3A_329 = arith.constant 48 : index
        %swap3A_330 = tpu.vector_load %arg8[%swap3A_328, %swap3A_329] {strides = array<i32>} : memref<128x64xf32, #tpu.memory_space<vmem>>, vector<1x16xf32>,
        %swap3A_331 = vector.shape_cast %swap3A_330 : vector<1x16xf32> to vector<16xf32>
        %swap3A_332 = vector.shape_cast %mul3A_327 : vector<16xf32> to vector<1x16xf32>
        tpu.vector_store %arg8[%swap3A_328, %swap3A_329], %swap3A_332 {strides = array<i32>} : memref<128x64xf32, #tpu.memory_space<vmem>>, vector<1x16xf32>,
        %mul3A_333 = arith.constant 8 : i32
        %mul3A_334 = arith.muli %scan3A_178, %mul3A_333 : i32
        %add3A_335 = arith.constant 3 : i32
        %add3A_336 = arith.addi %mul3A_334, %add3A_335 : i32
        %get3A_337 = arith.index_cast %add3A_336 : i32 to index
        %get3A_338 = arith.constant 0 : index
        %get3A_339 = tpu.vector_load %arg8[%get3A_337, %get3A_338] {strides = array<i32>} : memref<128x64xf32, #tpu.memory_space<vmem>>, vector<1x16xf32>,
        %get3A_340 = vector.shape_cast %get3A_339 : vector<1x16xf32> to vector<16xf32>
        %mul3A_341 = arith.constant 8.000000e+00 : f32
        %mul3A_342 = vector.broadcast %mul3A_341 : f32 to vector<16xf32>
        %mul3A_343 = arith.mulf %get3A_340, %mul3A_342 : vector<16xf32>
        %swap3A_344 = arith.index_cast %add3A_336 : i32 to index
        %swap3A_345 = arith.constant 0 : index
        %swap3A_346 = tpu.vector_load %arg8[%swap3A_344, %swap3A_345] {strides = array<i32>} : memref<128x64xf32, #tpu.memory_space<vmem>>, vector<1x16xf32>,
        %swap3A_347 = vector.shape_cast %swap3A_346 : vector<1x16xf32> to vector<16xf32>
        %swap3A_348 = vector.shape_cast %mul3A_343 : vector<16xf32> to vector<1x16xf32>
        tpu.vector_store %arg8[%swap3A_344, %swap3A_345], %swap3A_348 {strides = array<i32>} : memref<128x64xf32, #tpu.memory_space<vmem>>, vector<1x16xf32>,
        %get3A_349 = arith.index_cast %add3A_336 : i32 to index
        %get3A_350 = arith.constant 16 : index
        %get3A_351 = tpu.vector_load %arg8[%get3A_349, %get3A_350] {strides = array<i32>} : memref<128x64xf32, #tpu.memory_space<vmem>>, vector<1x16xf32>,
        %get3A_352 = vector.shape_cast %get3A_351 : vector<1x16xf32> to vector<16xf32>
        %mul3A_353 = arith.constant 8.000000e+00 : f32
        %mul3A_354 = vector.broadcast %mul3A_353 : f32 to vector<16xf32>
        %mul3A_355 = arith.mulf %get3A_352, %mul3A_354 : vector<16xf32>
        %swap3A_356 = arith.index_cast %add3A_336 : i32 to index
        %swap3A_357 = arith.constant 16 : index
        %swap3A_358 = tpu.vector_load %arg8[%swap3A_356, %swap3A_357] {strides = array<i32>} : memref<128x64xf32, #tpu.memory_space<vmem>>, vector<1x16xf32>,
        %swap3A_359 = vector.shape_cast %swap3A_358 : vector<1x16xf32> to vector<16xf32>
        %swap3A_360 = vector.shape_cast %mul3A_355 : vector<16xf32> to vector<1x16xf32>
        tpu.vector_store %arg8[%swap3A_356, %swap3A_357], %swap3A_360 {strides = array<i32>} : memref<128x64xf32, #tpu.memory_space<vmem>>, vector<1x16xf32>,
        %get3A_361 = arith.index_cast %add3A_336 : i32 to index
        %get3A_362 = arith.constant 32 : index
        %get3A_363 = tpu.vector_load %arg8[%get3A_361, %get3A_362] {strides = array<i32>} : memref<128x64xf32, #tpu.memory_space<vmem>>, vector<1x16xf32>,
        %get3A_364 = vector.shape_cast %get3A_363 : vector<1x16xf32> to vector<16xf32>
        %mul3A_365 = arith.constant 8.000000e+00 : f32
        %mul3A_366 = vector.broadcast %mul3A_365 : f32 to vector<16xf32>
        %mul3A_367 = arith.mulf %get3A_364, %mul3A_366 : vector<16xf32>
        %swap3A_368 = arith.index_cast %add3A_336 : i32 to index
        %swap3A_369 = arith.constant 32 : index
        %swap3A_370 = tpu.vector_load %arg8[%swap3A_368, %swap3A_369] {strides = array<i32>} : memref<128x64xf32, #tpu.memory_space<vmem>>, vector<1x16xf32>,
        %swap3A_371 = vector.shape_cast %swap3A_370 : vector<1x16xf32> to vector<16xf32>
        %swap3A_372 = vector.shape_cast %mul3A_367 : vector<16xf32> to vector<1x16xf32>
        tpu.vector_store %arg8[%swap3A_368, %swap3A_369], %swap3A_372 {strides = array<i32>} : memref<128x64xf32, #tpu.memory_space<vmem>>, vector<1x16xf32>,
        %get3A_373 = arith.index_cast %add3A_336 : i32 to index
        %get3A_374 = arith.constant 48 : index
        %get3A_375 = tpu.vector_load %arg8[%get3A_373, %get3A_374] {strides = array<i32>} : memref<128x64xf32, #tpu.memory_space<vmem>>, vector<1x16xf32>,
        %get3A_376 = vector.shape_cast %get3A_375 : vector<1x16xf32> to vector<16xf32>
        %mul3A_377 = arith.constant 8.000000e+00 : f32
        %mul3A_378 = vector.broadcast %mul3A_377 : f32 to vector<16xf32>
        %mul3A_379 = arith.mulf %get3A_376, %mul3A_378 : vector<16xf32>
        %swap3A_380 = arith.index_cast %add3A_336 : i32 to index
        %swap3A_381 = arith.constant 48 : index
        %swap3A_382 = tpu.vector_load %arg8[%swap3A_380, %swap3A_381] {strides = array<i32>} : memref<128x64xf32, #tpu.memory_space<vmem>>, vector<1x16xf32>,
        %swap3A_383 = vector.shape_cast %swap3A_382 : vector<1x16xf32> to vector<16xf32>
        %swap3A_384 = vector.shape_cast %mul3A_379 : vector<16xf32> to vector<1x16xf32>
        tpu.vector_store %arg8[%swap3A_380, %swap3A_381], %swap3A_384 {strides = array<i32>} : memref<128x64xf32, #tpu.memory_space<vmem>>, vector<1x16xf32>,
        %mul3A_385 = arith.constant 8 : i32
        %mul3A_386 = arith.muli %scan3A_178, %mul3A_385 : i32
        %add3A_387 = arith.constant 4 : i32
        %add3A_388 = arith.addi %mul3A_386, %add3A_387 : i32
        %get3A_389 = arith.index_cast %add3A_388 : i32 to index
        %get3A_390 = arith.constant 0 : index
        %get3A_391 = tpu.vector_load %arg8[%get3A_389, %get3A_390] {strides = array<i32>} : memref<128x64xf32, #tpu.memory_space<vmem>>, vector<1x16xf32>,
        %get3A_392 = vector.shape_cast %get3A_391 : vector<1x16xf32> to vector<16xf32>
        %mul3A_393 = arith.constant 8.000000e+00 : f32
        %mul3A_394 = vector.broadcast %mul3A_393 : f32 to vector<16xf32>
        %mul3A_395 = arith.mulf %get3A_392, %mul3A_394 : vector<16xf32>
        %swap3A_396 = arith.index_cast %add3A_388 : i32 to index
        %swap3A_397 = arith.constant 0 : index
        %swap3A_398 = tpu.vector_load %arg8[%swap3A_396, %swap3A_397] {strides = array<i32>} : memref<128x64xf32, #tpu.memory_space<vmem>>, vector<1x16xf32>,
        %swap3A_399 = vector.shape_cast %swap3A_398 : vector<1x16xf32> to vector<16xf32>
        %swap3A_400 = vector.shape_cast %mul3A_395 : vector<16xf32> to vector<1x16xf32>
        tpu.vector_store %arg8[%swap3A_396, %swap3A_397], %swap3A_400 {strides = array<i32>} : memref<128x64xf32, #tpu.memory_space<vmem>>, vector<1x16xf32>,
        %get3A_401 = arith.index_cast %add3A_388 : i32 to index
        %get3A_402 = arith.constant 16 : index
        %get3A_403 = tpu.vector_load %arg8[%get3A_401, %get3A_402] {strides = array<i32>} : memref<128x64xf32, #tpu.memory_space<vmem>>, vector<1x16xf32>,
        %get3A_404 = vector.shape_cast %get3A_403 : vector<1x16xf32> to vector<16xf32>
        %mul3A_405 = arith.constant 8.000000e+00 : f32
        %mul3A_406 = vector.broadcast %mul3A_405 : f32 to vector<16xf32>
        %mul3A_407 = arith.mulf %get3A_404, %mul3A_406 : vector<16xf32>
        %swap3A_408 = arith.index_cast %add3A_388 : i32 to index
        %swap3A_409 = arith.constant 16 : index
        %swap3A_410 = tpu.vector_load %arg8[%swap3A_408, %swap3A_409] {strides = array<i32>} : memref<128x64xf32, #tpu.memory_space<vmem>>, vector<1x16xf32>,
        %swap3A_411 = vector.shape_cast %swap3A_410 : vector<1x16xf32> to vector<16xf32>
        %swap3A_412 = vector.shape_cast %mul3A_407 : vector<16xf32> to vector<1x16xf32>
        tpu.vector_store %arg8[%swap3A_408, %swap3A_409], %swap3A_412 {strides = array<i32>} : memref<128x64xf32, #tpu.memory_space<vmem>>, vector<1x16xf32>,
        %get3A_413 = arith.index_cast %add3A_388 : i32 to index
        %get3A_414 = arith.constant 32 : index
        %get3A_415 = tpu.vector_load %arg8[%get3A_413, %get3A_414] {strides = array<i32>} : memref<128x64xf32, #tpu.memory_space<vmem>>, vector<1x16xf32>,
        %get3A_416 = vector.shape_cast %get3A_415 : vector<1x16xf32> to vector<16xf32>
        %mul3A_417 = arith.constant 8.000000e+00 : f32
        %mul3A_418 = vector.broadcast %mul3A_417 : f32 to vector<16xf32>
        %mul3A_419 = arith.mulf %get3A_416, %mul3A_418 : vector<16xf32>
        %swap3A_420 = arith.index_cast %add3A_388 : i32 to index
        %swap3A_421 = arith.constant 32 : index
        %swap3A_422 = tpu.vector_load %arg8[%swap3A_420, %swap3A_421] {strides = array<i32>} : memref<128x64xf32, #tpu.memory_space<vmem>>, vector<1x16xf32>,
        %swap3A_423 = vector.shape_cast %swap3A_422 : vector<1x16xf32> to vector<16xf32>
        %swap3A_424 = vector.shape_cast %mul3A_419 : vector<16xf32> to vector<1x16xf32>
        tpu.vector_store %arg8[%swap3A_420, %swap3A_421], %swap3A_424 {strides = array<i32>} : memref<128x64xf32, #tpu.memory_space<vmem>>, vector<1x16xf32>,
        %get3A_425 = arith.index_cast %add3A_388 : i32 to index
        %get3A_426 = arith.constant 48 : index
        %get3A_427 = tpu.vector_load %arg8[%get3A_425, %get3A_426] {strides = array<i32>} : memref<128x64xf32, #tpu.memory_space<vmem>>, vector<1x16xf32>,
        %get3A_428 = vector.shape_cast %get3A_427 : vector<1x16xf32> to vector<16xf32>
        %mul3A_429 = arith.constant 8.000000e+00 : f32
        %mul3A_430 = vector.broadcast %mul3A_429 : f32 to vector<16xf32>
        %mul3A_431 = arith.mulf %get3A_428, %mul3A_430 : vector<16xf32>
        %swap3A_432 = arith.index_cast %add3A_388 : i32 to index
        %swap3A_433 = arith.constant 48 : index
        %swap3A_434 = tpu.vector_load %arg8[%swap3A_432, %swap3A_433] {strides = array<i32>} : memref<128x64xf32, #tpu.memory_space<vmem>>, vector<1x16xf32>,
        %swap3A_435 = vector.shape_cast %swap3A_434 : vector<1x16xf32> to vector<16xf32>
        %swap3A_436 = vector.shape_cast %mul3A_431 : vector<16xf32> to vector<1x16xf32>
        tpu.vector_store %arg8[%swap3A_432, %swap3A_433], %swap3A_436 {strides = array<i32>} : memref<128x64xf32, #tpu.memory_space<vmem>>, vector<1x16xf32>,
        %mul3A_437 = arith.constant 8 : i32
        %mul3A_438 = arith.muli %scan3A_178, %mul3A_437 : i32
        %add3A_439 = arith.constant 5 : i32
        %add3A_440 = arith.addi %mul3A_438, %add3A_439 : i32
        %get3A_441 = arith.index_cast %add3A_440 : i32 to index
        %get3A_442 = arith.constant 0 : index
        %get3A_443 = tpu.vector_load %arg8[%get3A_441, %get3A_442] {strides = array<i32>} : memref<128x64xf32, #tpu.memory_space<vmem>>, vector<1x16xf32>,
        %get3A_444 = vector.shape_cast %get3A_443 : vector<1x16xf32> to vector<16xf32>
        %mul3A_445 = arith.constant 8.000000e+00 : f32
        %mul3A_446 = vector.broadcast %mul3A_445 : f32 to vector<16xf32>
        %mul3A_447 = arith.mulf %get3A_444, %mul3A_446 : vector<16xf32>
        %swap3A_448 = arith.index_cast %add3A_440 : i32 to index
        %swap3A_449 = arith.constant 0 : index
        %swap3A_450 = tpu.vector_load %arg8[%swap3A_448, %swap3A_449] {strides = array<i32>} : memref<128x64xf32, #tpu.memory_space<vmem>>, vector<1x16xf32>,
        %swap3A_451 = vector.shape_cast %swap3A_450 : vector<1x16xf32> to vector<16xf32>
        %swap3A_452 = vector.shape_cast %mul3A_447 : vector<16xf32> to vector<1x16xf32>
        tpu.vector_store %arg8[%swap3A_448, %swap3A_449], %swap3A_452 {strides = array<i32>} : memref<128x64xf32, #tpu.memory_space<vmem>>, vector<1x16xf32>,
        %get3A_453 = arith.index_cast %add3A_440 : i32 to index
        %get3A_454 = arith.constant 16 : index
        %get3A_455 = tpu.vector_load %arg8[%get3A_453, %get3A_454] {strides = array<i32>} : memref<128x64xf32, #tpu.memory_space<vmem>>, vector<1x16xf32>,
        %get3A_456 = vector.shape_cast %get3A_455 : vector<1x16xf32> to vector<16xf32>
        %mul3A_457 = arith.constant 8.000000e+00 : f32
        %mul3A_458 = vector.broadcast %mul3A_457 : f32 to vector<16xf32>
        %mul3A_459 = arith.mulf %get3A_456, %mul3A_458 : vector<16xf32>
        %swap3A_460 = arith.index_cast %add3A_440 : i32 to index
        %swap3A_461 = arith.constant 16 : index
        %swap3A_462 = tpu.vector_load %arg8[%swap3A_460, %swap3A_461] {strides = array<i32>} : memref<128x64xf32, #tpu.memory_space<vmem>>, vector<1x16xf32>,
        %swap3A_463 = vector.shape_cast %swap3A_462 : vector<1x16xf32> to vector<16xf32>
        %swap3A_464 = vector.shape_cast %mul3A_459 : vector<16xf32> to vector<1x16xf32>
        tpu.vector_store %arg8[%swap3A_460, %swap3A_461], %swap3A_464 {strides = array<i32>} : memref<128x64xf32, #tpu.memory_space<vmem>>, vector<1x16xf32>,
        %get3A_465 = arith.index_cast %add3A_440 : i32 to index
        %get3A_466 = arith.constant 32 : index
        %get3A_467 = tpu.vector_load %arg8[%get3A_465, %get3A_466] {strides = array<i32>} : memref<128x64xf32, #tpu.memory_space<vmem>>, vector<1x16xf32>,
        %get3A_468 = vector.shape_cast %get3A_467 : vector<1x16xf32> to vector<16xf32>
        %mul3A_469 = arith.constant 8.000000e+00 : f32
        %mul3A_470 = vector.broadcast %mul3A_469 : f32 to vector<16xf32>
        %mul3A_471 = arith.mulf %get3A_468, %mul3A_470 : vector<16xf32>
        %swap3A_472 = arith.index_cast %add3A_440 : i32 to index
        %swap3A_473 = arith.constant 32 : index
        %swap3A_474 = tpu.vector_load %arg8[%swap3A_472, %swap3A_473] {strides = array<i32>} : memref<128x64xf32, #tpu.memory_space<vmem>>, vector<1x16xf32>,
        %swap3A_475 = vector.shape_cast %swap3A_474 : vector<1x16xf32> to vector<16xf32>
        %swap3A_476 = vector.shape_cast %mul3A_471 : vector<16xf32> to vector<1x16xf32>
        tpu.vector_store %arg8[%swap3A_472, %swap3A_473], %swap3A_476 {strides = array<i32>} : memref<128x64xf32, #tpu.memory_space<vmem>>, vector<1x16xf32>,
        %get3A_477 = arith.index_cast %add3A_440 : i32 to index
        %get3A_478 = arith.constant 48 : index
        %get3A_479 = tpu.vector_load %arg8[%get3A_477, %get3A_478] {strides = array<i32>} : memref<128x64xf32, #tpu.memory_space<vmem>>, vector<1x16xf32>,
        %get3A_480 = vector.shape_cast %get3A_479 : vector<1x16xf32> to vector<16xf32>
        %mul3A_481 = arith.constant 8.000000e+00 : f32
        %mul3A_482 = vector.broadcast %mul3A_481 : f32 to vector<16xf32>
        %mul3A_483 = arith.mulf %get3A_480, %mul3A_482 : vector<16xf32>
        %swap3A_484 = arith.index_cast %add3A_440 : i32 to index
        %swap3A_485 = arith.constant 48 : index
        %swap3A_486 = tpu.vector_load %arg8[%swap3A_484, %swap3A_485] {strides = array<i32>} : memref<128x64xf32, #tpu.memory_space<vmem>>, vector<1x16xf32>,
        %swap3A_487 = vector.shape_cast %swap3A_486 : vector<1x16xf32> to vector<16xf32>
        %swap3A_488 = vector.shape_cast %mul3A_483 : vector<16xf32> to vector<1x16xf32>
        tpu.vector_store %arg8[%swap3A_484, %swap3A_485], %swap3A_488 {strides = array<i32>} : memref<128x64xf32, #tpu.memory_space<vmem>>, vector<1x16xf32>,
        %mul3A_489 = arith.constant 8 : i32
        %mul3A_490 = arith.muli %scan3A_178, %mul3A_489 : i32
        %add3A_491 = arith.constant 6 : i32
        %add3A_492 = arith.addi %mul3A_490, %add3A_491 : i32
        %get3A_493 = arith.index_cast %add3A_492 : i32 to index
        %get3A_494 = arith.constant 0 : index
        %get3A_495 = tpu.vector_load %arg8[%get3A_493, %get3A_494] {strides = array<i32>} : memref<128x64xf32, #tpu.memory_space<vmem>>, vector<1x16xf32>,
        %get3A_496 = vector.shape_cast %get3A_495 : vector<1x16xf32> to vector<16xf32>
        %mul3A_497 = arith.constant 8.000000e+00 : f32
        %mul3A_498 = vector.broadcast %mul3A_497 : f32 to vector<16xf32>
        %mul3A_499 = arith.mulf %get3A_496, %mul3A_498 : vector<16xf32>
        %swap3A_500 = arith.index_cast %add3A_492 : i32 to index
        %swap3A_501 = arith.constant 0 : index
        %swap3A_502 = tpu.vector_load %arg8[%swap3A_500, %swap3A_501] {strides = array<i32>} : memref<128x64xf32, #tpu.memory_space<vmem>>, vector<1x16xf32>,
        %swap3A_503 = vector.shape_cast %swap3A_502 : vector<1x16xf32> to vector<16xf32>
        %swap3A_504 = vector.shape_cast %mul3A_499 : vector<16xf32> to vector<1x16xf32>
        tpu.vector_store %arg8[%swap3A_500, %swap3A_501], %swap3A_504 {strides = array<i32>} : memref<128x64xf32, #tpu.memory_space<vmem>>, vector<1x16xf32>,
        %get3A_505 = arith.index_cast %add3A_492 : i32 to index
        %get3A_506 = arith.constant 16 : index
        %get3A_507 = tpu.vector_load %arg8[%get3A_505, %get3A_506] {strides = array<i32>} : memref<128x64xf32, #tpu.memory_space<vmem>>, vector<1x16xf32>,
        %get3A_508 = vector.shape_cast %get3A_507 : vector<1x16xf32> to vector<16xf32>
        %mul3A_509 = arith.constant 8.000000e+00 : f32
        %mul3A_510 = vector.broadcast %mul3A_509 : f32 to vector<16xf32>
        %mul3A_511 = arith.mulf %get3A_508, %mul3A_510 : vector<16xf32>
        %swap3A_512 = arith.index_cast %add3A_492 : i32 to index
        %swap3A_513 = arith.constant 16 : index
        %swap3A_514 = tpu.vector_load %arg8[%swap3A_512, %swap3A_513] {strides = array<i32>} : memref<128x64xf32, #tpu.memory_space<vmem>>, vector<1x16xf32>,
        %swap3A_515 = vector.shape_cast %swap3A_514 : vector<1x16xf32> to vector<16xf32>
        %swap3A_516 = vector.shape_cast %mul3A_511 : vector<16xf32> to vector<1x16xf32>
        tpu.vector_store %arg8[%swap3A_512, %swap3A_513], %swap3A_516 {strides = array<i32>} : memref<128x64xf32, #tpu.memory_space<vmem>>, vector<1x16xf32>,
        %get3A_517 = arith.index_cast %add3A_492 : i32 to index
        %get3A_518 = arith.constant 32 : index
        %get3A_519 = tpu.vector_load %arg8[%get3A_517, %get3A_518] {strides = array<i32>} : memref<128x64xf32, #tpu.memory_space<vmem>>, vector<1x16xf32>,
        %get3A_520 = vector.shape_cast %get3A_519 : vector<1x16xf32> to vector<16xf32>
        %mul3A_521 = arith.constant 8.000000e+00 : f32
        %mul3A_522 = vector.broadcast %mul3A_521 : f32 to vector<16xf32>
        %mul3A_523 = arith.mulf %get3A_520, %mul3A_522 : vector<16xf32>
        %swap3A_524 = arith.index_cast %add3A_492 : i32 to index
        %swap3A_525 = arith.constant 32 : index
        %swap3A_526 = tpu.vector_load %arg8[%swap3A_524, %swap3A_525] {strides = array<i32>} : memref<128x64xf32, #tpu.memory_space<vmem>>, vector<1x16xf32>,
        %swap3A_527 = vector.shape_cast %swap3A_526 : vector<1x16xf32> to vector<16xf32>
        %swap3A_528 = vector.shape_cast %mul3A_523 : vector<16xf32> to vector<1x16xf32>
        tpu.vector_store %arg8[%swap3A_524, %swap3A_525], %swap3A_528 {strides = array<i32>} : memref<128x64xf32, #tpu.memory_space<vmem>>, vector<1x16xf32>,
        %get3A_529 = arith.index_cast %add3A_492 : i32 to index
        %get3A_530 = arith.constant 48 : index
        %get3A_531 = tpu.vector_load %arg8[%get3A_529, %get3A_530] {strides = array<i32>} : memref<128x64xf32, #tpu.memory_space<vmem>>, vector<1x16xf32>,
        %get3A_532 = vector.shape_cast %get3A_531 : vector<1x16xf32> to vector<16xf32>
        %mul3A_533 = arith.constant 8.000000e+00 : f32
        %mul3A_534 = vector.broadcast %mul3A_533 : f32 to vector<16xf32>
        %mul3A_535 = arith.mulf %get3A_532, %mul3A_534 : vector<16xf32>
        %swap3A_536 = arith.index_cast %add3A_492 : i32 to index
        %swap3A_537 = arith.constant 48 : index
        %swap3A_538 = tpu.vector_load %arg8[%swap3A_536, %swap3A_537] {strides = array<i32>} : memref<128x64xf32, #tpu.memory_space<vmem>>, vector<1x16xf32>,
        %swap3A_539 = vector.shape_cast %swap3A_538 : vector<1x16xf32> to vector<16xf32>
        %swap3A_540 = vector.shape_cast %mul3A_535 : vector<16xf32> to vector<1x16xf32>
        tpu.vector_store %arg8[%swap3A_536, %swap3A_537], %swap3A_540 {strides = array<i32>} : memref<128x64xf32, #tpu.memory_space<vmem>>, vector<1x16xf32>,
        %mul3A_541 = arith.constant 8 : i32
        %mul3A_542 = arith.muli %scan3A_178, %mul3A_541 : i32
        %add3A_543 = arith.constant 7 : i32
        %add3A_544 = arith.addi %mul3A_542, %add3A_543 : i32
        %get3A_545 = arith.index_cast %add3A_544 : i32 to index
        %get3A_546 = arith.constant 0 : index
        %get3A_547 = tpu.vector_load %arg8[%get3A_545, %get3A_546] {strides = array<i32>} : memref<128x64xf32, #tpu.memory_space<vmem>>, vector<1x16xf32>,
        %get3A_548 = vector.shape_cast %get3A_547 : vector<1x16xf32> to vector<16xf32>
        %mul3A_549 = arith.constant 8.000000e+00 : f32
        %mul3A_550 = vector.broadcast %mul3A_549 : f32 to vector<16xf32>
        %mul3A_551 = arith.mulf %get3A_548, %mul3A_550 : vector<16xf32>
        %swap3A_552 = arith.index_cast %add3A_544 : i32 to index
        %swap3A_553 = arith.constant 0 : index
        %swap3A_554 = tpu.vector_load %arg8[%swap3A_552, %swap3A_553] {strides = array<i32>} : memref<128x64xf32, #tpu.memory_space<vmem>>, vector<1x16xf32>,
        %swap3A_555 = vector.shape_cast %swap3A_554 : vector<1x16xf32> to vector<16xf32>
        %swap3A_556 = vector.shape_cast %mul3A_551 : vector<16xf32> to vector<1x16xf32>
        tpu.vector_store %arg8[%swap3A_552, %swap3A_553], %swap3A_556 {strides = array<i32>} : memref<128x64xf32, #tpu.memory_space<vmem>>, vector<1x16xf32>,
        %get3A_557 = arith.index_cast %add3A_544 : i32 to index
        %get3A_558 = arith.constant 16 : index
        %get3A_559 = tpu.vector_load %arg8[%get3A_557, %get3A_558] {strides = array<i32>} : memref<128x64xf32, #tpu.memory_space<vmem>>, vector<1x16xf32>,
        %get3A_560 = vector.shape_cast %get3A_559 : vector<1x16xf32> to vector<16xf32>
        %mul3A_561 = arith.constant 8.000000e+00 : f32
        %mul3A_562 = vector.broadcast %mul3A_561 : f32 to vector<16xf32>
        %mul3A_563 = arith.mulf %get3A_560, %mul3A_562 : vector<16xf32>
        %swap3A_564 = arith.index_cast %add3A_544 : i32 to index
        %swap3A_565 = arith.constant 16 : index
        %swap3A_566 = tpu.vector_load %arg8[%swap3A_564, %swap3A_565] {strides = array<i32>} : memref<128x64xf32, #tpu.memory_space<vmem>>, vector<1x16xf32>,
        %swap3A_567 = vector.shape_cast %swap3A_566 : vector<1x16xf32> to vector<16xf32>
        %swap3A_568 = vector.shape_cast %mul3A_563 : vector<16xf32> to vector<1x16xf32>
        tpu.vector_store %arg8[%swap3A_564, %swap3A_565], %swap3A_568 {strides = array<i32>} : memref<128x64xf32, #tpu.memory_space<vmem>>, vector<1x16xf32>,
        %get3A_569 = arith.index_cast %add3A_544 : i32 to index
        %get3A_570 = arith.constant 32 : index
        %get3A_571 = tpu.vector_load %arg8[%get3A_569, %get3A_570] {strides = array<i32>} : memref<128x64xf32, #tpu.memory_space<vmem>>, vector<1x16xf32>,
        %get3A_572 = vector.shape_cast %get3A_571 : vector<1x16xf32> to vector<16xf32>
        %mul3A_573 = arith.constant 8.000000e+00 : f32
        %mul3A_574 = vector.broadcast %mul3A_573 : f32 to vector<16xf32>
        %mul3A_575 = arith.mulf %get3A_572, %mul3A_574 : vector<16xf32>
        %swap3A_576 = arith.index_cast %add3A_544 : i32 to index
        %swap3A_577 = arith.constant 32 : index
        %swap3A_578 = tpu.vector_load %arg8[%swap3A_576, %swap3A_577] {strides = array<i32>} : memref<128x64xf32, #tpu.memory_space<vmem>>, vector<1x16xf32>,
        %swap3A_579 = vector.shape_cast %swap3A_578 : vector<1x16xf32> to vector<16xf32>
        %swap3A_580 = vector.shape_cast %mul3A_575 : vector<16xf32> to vector<1x16xf32>
        tpu.vector_store %arg8[%swap3A_576, %swap3A_577], %swap3A_580 {strides = array<i32>} : memref<128x64xf32, #tpu.memory_space<vmem>>, vector<1x16xf32>,
        %get3A_581 = arith.index_cast %add3A_544 : i32 to index
        %get3A_582 = arith.constant 48 : index
        %get3A_583 = tpu.vector_load %arg8[%get3A_581, %get3A_582] {strides = array<i32>} : memref<128x64xf32, #tpu.memory_space<vmem>>, vector<1x16xf32>,
        %get3A_584 = vector.shape_cast %get3A_583 : vector<1x16xf32> to vector<16xf32>
        %mul3A_585 = arith.constant 8.000000e+00 : f32
        %mul3A_586 = vector.broadcast %mul3A_585 : f32 to vector<16xf32>
        %mul3A_587 = arith.mulf %get3A_584, %mul3A_586 : vector<16xf32>
        %swap3A_588 = arith.index_cast %add3A_544 : i32 to index
        %swap3A_589 = arith.constant 48 : index
        %swap3A_590 = tpu.vector_load %arg8[%swap3A_588, %swap3A_589] {strides = array<i32>} : memref<128x64xf32, #tpu.memory_space<vmem>>, vector<1x16xf32>,
        %swap3A_591 = vector.shape_cast %swap3A_590 : vector<1x16xf32> to vector<16xf32>
        %swap3A_592 = vector.shape_cast %mul3A_587 : vector<16xf32> to vector<1x16xf32>
        tpu.vector_store %arg8[%swap3A_588, %swap3A_589], %swap3A_592 {strides = array<i32>} : memref<128x64xf32, #tpu.memory_space<vmem>>, vector<1x16xf32>,
      }
      %scan3A_131 = arith.constant 16 : i32
      %mul3A_132 = arith.constant 128 : i32
      %mul3A_133 = arith.muli %add3A_119, %mul3A_132 : i32
      %add3A_134 = arith.addi %mul3A_2, %mul3A_133 : i32
      %dma_start3A_135 = arith.constant 0 : i32
      %dma_start3A_136 = tpu.memref_slice %arg4[%add3A_134, %dma_start3A_135] : memref<819200x64xf32, #tpu.memory_space<hbm>> -> memref<128x64xf32, #tpu.memory_space<hbm>>
      %dma_start3A_137 = arith.constant 0 : i32
      %dma_start3A_138 = tpu.memref_slice %arg4[%add3A_134, %dma_start3A_137] : memref<819200x64xf32, #tpu.memory_space<hbm>> -> memref<128x64xf32, #tpu.memory_space<hbm>>
      tpu.enqueue_dma source(%arg8 : memref<128x64xf32, #tpu.memory_space<vmem>>) target(%dma_start3A_138 : memref<128x64xf32, #tpu.memory_space<hbm>>) target_semaphore(%arg16 : memref<!tpu.dma_semaphore, #tpu.memory_space<semaphore_mem>>)
      %ge3A_139 = arith.constant 2 : i32
      %ge3A_140 = arith.cmpi sge, %add3A_119, %ge3A_139 : i32
      %le3A_141 = arith.constant 197 : i32
      %le3A_142 = arith.cmpi sle, %add3A_119, %le3A_141 : i32
      %and3A_143 = arith.andi %ge3A_140, %le3A_142 : i1
      %convert_element_type3A_144 = arith.extui %and3A_143 : i1 to i32
      %cond3A_145 = arith.constant 0 : i32
      %cond3A_146 = arith.cmpi ne, %convert_element_type3A_144, %cond3A_145 : i32
      scf.if %cond3A_146 {
        %sub3A = arith.constant 2 : i32
        %sub3A_178 = arith.subi %add3A_119, %sub3A : i32
        %mul3A_179 = arith.constant 128 : i32
        %mul3A_180 = arith.muli %sub3A_178, %mul3A_179 : i32
        %add3A_181 = arith.addi %mul3A_2, %mul3A_180 : i32
        %dma_wait3A_182 = arith.constant 0 : i32
        %dma_wait3A_183 = tpu.memref_slice %arg4[%add3A_181, %dma_wait3A_182] : memref<819200x64xf32, #tpu.memory_space<hbm>> -> memref<128x64xf32, #tpu.memory_space<hbm>>
        %dma_wait3A_184 = arith.constant 0 : i32
        %dma_wait3A_185 = tpu.memref_slice %arg4[%add3A_181, %dma_wait3A_184] : memref<819200x64xf32, #tpu.memory_space<hbm>> -> memref<128x64xf32, #tpu.memory_space<hbm>>
        tpu.wait_dma2 semaphore(%arg14 : memref<!tpu.dma_semaphore, #tpu.memory_space<semaphore_mem>>) src(%arg6 : memref<128x64xf32, #tpu.memory_space<vmem>>) dst(%dma_wait3A_185 : memref<128x64xf32, #tpu.memory_space<hbm>>)
        %add3A_186 = arith.constant 2 : i32
        %add3A_187 = arith.addi %add3A_119, %add3A_186 : i32
        %dma_start3A_188 = arith.constant 0 : i32
        %dma_start3A_189 = tpu.memref_slice %arg5[%add3A_187, %dma_start3A_188] : memref<200x128xi32, #tpu.memory_space<vmem>> -> memref<1x128xi32, #tpu.memory_space<vmem>>
        %dma_start3A_190 = tpu.memref_squeeze %dma_start3A_189 : memref<1x128xi32, #tpu.memory_space<vmem>> -> memref<128xi32, #tpu.memory_space<vmem>>
        %dma_start3A_191 = arith.constant 0 : i32
        %dma_start3A_192 = arith.constant 0 : i32
        %dma_start3A_193 = tpu.memref_slice %arg3[%dma_start3A_191, %dma_start3A_192] : memref<1000000x64xf32, #tpu.memory_space<hbm>> -> memref<1000000x64xf32, #tpu.memory_space<hbm>>
        tpu.enqueue_indirect_dma source(%dma_start3A_193 : memref<1000000x64xf32, #tpu.memory_space<hbm>>) target(%arg6 : memref<128x64xf32, #tpu.memory_space<vmem>>) offsets(%dma_start3A_190 : memref<128xi32, #tpu.memory_space<vmem>>) semaphore(%arg10 : memref<!tpu.dma_semaphore, #tpu.memory_space<semaphore_mem>>)
      } else {
      }
      %mul3A_147 = arith.constant 4 : i32
      %mul3A_148 = arith.muli %scan3A_58, %mul3A_147 : i32
      %add3A_149 = arith.constant 3 : i32
      %add3A_150 = arith.addi %mul3A_148, %add3A_149 : i32
      %dma_wait3A_151 = arith.constant 0 : i32
      %dma_wait3A_152 = tpu.memref_slice %arg5[%add3A_150, %dma_wait3A_151] : memref<200x128xi32, #tpu.memory_space<vmem>> -> memref<1x128xi32, #tpu.memory_space<vmem>>
      %dma_wait3A_153 = tpu.memref_squeeze %dma_wait3A_152 : memref<1x128xi32, #tpu.memory_space<vmem>> -> memref<128xi32, #tpu.memory_space<vmem>>
      %dma_wait3A_154 = arith.constant 0 : i32
      %dma_wait3A_155 = arith.constant 0 : i32
      %dma_wait3A_156 = tpu.memref_slice %arg3[%dma_wait3A_154, %dma_wait3A_155] : memref<1000000x64xf32, #tpu.memory_space<hbm>> -> memref<1000000x64xf32, #tpu.memory_space<hbm>>
      tpu.wait_indirect_dma semaphore(%arg13 : memref<!tpu.dma_semaphore, #tpu.memory_space<semaphore_mem>>) src(%dma_wait3A_156 : memref<1000000x64xf32, #tpu.memory_space<hbm>>) dst(%arg9 : memref<128x64xf32, #tpu.memory_space<vmem>>)
      %scan3A_157 = arith.constant 0 : i32
      %scan3A_158 = arith.constant 0 : i32
      %scan3A_159 = arith.constant 16 : i32
      %scan3A_160 = arith.addi %scan3A_158, %scan3A_159 : i32
      %scan3A_161 = arith.constant 1 : i32
      scf.for %scan3A_178 = %scan3A_158 to %scan3A_160 step %scan3A_161  : i32 {
        %mul3A_179 = arith.constant 8 : i32
        %mul3A_180 = arith.muli %scan3A_178, %mul3A_179 : i32
        %add3A_181 = arith.constant 0 : i32
        %add3A_182 = arith.addi %mul3A_180, %add3A_181 : i32
        %get3A = arith.index_cast %add3A_182 : i32 to index
        %get3A_183 = arith.constant 0 : index
        %get3A_184 = tpu.vector_load %arg9[%get3A, %get3A_183] {strides = array<i32>} : memref<128x64xf32, #tpu.memory_space<vmem>>, vector<1x16xf32>,
        %get3A_185 = vector.shape_cast %get3A_184 : vector<1x16xf32> to vector<16xf32>
        %mul3A_186 = arith.constant 8.000000e+00 : f32
        %mul3A_187 = vector.broadcast %mul3A_186 : f32 to vector<16xf32>
        %mul3A_188 = arith.mulf %get3A_185, %mul3A_187 : vector<16xf32>
        %swap3A = arith.index_cast %add3A_182 : i32 to index
        %swap3A_189 = arith.constant 0 : index
        %swap3A_190 = tpu.vector_load %arg9[%swap3A, %swap3A_189] {strides = array<i32>} : memref<128x64xf32, #tpu.memory_space<vmem>>, vector<1x16xf32>,
        %swap3A_191 = vector.shape_cast %swap3A_190 : vector<1x16xf32> to vector<16xf32>
        %swap3A_192 = vector.shape_cast %mul3A_188 : vector<16xf32> to vector<1x16xf32>
        tpu.vector_store %arg9[%swap3A, %swap3A_189], %swap3A_192 {strides = array<i32>} : memref<128x64xf32, #tpu.memory_space<vmem>>, vector<1x16xf32>,
        %get3A_193 = arith.index_cast %add3A_182 : i32 to index
        %get3A_194 = arith.constant 16 : index
        %get3A_195 = tpu.vector_load %arg9[%get3A_193, %get3A_194] {strides = array<i32>} : memref<128x64xf32, #tpu.memory_space<vmem>>, vector<1x16xf32>,
        %get3A_196 = vector.shape_cast %get3A_195 : vector<1x16xf32> to vector<16xf32>
        %mul3A_197 = arith.constant 8.000000e+00 : f32
        %mul3A_198 = vector.broadcast %mul3A_197 : f32 to vector<16xf32>
        %mul3A_199 = arith.mulf %get3A_196, %mul3A_198 : vector<16xf32>
        %swap3A_200 = arith.index_cast %add3A_182 : i32 to index
        %swap3A_201 = arith.constant 16 : index
        %swap3A_202 = tpu.vector_load %arg9[%swap3A_200, %swap3A_201] {strides = array<i32>} : memref<128x64xf32, #tpu.memory_space<vmem>>, vector<1x16xf32>,
        %swap3A_203 = vector.shape_cast %swap3A_202 : vector<1x16xf32> to vector<16xf32>
        %swap3A_204 = vector.shape_cast %mul3A_199 : vector<16xf32> to vector<1x16xf32>
        tpu.vector_store %arg9[%swap3A_200, %swap3A_201], %swap3A_204 {strides = array<i32>} : memref<128x64xf32, #tpu.memory_space<vmem>>, vector<1x16xf32>,
        %get3A_205 = arith.index_cast %add3A_182 : i32 to index
        %get3A_206 = arith.constant 32 : index
        %get3A_207 = tpu.vector_load %arg9[%get3A_205, %get3A_206] {strides = array<i32>} : memref<128x64xf32, #tpu.memory_space<vmem>>, vector<1x16xf32>,
        %get3A_208 = vector.shape_cast %get3A_207 : vector<1x16xf32> to vector<16xf32>
        %mul3A_209 = arith.constant 8.000000e+00 : f32
        %mul3A_210 = vector.broadcast %mul3A_209 : f32 to vector<16xf32>
        %mul3A_211 = arith.mulf %get3A_208, %mul3A_210 : vector<16xf32>
        %swap3A_212 = arith.index_cast %add3A_182 : i32 to index
        %swap3A_213 = arith.constant 32 : index
        %swap3A_214 = tpu.vector_load %arg9[%swap3A_212, %swap3A_213] {strides = array<i32>} : memref<128x64xf32, #tpu.memory_space<vmem>>, vector<1x16xf32>,
        %swap3A_215 = vector.shape_cast %swap3A_214 : vector<1x16xf32> to vector<16xf32>
        %swap3A_216 = vector.shape_cast %mul3A_211 : vector<16xf32> to vector<1x16xf32>
        tpu.vector_store %arg9[%swap3A_212, %swap3A_213], %swap3A_216 {strides = array<i32>} : memref<128x64xf32, #tpu.memory_space<vmem>>, vector<1x16xf32>,
        %get3A_217 = arith.index_cast %add3A_182 : i32 to index
        %get3A_218 = arith.constant 48 : index
        %get3A_219 = tpu.vector_load %arg9[%get3A_217, %get3A_218] {strides = array<i32>} : memref<128x64xf32, #tpu.memory_space<vmem>>, vector<1x16xf32>,
        %get3A_220 = vector.shape_cast %get3A_219 : vector<1x16xf32> to vector<16xf32>
        %mul3A_221 = arith.constant 8.000000e+00 : f32
        %mul3A_222 = vector.broadcast %mul3A_221 : f32 to vector<16xf32>
        %mul3A_223 = arith.mulf %get3A_220, %mul3A_222 : vector<16xf32>
        %swap3A_224 = arith.index_cast %add3A_182 : i32 to index
        %swap3A_225 = arith.constant 48 : index
        %swap3A_226 = tpu.vector_load %arg9[%swap3A_224, %swap3A_225] {strides = array<i32>} : memref<128x64xf32, #tpu.memory_space<vmem>>, vector<1x16xf32>,
        %swap3A_227 = vector.shape_cast %swap3A_226 : vector<1x16xf32> to vector<16xf32>
        %swap3A_228 = vector.shape_cast %mul3A_223 : vector<16xf32> to vector<1x16xf32>
        tpu.vector_store %arg9[%swap3A_224, %swap3A_225], %swap3A_228 {strides = array<i32>} : memref<128x64xf32, #tpu.memory_space<vmem>>, vector<1x16xf32>,
        %mul3A_229 = arith.constant 8 : i32
        %mul3A_230 = arith.muli %scan3A_178, %mul3A_229 : i32
        %add3A_231 = arith.constant 1 : i32
        %add3A_232 = arith.addi %mul3A_230, %add3A_231 : i32
        %get3A_233 = arith.index_cast %add3A_232 : i32 to index
        %get3A_234 = arith.constant 0 : index
        %get3A_235 = tpu.vector_load %arg9[%get3A_233, %get3A_234] {strides = array<i32>} : memref<128x64xf32, #tpu.memory_space<vmem>>, vector<1x16xf32>,
        %get3A_236 = vector.shape_cast %get3A_235 : vector<1x16xf32> to vector<16xf32>
        %mul3A_237 = arith.constant 8.000000e+00 : f32
        %mul3A_238 = vector.broadcast %mul3A_237 : f32 to vector<16xf32>
        %mul3A_239 = arith.mulf %get3A_236, %mul3A_238 : vector<16xf32>
        %swap3A_240 = arith.index_cast %add3A_232 : i32 to index
        %swap3A_241 = arith.constant 0 : index
        %swap3A_242 = tpu.vector_load %arg9[%swap3A_240, %swap3A_241] {strides = array<i32>} : memref<128x64xf32, #tpu.memory_space<vmem>>, vector<1x16xf32>,
        %swap3A_243 = vector.shape_cast %swap3A_242 : vector<1x16xf32> to vector<16xf32>
        %swap3A_244 = vector.shape_cast %mul3A_239 : vector<16xf32> to vector<1x16xf32>
        tpu.vector_store %arg9[%swap3A_240, %swap3A_241], %swap3A_244 {strides = array<i32>} : memref<128x64xf32, #tpu.memory_space<vmem>>, vector<1x16xf32>,
        %get3A_245 = arith.index_cast %add3A_232 : i32 to index
        %get3A_246 = arith.constant 16 : index
        %get3A_247 = tpu.vector_load %arg9[%get3A_245, %get3A_246] {strides = array<i32>} : memref<128x64xf32, #tpu.memory_space<vmem>>, vector<1x16xf32>,
        %get3A_248 = vector.shape_cast %get3A_247 : vector<1x16xf32> to vector<16xf32>
        %mul3A_249 = arith.constant 8.000000e+00 : f32
        %mul3A_250 = vector.broadcast %mul3A_249 : f32 to vector<16xf32>
        %mul3A_251 = arith.mulf %get3A_248, %mul3A_250 : vector<16xf32>
        %swap3A_252 = arith.index_cast %add3A_232 : i32 to index
        %swap3A_253 = arith.constant 16 : index
        %swap3A_254 = tpu.vector_load %arg9[%swap3A_252, %swap3A_253] {strides = array<i32>} : memref<128x64xf32, #tpu.memory_space<vmem>>, vector<1x16xf32>,
        %swap3A_255 = vector.shape_cast %swap3A_254 : vector<1x16xf32> to vector<16xf32>
        %swap3A_256 = vector.shape_cast %mul3A_251 : vector<16xf32> to vector<1x16xf32>
        tpu.vector_store %arg9[%swap3A_252, %swap3A_253], %swap3A_256 {strides = array<i32>} : memref<128x64xf32, #tpu.memory_space<vmem>>, vector<1x16xf32>,
        %get3A_257 = arith.index_cast %add3A_232 : i32 to index
        %get3A_258 = arith.constant 32 : index
        %get3A_259 = tpu.vector_load %arg9[%get3A_257, %get3A_258] {strides = array<i32>} : memref<128x64xf32, #tpu.memory_space<vmem>>, vector<1x16xf32>,
        %get3A_260 = vector.shape_cast %get3A_259 : vector<1x16xf32> to vector<16xf32>
        %mul3A_261 = arith.constant 8.000000e+00 : f32
        %mul3A_262 = vector.broadcast %mul3A_261 : f32 to vector<16xf32>
        %mul3A_263 = arith.mulf %get3A_260, %mul3A_262 : vector<16xf32>
        %swap3A_264 = arith.index_cast %add3A_232 : i32 to index
        %swap3A_265 = arith.constant 32 : index
        %swap3A_266 = tpu.vector_load %arg9[%swap3A_264, %swap3A_265] {strides = array<i32>} : memref<128x64xf32, #tpu.memory_space<vmem>>, vector<1x16xf32>,
        %swap3A_267 = vector.shape_cast %swap3A_266 : vector<1x16xf32> to vector<16xf32>
        %swap3A_268 = vector.shape_cast %mul3A_263 : vector<16xf32> to vector<1x16xf32>
        tpu.vector_store %arg9[%swap3A_264, %swap3A_265], %swap3A_268 {strides = array<i32>} : memref<128x64xf32, #tpu.memory_space<vmem>>, vector<1x16xf32>,
        %get3A_269 = arith.index_cast %add3A_232 : i32 to index
        %get3A_270 = arith.constant 48 : index
        %get3A_271 = tpu.vector_load %arg9[%get3A_269, %get3A_270] {strides = array<i32>} : memref<128x64xf32, #tpu.memory_space<vmem>>, vector<1x16xf32>,
        %get3A_272 = vector.shape_cast %get3A_271 : vector<1x16xf32> to vector<16xf32>
        %mul3A_273 = arith.constant 8.000000e+00 : f32
        %mul3A_274 = vector.broadcast %mul3A_273 : f32 to vector<16xf32>
        %mul3A_275 = arith.mulf %get3A_272, %mul3A_274 : vector<16xf32>
        %swap3A_276 = arith.index_cast %add3A_232 : i32 to index
        %swap3A_277 = arith.constant 48 : index
        %swap3A_278 = tpu.vector_load %arg9[%swap3A_276, %swap3A_277] {strides = array<i32>} : memref<128x64xf32, #tpu.memory_space<vmem>>, vector<1x16xf32>,
        %swap3A_279 = vector.shape_cast %swap3A_278 : vector<1x16xf32> to vector<16xf32>
        %swap3A_280 = vector.shape_cast %mul3A_275 : vector<16xf32> to vector<1x16xf32>
        tpu.vector_store %arg9[%swap3A_276, %swap3A_277], %swap3A_280 {strides = array<i32>} : memref<128x64xf32, #tpu.memory_space<vmem>>, vector<1x16xf32>,
        %mul3A_281 = arith.constant 8 : i32
        %mul3A_282 = arith.muli %scan3A_178, %mul3A_281 : i32
        %add3A_283 = arith.constant 2 : i32
        %add3A_284 = arith.addi %mul3A_282, %add3A_283 : i32
        %get3A_285 = arith.index_cast %add3A_284 : i32 to index
        %get3A_286 = arith.constant 0 : index
        %get3A_287 = tpu.vector_load %arg9[%get3A_285, %get3A_286] {strides = array<i32>} : memref<128x64xf32, #tpu.memory_space<vmem>>, vector<1x16xf32>,
        %get3A_288 = vector.shape_cast %get3A_287 : vector<1x16xf32> to vector<16xf32>
        %mul3A_289 = arith.constant 8.000000e+00 : f32
        %mul3A_290 = vector.broadcast %mul3A_289 : f32 to vector<16xf32>
        %mul3A_291 = arith.mulf %get3A_288, %mul3A_290 : vector<16xf32>
        %swap3A_292 = arith.index_cast %add3A_284 : i32 to index
        %swap3A_293 = arith.constant 0 : index
        %swap3A_294 = tpu.vector_load %arg9[%swap3A_292, %swap3A_293] {strides = array<i32>} : memref<128x64xf32, #tpu.memory_space<vmem>>, vector<1x16xf32>,
        %swap3A_295 = vector.shape_cast %swap3A_294 : vector<1x16xf32> to vector<16xf32>
        %swap3A_296 = vector.shape_cast %mul3A_291 : vector<16xf32> to vector<1x16xf32>
        tpu.vector_store %arg9[%swap3A_292, %swap3A_293], %swap3A_296 {strides = array<i32>} : memref<128x64xf32, #tpu.memory_space<vmem>>, vector<1x16xf32>,
        %get3A_297 = arith.index_cast %add3A_284 : i32 to index
        %get3A_298 = arith.constant 16 : index
        %get3A_299 = tpu.vector_load %arg9[%get3A_297, %get3A_298] {strides = array<i32>} : memref<128x64xf32, #tpu.memory_space<vmem>>, vector<1x16xf32>,
        %get3A_300 = vector.shape_cast %get3A_299 : vector<1x16xf32> to vector<16xf32>
        %mul3A_301 = arith.constant 8.000000e+00 : f32
        %mul3A_302 = vector.broadcast %mul3A_301 : f32 to vector<16xf32>
        %mul3A_303 = arith.mulf %get3A_300, %mul3A_302 : vector<16xf32>
        %swap3A_304 = arith.index_cast %add3A_284 : i32 to index
        %swap3A_305 = arith.constant 16 : index
        %swap3A_306 = tpu.vector_load %arg9[%swap3A_304, %swap3A_305] {strides = array<i32>} : memref<128x64xf32, #tpu.memory_space<vmem>>, vector<1x16xf32>,
        %swap3A_307 = vector.shape_cast %swap3A_306 : vector<1x16xf32> to vector<16xf32>
        %swap3A_308 = vector.shape_cast %mul3A_303 : vector<16xf32> to vector<1x16xf32>
        tpu.vector_store %arg9[%swap3A_304, %swap3A_305], %swap3A_308 {strides = array<i32>} : memref<128x64xf32, #tpu.memory_space<vmem>>, vector<1x16xf32>,
        %get3A_309 = arith.index_cast %add3A_284 : i32 to index
        %get3A_310 = arith.constant 32 : index
        %get3A_311 = tpu.vector_load %arg9[%get3A_309, %get3A_310] {strides = array<i32>} : memref<128x64xf32, #tpu.memory_space<vmem>>, vector<1x16xf32>,
        %get3A_312 = vector.shape_cast %get3A_311 : vector<1x16xf32> to vector<16xf32>
        %mul3A_313 = arith.constant 8.000000e+00 : f32
        %mul3A_314 = vector.broadcast %mul3A_313 : f32 to vector<16xf32>
        %mul3A_315 = arith.mulf %get3A_312, %mul3A_314 : vector<16xf32>
        %swap3A_316 = arith.index_cast %add3A_284 : i32 to index
        %swap3A_317 = arith.constant 32 : index
        %swap3A_318 = tpu.vector_load %arg9[%swap3A_316, %swap3A_317] {strides = array<i32>} : memref<128x64xf32, #tpu.memory_space<vmem>>, vector<1x16xf32>,
        %swap3A_319 = vector.shape_cast %swap3A_318 : vector<1x16xf32> to vector<16xf32>
        %swap3A_320 = vector.shape_cast %mul3A_315 : vector<16xf32> to vector<1x16xf32>
        tpu.vector_store %arg9[%swap3A_316, %swap3A_317], %swap3A_320 {strides = array<i32>} : memref<128x64xf32, #tpu.memory_space<vmem>>, vector<1x16xf32>,
        %get3A_321 = arith.index_cast %add3A_284 : i32 to index
        %get3A_322 = arith.constant 48 : index
        %get3A_323 = tpu.vector_load %arg9[%get3A_321, %get3A_322] {strides = array<i32>} : memref<128x64xf32, #tpu.memory_space<vmem>>, vector<1x16xf32>,
        %get3A_324 = vector.shape_cast %get3A_323 : vector<1x16xf32> to vector<16xf32>
        %mul3A_325 = arith.constant 8.000000e+00 : f32
        %mul3A_326 = vector.broadcast %mul3A_325 : f32 to vector<16xf32>
        %mul3A_327 = arith.mulf %get3A_324, %mul3A_326 : vector<16xf32>
        %swap3A_328 = arith.index_cast %add3A_284 : i32 to index
        %swap3A_329 = arith.constant 48 : index
        %swap3A_330 = tpu.vector_load %arg9[%swap3A_328, %swap3A_329] {strides = array<i32>} : memref<128x64xf32, #tpu.memory_space<vmem>>, vector<1x16xf32>,
        %swap3A_331 = vector.shape_cast %swap3A_330 : vector<1x16xf32> to vector<16xf32>
        %swap3A_332 = vector.shape_cast %mul3A_327 : vector<16xf32> to vector<1x16xf32>
        tpu.vector_store %arg9[%swap3A_328, %swap3A_329], %swap3A_332 {strides = array<i32>} : memref<128x64xf32, #tpu.memory_space<vmem>>, vector<1x16xf32>,
        %mul3A_333 = arith.constant 8 : i32
        %mul3A_334 = arith.muli %scan3A_178, %mul3A_333 : i32
        %add3A_335 = arith.constant 3 : i32
        %add3A_336 = arith.addi %mul3A_334, %add3A_335 : i32
        %get3A_337 = arith.index_cast %add3A_336 : i32 to index
        %get3A_338 = arith.constant 0 : index
        %get3A_339 = tpu.vector_load %arg9[%get3A_337, %get3A_338] {strides = array<i32>} : memref<128x64xf32, #tpu.memory_space<vmem>>, vector<1x16xf32>,
        %get3A_340 = vector.shape_cast %get3A_339 : vector<1x16xf32> to vector<16xf32>
        %mul3A_341 = arith.constant 8.000000e+00 : f32
        %mul3A_342 = vector.broadcast %mul3A_341 : f32 to vector<16xf32>
        %mul3A_343 = arith.mulf %get3A_340, %mul3A_342 : vector<16xf32>
        %swap3A_344 = arith.index_cast %add3A_336 : i32 to index
        %swap3A_345 = arith.constant 0 : index
        %swap3A_346 = tpu.vector_load %arg9[%swap3A_344, %swap3A_345] {strides = array<i32>} : memref<128x64xf32, #tpu.memory_space<vmem>>, vector<1x16xf32>,
        %swap3A_347 = vector.shape_cast %swap3A_346 : vector<1x16xf32> to vector<16xf32>
        %swap3A_348 = vector.shape_cast %mul3A_343 : vector<16xf32> to vector<1x16xf32>
        tpu.vector_store %arg9[%swap3A_344, %swap3A_345], %swap3A_348 {strides = array<i32>} : memref<128x64xf32, #tpu.memory_space<vmem>>, vector<1x16xf32>,
        %get3A_349 = arith.index_cast %add3A_336 : i32 to index
        %get3A_350 = arith.constant 16 : index
        %get3A_351 = tpu.vector_load %arg9[%get3A_349, %get3A_350] {strides = array<i32>} : memref<128x64xf32, #tpu.memory_space<vmem>>, vector<1x16xf32>,
        %get3A_352 = vector.shape_cast %get3A_351 : vector<1x16xf32> to vector<16xf32>
        %mul3A_353 = arith.constant 8.000000e+00 : f32
        %mul3A_354 = vector.broadcast %mul3A_353 : f32 to vector<16xf32>
        %mul3A_355 = arith.mulf %get3A_352, %mul3A_354 : vector<16xf32>
        %swap3A_356 = arith.index_cast %add3A_336 : i32 to index
        %swap3A_357 = arith.constant 16 : index
        %swap3A_358 = tpu.vector_load %arg9[%swap3A_356, %swap3A_357] {strides = array<i32>} : memref<128x64xf32, #tpu.memory_space<vmem>>, vector<1x16xf32>,
        %swap3A_359 = vector.shape_cast %swap3A_358 : vector<1x16xf32> to vector<16xf32>
        %swap3A_360 = vector.shape_cast %mul3A_355 : vector<16xf32> to vector<1x16xf32>
        tpu.vector_store %arg9[%swap3A_356, %swap3A_357], %swap3A_360 {strides = array<i32>} : memref<128x64xf32, #tpu.memory_space<vmem>>, vector<1x16xf32>,
        %get3A_361 = arith.index_cast %add3A_336 : i32 to index
        %get3A_362 = arith.constant 32 : index
        %get3A_363 = tpu.vector_load %arg9[%get3A_361, %get3A_362] {strides = array<i32>} : memref<128x64xf32, #tpu.memory_space<vmem>>, vector<1x16xf32>,
        %get3A_364 = vector.shape_cast %get3A_363 : vector<1x16xf32> to vector<16xf32>
        %mul3A_365 = arith.constant 8.000000e+00 : f32
        %mul3A_366 = vector.broadcast %mul3A_365 : f32 to vector<16xf32>
        %mul3A_367 = arith.mulf %get3A_364, %mul3A_366 : vector<16xf32>
        %swap3A_368 = arith.index_cast %add3A_336 : i32 to index
        %swap3A_369 = arith.constant 32 : index
        %swap3A_370 = tpu.vector_load %arg9[%swap3A_368, %swap3A_369] {strides = array<i32>} : memref<128x64xf32, #tpu.memory_space<vmem>>, vector<1x16xf32>,
        %swap3A_371 = vector.shape_cast %swap3A_370 : vector<1x16xf32> to vector<16xf32>
        %swap3A_372 = vector.shape_cast %mul3A_367 : vector<16xf32> to vector<1x16xf32>
        tpu.vector_store %arg9[%swap3A_368, %swap3A_369], %swap3A_372 {strides = array<i32>} : memref<128x64xf32, #tpu.memory_space<vmem>>, vector<1x16xf32>,
        %get3A_373 = arith.index_cast %add3A_336 : i32 to index
        %get3A_374 = arith.constant 48 : index
        %get3A_375 = tpu.vector_load %arg9[%get3A_373, %get3A_374] {strides = array<i32>} : memref<128x64xf32, #tpu.memory_space<vmem>>, vector<1x16xf32>,
        %get3A_376 = vector.shape_cast %get3A_375 : vector<1x16xf32> to vector<16xf32>
        %mul3A_377 = arith.constant 8.000000e+00 : f32
        %mul3A_378 = vector.broadcast %mul3A_377 : f32 to vector<16xf32>
        %mul3A_379 = arith.mulf %get3A_376, %mul3A_378 : vector<16xf32>
        %swap3A_380 = arith.index_cast %add3A_336 : i32 to index
        %swap3A_381 = arith.constant 48 : index
        %swap3A_382 = tpu.vector_load %arg9[%swap3A_380, %swap3A_381] {strides = array<i32>} : memref<128x64xf32, #tpu.memory_space<vmem>>, vector<1x16xf32>,
        %swap3A_383 = vector.shape_cast %swap3A_382 : vector<1x16xf32> to vector<16xf32>
        %swap3A_384 = vector.shape_cast %mul3A_379 : vector<16xf32> to vector<1x16xf32>
        tpu.vector_store %arg9[%swap3A_380, %swap3A_381], %swap3A_384 {strides = array<i32>} : memref<128x64xf32, #tpu.memory_space<vmem>>, vector<1x16xf32>,
        %mul3A_385 = arith.constant 8 : i32
        %mul3A_386 = arith.muli %scan3A_178, %mul3A_385 : i32
        %add3A_387 = arith.constant 4 : i32
        %add3A_388 = arith.addi %mul3A_386, %add3A_387 : i32
        %get3A_389 = arith.index_cast %add3A_388 : i32 to index
        %get3A_390 = arith.constant 0 : index
        %get3A_391 = tpu.vector_load %arg9[%get3A_389, %get3A_390] {strides = array<i32>} : memref<128x64xf32, #tpu.memory_space<vmem>>, vector<1x16xf32>,
        %get3A_392 = vector.shape_cast %get3A_391 : vector<1x16xf32> to vector<16xf32>
        %mul3A_393 = arith.constant 8.000000e+00 : f32
        %mul3A_394 = vector.broadcast %mul3A_393 : f32 to vector<16xf32>
        %mul3A_395 = arith.mulf %get3A_392, %mul3A_394 : vector<16xf32>
        %swap3A_396 = arith.index_cast %add3A_388 : i32 to index
        %swap3A_397 = arith.constant 0 : index
        %swap3A_398 = tpu.vector_load %arg9[%swap3A_396, %swap3A_397] {strides = array<i32>} : memref<128x64xf32, #tpu.memory_space<vmem>>, vector<1x16xf32>,
        %swap3A_399 = vector.shape_cast %swap3A_398 : vector<1x16xf32> to vector<16xf32>
        %swap3A_400 = vector.shape_cast %mul3A_395 : vector<16xf32> to vector<1x16xf32>
        tpu.vector_store %arg9[%swap3A_396, %swap3A_397], %swap3A_400 {strides = array<i32>} : memref<128x64xf32, #tpu.memory_space<vmem>>, vector<1x16xf32>,
        %get3A_401 = arith.index_cast %add3A_388 : i32 to index
        %get3A_402 = arith.constant 16 : index
        %get3A_403 = tpu.vector_load %arg9[%get3A_401, %get3A_402] {strides = array<i32>} : memref<128x64xf32, #tpu.memory_space<vmem>>, vector<1x16xf32>,
        %get3A_404 = vector.shape_cast %get3A_403 : vector<1x16xf32> to vector<16xf32>
        %mul3A_405 = arith.constant 8.000000e+00 : f32
        %mul3A_406 = vector.broadcast %mul3A_405 : f32 to vector<16xf32>
        %mul3A_407 = arith.mulf %get3A_404, %mul3A_406 : vector<16xf32>
        %swap3A_408 = arith.index_cast %add3A_388 : i32 to index
        %swap3A_409 = arith.constant 16 : index
        %swap3A_410 = tpu.vector_load %arg9[%swap3A_408, %swap3A_409] {strides = array<i32>} : memref<128x64xf32, #tpu.memory_space<vmem>>, vector<1x16xf32>,
        %swap3A_411 = vector.shape_cast %swap3A_410 : vector<1x16xf32> to vector<16xf32>
        %swap3A_412 = vector.shape_cast %mul3A_407 : vector<16xf32> to vector<1x16xf32>
        tpu.vector_store %arg9[%swap3A_408, %swap3A_409], %swap3A_412 {strides = array<i32>} : memref<128x64xf32, #tpu.memory_space<vmem>>, vector<1x16xf32>,
        %get3A_413 = arith.index_cast %add3A_388 : i32 to index
        %get3A_414 = arith.constant 32 : index
        %get3A_415 = tpu.vector_load %arg9[%get3A_413, %get3A_414] {strides = array<i32>} : memref<128x64xf32, #tpu.memory_space<vmem>>, vector<1x16xf32>,
        %get3A_416 = vector.shape_cast %get3A_415 : vector<1x16xf32> to vector<16xf32>
        %mul3A_417 = arith.constant 8.000000e+00 : f32
        %mul3A_418 = vector.broadcast %mul3A_417 : f32 to vector<16xf32>
        %mul3A_419 = arith.mulf %get3A_416, %mul3A_418 : vector<16xf32>
        %swap3A_420 = arith.index_cast %add3A_388 : i32 to index
        %swap3A_421 = arith.constant 32 : index
        %swap3A_422 = tpu.vector_load %arg9[%swap3A_420, %swap3A_421] {strides = array<i32>} : memref<128x64xf32, #tpu.memory_space<vmem>>, vector<1x16xf32>,
        %swap3A_423 = vector.shape_cast %swap3A_422 : vector<1x16xf32> to vector<16xf32>
        %swap3A_424 = vector.shape_cast %mul3A_419 : vector<16xf32> to vector<1x16xf32>
        tpu.vector_store %arg9[%swap3A_420, %swap3A_421], %swap3A_424 {strides = array<i32>} : memref<128x64xf32, #tpu.memory_space<vmem>>, vector<1x16xf32>,
        %get3A_425 = arith.index_cast %add3A_388 : i32 to index
        %get3A_426 = arith.constant 48 : index
        %get3A_427 = tpu.vector_load %arg9[%get3A_425, %get3A_426] {strides = array<i32>} : memref<128x64xf32, #tpu.memory_space<vmem>>, vector<1x16xf32>,
        %get3A_428 = vector.shape_cast %get3A_427 : vector<1x16xf32> to vector<16xf32>
        %mul3A_429 = arith.constant 8.000000e+00 : f32
        %mul3A_430 = vector.broadcast %mul3A_429 : f32 to vector<16xf32>
        %mul3A_431 = arith.mulf %get3A_428, %mul3A_430 : vector<16xf32>
        %swap3A_432 = arith.index_cast %add3A_388 : i32 to index
        %swap3A_433 = arith.constant 48 : index
        %swap3A_434 = tpu.vector_load %arg9[%swap3A_432, %swap3A_433] {strides = array<i32>} : memref<128x64xf32, #tpu.memory_space<vmem>>, vector<1x16xf32>,
        %swap3A_435 = vector.shape_cast %swap3A_434 : vector<1x16xf32> to vector<16xf32>
        %swap3A_436 = vector.shape_cast %mul3A_431 : vector<16xf32> to vector<1x16xf32>
        tpu.vector_store %arg9[%swap3A_432, %swap3A_433], %swap3A_436 {strides = array<i32>} : memref<128x64xf32, #tpu.memory_space<vmem>>, vector<1x16xf32>,
        %mul3A_437 = arith.constant 8 : i32
        %mul3A_438 = arith.muli %scan3A_178, %mul3A_437 : i32
        %add3A_439 = arith.constant 5 : i32
        %add3A_440 = arith.addi %mul3A_438, %add3A_439 : i32
        %get3A_441 = arith.index_cast %add3A_440 : i32 to index
        %get3A_442 = arith.constant 0 : index
        %get3A_443 = tpu.vector_load %arg9[%get3A_441, %get3A_442] {strides = array<i32>} : memref<128x64xf32, #tpu.memory_space<vmem>>, vector<1x16xf32>,
        %get3A_444 = vector.shape_cast %get3A_443 : vector<1x16xf32> to vector<16xf32>
        %mul3A_445 = arith.constant 8.000000e+00 : f32
        %mul3A_446 = vector.broadcast %mul3A_445 : f32 to vector<16xf32>
        %mul3A_447 = arith.mulf %get3A_444, %mul3A_446 : vector<16xf32>
        %swap3A_448 = arith.index_cast %add3A_440 : i32 to index
        %swap3A_449 = arith.constant 0 : index
        %swap3A_450 = tpu.vector_load %arg9[%swap3A_448, %swap3A_449] {strides = array<i32>} : memref<128x64xf32, #tpu.memory_space<vmem>>, vector<1x16xf32>,
        %swap3A_451 = vector.shape_cast %swap3A_450 : vector<1x16xf32> to vector<16xf32>
        %swap3A_452 = vector.shape_cast %mul3A_447 : vector<16xf32> to vector<1x16xf32>
        tpu.vector_store %arg9[%swap3A_448, %swap3A_449], %swap3A_452 {strides = array<i32>} : memref<128x64xf32, #tpu.memory_space<vmem>>, vector<1x16xf32>,
        %get3A_453 = arith.index_cast %add3A_440 : i32 to index
        %get3A_454 = arith.constant 16 : index
        %get3A_455 = tpu.vector_load %arg9[%get3A_453, %get3A_454] {strides = array<i32>} : memref<128x64xf32, #tpu.memory_space<vmem>>, vector<1x16xf32>,
        %get3A_456 = vector.shape_cast %get3A_455 : vector<1x16xf32> to vector<16xf32>
        %mul3A_457 = arith.constant 8.000000e+00 : f32
        %mul3A_458 = vector.broadcast %mul3A_457 : f32 to vector<16xf32>
        %mul3A_459 = arith.mulf %get3A_456, %mul3A_458 : vector<16xf32>
        %swap3A_460 = arith.index_cast %add3A_440 : i32 to index
        %swap3A_461 = arith.constant 16 : index
        %swap3A_462 = tpu.vector_load %arg9[%swap3A_460, %swap3A_461] {strides = array<i32>} : memref<128x64xf32, #tpu.memory_space<vmem>>, vector<1x16xf32>,
        %swap3A_463 = vector.shape_cast %swap3A_462 : vector<1x16xf32> to vector<16xf32>
        %swap3A_464 = vector.shape_cast %mul3A_459 : vector<16xf32> to vector<1x16xf32>
        tpu.vector_store %arg9[%swap3A_460, %swap3A_461], %swap3A_464 {strides = array<i32>} : memref<128x64xf32, #tpu.memory_space<vmem>>, vector<1x16xf32>,
        %get3A_465 = arith.index_cast %add3A_440 : i32 to index
        %get3A_466 = arith.constant 32 : index
        %get3A_467 = tpu.vector_load %arg9[%get3A_465, %get3A_466] {strides = array<i32>} : memref<128x64xf32, #tpu.memory_space<vmem>>, vector<1x16xf32>,
        %get3A_468 = vector.shape_cast %get3A_467 : vector<1x16xf32> to vector<16xf32>
        %mul3A_469 = arith.constant 8.000000e+00 : f32
        %mul3A_470 = vector.broadcast %mul3A_469 : f32 to vector<16xf32>
        %mul3A_471 = arith.mulf %get3A_468, %mul3A_470 : vector<16xf32>
        %swap3A_472 = arith.index_cast %add3A_440 : i32 to index
        %swap3A_473 = arith.constant 32 : index
        %swap3A_474 = tpu.vector_load %arg9[%swap3A_472, %swap3A_473] {strides = array<i32>} : memref<128x64xf32, #tpu.memory_space<vmem>>, vector<1x16xf32>,
        %swap3A_475 = vector.shape_cast %swap3A_474 : vector<1x16xf32> to vector<16xf32>
        %swap3A_476 = vector.shape_cast %mul3A_471 : vector<16xf32> to vector<1x16xf32>
        tpu.vector_store %arg9[%swap3A_472, %swap3A_473], %swap3A_476 {strides = array<i32>} : memref<128x64xf32, #tpu.memory_space<vmem>>, vector<1x16xf32>,
        %get3A_477 = arith.index_cast %add3A_440 : i32 to index
        %get3A_478 = arith.constant 48 : index
        %get3A_479 = tpu.vector_load %arg9[%get3A_477, %get3A_478] {strides = array<i32>} : memref<128x64xf32, #tpu.memory_space<vmem>>, vector<1x16xf32>,
        %get3A_480 = vector.shape_cast %get3A_479 : vector<1x16xf32> to vector<16xf32>
        %mul3A_481 = arith.constant 8.000000e+00 : f32
        %mul3A_482 = vector.broadcast %mul3A_481 : f32 to vector<16xf32>
        %mul3A_483 = arith.mulf %get3A_480, %mul3A_482 : vector<16xf32>
        %swap3A_484 = arith.index_cast %add3A_440 : i32 to index
        %swap3A_485 = arith.constant 48 : index
        %swap3A_486 = tpu.vector_load %arg9[%swap3A_484, %swap3A_485] {strides = array<i32>} : memref<128x64xf32, #tpu.memory_space<vmem>>, vector<1x16xf32>,
        %swap3A_487 = vector.shape_cast %swap3A_486 : vector<1x16xf32> to vector<16xf32>
        %swap3A_488 = vector.shape_cast %mul3A_483 : vector<16xf32> to vector<1x16xf32>
        tpu.vector_store %arg9[%swap3A_484, %swap3A_485], %swap3A_488 {strides = array<i32>} : memref<128x64xf32, #tpu.memory_space<vmem>>, vector<1x16xf32>,
        %mul3A_489 = arith.constant 8 : i32
        %mul3A_490 = arith.muli %scan3A_178, %mul3A_489 : i32
        %add3A_491 = arith.constant 6 : i32
        %add3A_492 = arith.addi %mul3A_490, %add3A_491 : i32
        %get3A_493 = arith.index_cast %add3A_492 : i32 to index
        %get3A_494 = arith.constant 0 : index
        %get3A_495 = tpu.vector_load %arg9[%get3A_493, %get3A_494] {strides = array<i32>} : memref<128x64xf32, #tpu.memory_space<vmem>>, vector<1x16xf32>,
        %get3A_496 = vector.shape_cast %get3A_495 : vector<1x16xf32> to vector<16xf32>
        %mul3A_497 = arith.constant 8.000000e+00 : f32
        %mul3A_498 = vector.broadcast %mul3A_497 : f32 to vector<16xf32>
        %mul3A_499 = arith.mulf %get3A_496, %mul3A_498 : vector<16xf32>
        %swap3A_500 = arith.index_cast %add3A_492 : i32 to index
        %swap3A_501 = arith.constant 0 : index
        %swap3A_502 = tpu.vector_load %arg9[%swap3A_500, %swap3A_501] {strides = array<i32>} : memref<128x64xf32, #tpu.memory_space<vmem>>, vector<1x16xf32>,
        %swap3A_503 = vector.shape_cast %swap3A_502 : vector<1x16xf32> to vector<16xf32>
        %swap3A_504 = vector.shape_cast %mul3A_499 : vector<16xf32> to vector<1x16xf32>
        tpu.vector_store %arg9[%swap3A_500, %swap3A_501], %swap3A_504 {strides = array<i32>} : memref<128x64xf32, #tpu.memory_space<vmem>>, vector<1x16xf32>,
        %get3A_505 = arith.index_cast %add3A_492 : i32 to index
        %get3A_506 = arith.constant 16 : index
        %get3A_507 = tpu.vector_load %arg9[%get3A_505, %get3A_506] {strides = array<i32>} : memref<128x64xf32, #tpu.memory_space<vmem>>, vector<1x16xf32>,
        %get3A_508 = vector.shape_cast %get3A_507 : vector<1x16xf32> to vector<16xf32>
        %mul3A_509 = arith.constant 8.000000e+00 : f32
        %mul3A_510 = vector.broadcast %mul3A_509 : f32 to vector<16xf32>
        %mul3A_511 = arith.mulf %get3A_508, %mul3A_510 : vector<16xf32>
        %swap3A_512 = arith.index_cast %add3A_492 : i32 to index
        %swap3A_513 = arith.constant 16 : index
        %swap3A_514 = tpu.vector_load %arg9[%swap3A_512, %swap3A_513] {strides = array<i32>} : memref<128x64xf32, #tpu.memory_space<vmem>>, vector<1x16xf32>,
        %swap3A_515 = vector.shape_cast %swap3A_514 : vector<1x16xf32> to vector<16xf32>
        %swap3A_516 = vector.shape_cast %mul3A_511 : vector<16xf32> to vector<1x16xf32>
        tpu.vector_store %arg9[%swap3A_512, %swap3A_513], %swap3A_516 {strides = array<i32>} : memref<128x64xf32, #tpu.memory_space<vmem>>, vector<1x16xf32>,
        %get3A_517 = arith.index_cast %add3A_492 : i32 to index
        %get3A_518 = arith.constant 32 : index
        %get3A_519 = tpu.vector_load %arg9[%get3A_517, %get3A_518] {strides = array<i32>} : memref<128x64xf32, #tpu.memory_space<vmem>>, vector<1x16xf32>,
        %get3A_520 = vector.shape_cast %get3A_519 : vector<1x16xf32> to vector<16xf32>
        %mul3A_521 = arith.constant 8.000000e+00 : f32
        %mul3A_522 = vector.broadcast %mul3A_521 : f32 to vector<16xf32>
        %mul3A_523 = arith.mulf %get3A_520, %mul3A_522 : vector<16xf32>
        %swap3A_524 = arith.index_cast %add3A_492 : i32 to index
        %swap3A_525 = arith.constant 32 : index
        %swap3A_526 = tpu.vector_load %arg9[%swap3A_524, %swap3A_525] {strides = array<i32>} : memref<128x64xf32, #tpu.memory_space<vmem>>, vector<1x16xf32>,
        %swap3A_527 = vector.shape_cast %swap3A_526 : vector<1x16xf32> to vector<16xf32>
        %swap3A_528 = vector.shape_cast %mul3A_523 : vector<16xf32> to vector<1x16xf32>
        tpu.vector_store %arg9[%swap3A_524, %swap3A_525], %swap3A_528 {strides = array<i32>} : memref<128x64xf32, #tpu.memory_space<vmem>>, vector<1x16xf32>,
        %get3A_529 = arith.index_cast %add3A_492 : i32 to index
        %get3A_530 = arith.constant 48 : index
        %get3A_531 = tpu.vector_load %arg9[%get3A_529, %get3A_530] {strides = array<i32>} : memref<128x64xf32, #tpu.memory_space<vmem>>, vector<1x16xf32>,
        %get3A_532 = vector.shape_cast %get3A_531 : vector<1x16xf32> to vector<16xf32>
        %mul3A_533 = arith.constant 8.000000e+00 : f32
        %mul3A_534 = vector.broadcast %mul3A_533 : f32 to vector<16xf32>
        %mul3A_535 = arith.mulf %get3A_532, %mul3A_534 : vector<16xf32>
        %swap3A_536 = arith.index_cast %add3A_492 : i32 to index
        %swap3A_537 = arith.constant 48 : index
        %swap3A_538 = tpu.vector_load %arg9[%swap3A_536, %swap3A_537] {strides = array<i32>} : memref<128x64xf32, #tpu.memory_space<vmem>>, vector<1x16xf32>,
        %swap3A_539 = vector.shape_cast %swap3A_538 : vector<1x16xf32> to vector<16xf32>
        %swap3A_540 = vector.shape_cast %mul3A_535 : vector<16xf32> to vector<1x16xf32>
        tpu.vector_store %arg9[%swap3A_536, %swap3A_537], %swap3A_540 {strides = array<i32>} : memref<128x64xf32, #tpu.memory_space<vmem>>, vector<1x16xf32>,
        %mul3A_541 = arith.constant 8 : i32
        %mul3A_542 = arith.muli %scan3A_178, %mul3A_541 : i32
        %add3A_543 = arith.constant 7 : i32
        %add3A_544 = arith.addi %mul3A_542, %add3A_543 : i32
        %get3A_545 = arith.index_cast %add3A_544 : i32 to index
        %get3A_546 = arith.constant 0 : index
        %get3A_547 = tpu.vector_load %arg9[%get3A_545, %get3A_546] {strides = array<i32>} : memref<128x64xf32, #tpu.memory_space<vmem>>, vector<1x16xf32>,
        %get3A_548 = vector.shape_cast %get3A_547 : vector<1x16xf32> to vector<16xf32>
        %mul3A_549 = arith.constant 8.000000e+00 : f32
        %mul3A_550 = vector.broadcast %mul3A_549 : f32 to vector<16xf32>
        %mul3A_551 = arith.mulf %get3A_548, %mul3A_550 : vector<16xf32>
        %swap3A_552 = arith.index_cast %add3A_544 : i32 to index
        %swap3A_553 = arith.constant 0 : index
        %swap3A_554 = tpu.vector_load %arg9[%swap3A_552, %swap3A_553] {strides = array<i32>} : memref<128x64xf32, #tpu.memory_space<vmem>>, vector<1x16xf32>,
        %swap3A_555 = vector.shape_cast %swap3A_554 : vector<1x16xf32> to vector<16xf32>
        %swap3A_556 = vector.shape_cast %mul3A_551 : vector<16xf32> to vector<1x16xf32>
        tpu.vector_store %arg9[%swap3A_552, %swap3A_553], %swap3A_556 {strides = array<i32>} : memref<128x64xf32, #tpu.memory_space<vmem>>, vector<1x16xf32>,
        %get3A_557 = arith.index_cast %add3A_544 : i32 to index
        %get3A_558 = arith.constant 16 : index
        %get3A_559 = tpu.vector_load %arg9[%get3A_557, %get3A_558] {strides = array<i32>} : memref<128x64xf32, #tpu.memory_space<vmem>>, vector<1x16xf32>,
        %get3A_560 = vector.shape_cast %get3A_559 : vector<1x16xf32> to vector<16xf32>
        %mul3A_561 = arith.constant 8.000000e+00 : f32
        %mul3A_562 = vector.broadcast %mul3A_561 : f32 to vector<16xf32>
        %mul3A_563 = arith.mulf %get3A_560, %mul3A_562 : vector<16xf32>
        %swap3A_564 = arith.index_cast %add3A_544 : i32 to index
        %swap3A_565 = arith.constant 16 : index
        %swap3A_566 = tpu.vector_load %arg9[%swap3A_564, %swap3A_565] {strides = array<i32>} : memref<128x64xf32, #tpu.memory_space<vmem>>, vector<1x16xf32>,
        %swap3A_567 = vector.shape_cast %swap3A_566 : vector<1x16xf32> to vector<16xf32>
        %swap3A_568 = vector.shape_cast %mul3A_563 : vector<16xf32> to vector<1x16xf32>
        tpu.vector_store %arg9[%swap3A_564, %swap3A_565], %swap3A_568 {strides = array<i32>} : memref<128x64xf32, #tpu.memory_space<vmem>>, vector<1x16xf32>,
        %get3A_569 = arith.index_cast %add3A_544 : i32 to index
        %get3A_570 = arith.constant 32 : index
        %get3A_571 = tpu.vector_load %arg9[%get3A_569, %get3A_570] {strides = array<i32>} : memref<128x64xf32, #tpu.memory_space<vmem>>, vector<1x16xf32>,
        %get3A_572 = vector.shape_cast %get3A_571 : vector<1x16xf32> to vector<16xf32>
        %mul3A_573 = arith.constant 8.000000e+00 : f32
        %mul3A_574 = vector.broadcast %mul3A_573 : f32 to vector<16xf32>
        %mul3A_575 = arith.mulf %get3A_572, %mul3A_574 : vector<16xf32>
        %swap3A_576 = arith.index_cast %add3A_544 : i32 to index
        %swap3A_577 = arith.constant 32 : index
        %swap3A_578 = tpu.vector_load %arg9[%swap3A_576, %swap3A_577] {strides = array<i32>} : memref<128x64xf32, #tpu.memory_space<vmem>>, vector<1x16xf32>,
        %swap3A_579 = vector.shape_cast %swap3A_578 : vector<1x16xf32> to vector<16xf32>
        %swap3A_580 = vector.shape_cast %mul3A_575 : vector<16xf32> to vector<1x16xf32>
        tpu.vector_store %arg9[%swap3A_576, %swap3A_577], %swap3A_580 {strides = array<i32>} : memref<128x64xf32, #tpu.memory_space<vmem>>, vector<1x16xf32>,
        %get3A_581 = arith.index_cast %add3A_544 : i32 to index
        %get3A_582 = arith.constant 48 : index
        %get3A_583 = tpu.vector_load %arg9[%get3A_581, %get3A_582] {strides = array<i32>} : memref<128x64xf32, #tpu.memory_space<vmem>>, vector<1x16xf32>,
        %get3A_584 = vector.shape_cast %get3A_583 : vector<1x16xf32> to vector<16xf32>
        %mul3A_585 = arith.constant 8.000000e+00 : f32
        %mul3A_586 = vector.broadcast %mul3A_585 : f32 to vector<16xf32>
        %mul3A_587 = arith.mulf %get3A_584, %mul3A_586 : vector<16xf32>
        %swap3A_588 = arith.index_cast %add3A_544 : i32 to index
        %swap3A_589 = arith.constant 48 : index
        %swap3A_590 = tpu.vector_load %arg9[%swap3A_588, %swap3A_589] {strides = array<i32>} : memref<128x64xf32, #tpu.memory_space<vmem>>, vector<1x16xf32>,
        %swap3A_591 = vector.shape_cast %swap3A_590 : vector<1x16xf32> to vector<16xf32>
        %swap3A_592 = vector.shape_cast %mul3A_587 : vector<16xf32> to vector<1x16xf32>
        tpu.vector_store %arg9[%swap3A_588, %swap3A_589], %swap3A_592 {strides = array<i32>} : memref<128x64xf32, #tpu.memory_space<vmem>>, vector<1x16xf32>,
      }
      %scan3A_162 = arith.constant 16 : i32
      %mul3A_163 = arith.constant 128 : i32
      %mul3A_164 = arith.muli %add3A_150, %mul3A_163 : i32
      %add3A_165 = arith.addi %mul3A_2, %mul3A_164 : i32
      %dma_start3A_166 = arith.constant 0 : i32
      %dma_start3A_167 = tpu.memref_slice %arg4[%add3A_165, %dma_start3A_166] : memref<819200x64xf32, #tpu.memory_space<hbm>> -> memref<128x64xf32, #tpu.memory_space<hbm>>
      %dma_start3A_168 = arith.constant 0 : i32
      %dma_start3A_169 = tpu.memref_slice %arg4[%add3A_165, %dma_start3A_168] : memref<819200x64xf32, #tpu.memory_space<hbm>> -> memref<128x64xf32, #tpu.memory_space<hbm>>
      tpu.enqueue_dma source(%arg9 : memref<128x64xf32, #tpu.memory_space<vmem>>) target(%dma_start3A_169 : memref<128x64xf32, #tpu.memory_space<hbm>>) target_semaphore(%arg17 : memref<!tpu.dma_semaphore, #tpu.memory_space<semaphore_mem>>)
      %ge3A_170 = arith.constant 2 : i32
      %ge3A_171 = arith.cmpi sge, %add3A_150, %ge3A_170 : i32
      %le3A_172 = arith.constant 197 : i32
      %le3A_173 = arith.cmpi sle, %add3A_150, %le3A_172 : i32
      %and3A_174 = arith.andi %ge3A_171, %le3A_173 : i1
      %convert_element_type3A_175 = arith.extui %and3A_174 : i1 to i32
      %cond3A_176 = arith.constant 0 : i32
      %cond3A_177 = arith.cmpi ne, %convert_element_type3A_175, %cond3A_176 : i32
      scf.if %cond3A_177 {
        %sub3A = arith.constant 2 : i32
        %sub3A_178 = arith.subi %add3A_150, %sub3A : i32
        %mul3A_179 = arith.constant 128 : i32
        %mul3A_180 = arith.muli %sub3A_178, %mul3A_179 : i32
        %add3A_181 = arith.addi %mul3A_2, %mul3A_180 : i32
        %dma_wait3A_182 = arith.constant 0 : i32
        %dma_wait3A_183 = tpu.memref_slice %arg4[%add3A_181, %dma_wait3A_182] : memref<819200x64xf32, #tpu.memory_space<hbm>> -> memref<128x64xf32, #tpu.memory_space<hbm>>
        %dma_wait3A_184 = arith.constant 0 : i32
        %dma_wait3A_185 = tpu.memref_slice %arg4[%add3A_181, %dma_wait3A_184] : memref<819200x64xf32, #tpu.memory_space<hbm>> -> memref<128x64xf32, #tpu.memory_space<hbm>>
        tpu.wait_dma2 semaphore(%arg15 : memref<!tpu.dma_semaphore, #tpu.memory_space<semaphore_mem>>) src(%arg7 : memref<128x64xf32, #tpu.memory_space<vmem>>) dst(%dma_wait3A_185 : memref<128x64xf32, #tpu.memory_space<hbm>>)
        %add3A_186 = arith.constant 2 : i32
        %add3A_187 = arith.addi %add3A_150, %add3A_186 : i32
        %dma_start3A_188 = arith.constant 0 : i32
        %dma_start3A_189 = tpu.memref_slice %arg5[%add3A_187, %dma_start3A_188] : memref<200x128xi32, #tpu.memory_space<vmem>> -> memref<1x128xi32, #tpu.memory_space<vmem>>
        %dma_start3A_190 = tpu.memref_squeeze %dma_start3A_189 : memref<1x128xi32, #tpu.memory_space<vmem>> -> memref<128xi32, #tpu.memory_space<vmem>>
        %dma_start3A_191 = arith.constant 0 : i32
        %dma_start3A_192 = arith.constant 0 : i32
        %dma_start3A_193 = tpu.memref_slice %arg3[%dma_start3A_191, %dma_start3A_192] : memref<1000000x64xf32, #tpu.memory_space<hbm>> -> memref<1000000x64xf32, #tpu.memory_space<hbm>>
        tpu.enqueue_indirect_dma source(%dma_start3A_193 : memref<1000000x64xf32, #tpu.memory_space<hbm>>) target(%arg7 : memref<128x64xf32, #tpu.memory_space<vmem>>) offsets(%dma_start3A_190 : memref<128xi32, #tpu.memory_space<vmem>>) semaphore(%arg11 : memref<!tpu.dma_semaphore, #tpu.memory_space<semaphore_mem>>)
      } else {
      }
    }
    %scan3A_34 = arith.constant 50 : i32
    %add3A_35 = arith.constant 25088 : i32
    %add3A_36 = arith.addi %mul3A_2, %add3A_35 : i32
    %dma_wait3A = arith.constant 0 : i32
    %dma_wait3A_37 = tpu.memref_slice %arg4[%add3A_36, %dma_wait3A] : memref<819200x64xf32, #tpu.memory_space<hbm>> -> memref<128x64xf32, #tpu.memory_space<hbm>>
    %dma_wait3A_38 = arith.constant 0 : i32
    %dma_wait3A_39 = tpu.memref_slice %arg4[%add3A_36, %dma_wait3A_38] : memref<819200x64xf32, #tpu.memory_space<hbm>> -> memref<128x64xf32, #tpu.memory_space<hbm>>
    tpu.wait_dma2 semaphore(%arg14 : memref<!tpu.dma_semaphore, #tpu.memory_space<semaphore_mem>>) src(%arg6 : memref<128x64xf32, #tpu.memory_space<vmem>>) dst(%dma_wait3A_39 : memref<128x64xf32, #tpu.memory_space<hbm>>)
    %add3A_40 = arith.constant 25216 : i32
    %add3A_41 = arith.addi %mul3A_2, %add3A_40 : i32
    %dma_wait3A_42 = arith.constant 0 : i32
    %dma_wait3A_43 = tpu.memref_slice %arg4[%add3A_41, %dma_wait3A_42] : memref<819200x64xf32, #tpu.memory_space<hbm>> -> memref<128x64xf32, #tpu.memory_space<hbm>>
    %dma_wait3A_44 = arith.constant 0 : i32
    %dma_wait3A_45 = tpu.memref_slice %arg4[%add3A_41, %dma_wait3A_44] : memref<819200x64xf32, #tpu.memory_space<hbm>> -> memref<128x64xf32, #tpu.memory_space<hbm>>
    tpu.wait_dma2 semaphore(%arg15 : memref<!tpu.dma_semaphore, #tpu.memory_space<semaphore_mem>>) src(%arg7 : memref<128x64xf32, #tpu.memory_space<vmem>>) dst(%dma_wait3A_45 : memref<128x64xf32, #tpu.memory_space<hbm>>)
    %add3A_46 = arith.constant 25344 : i32
    %add3A_47 = arith.addi %mul3A_2, %add3A_46 : i32
    %dma_wait3A_48 = arith.constant 0 : i32
    %dma_wait3A_49 = tpu.memref_slice %arg4[%add3A_47, %dma_wait3A_48] : memref<819200x64xf32, #tpu.memory_space<hbm>> -> memref<128x64xf32, #tpu.memory_space<hbm>>
    %dma_wait3A_50 = arith.constant 0 : i32
    %dma_wait3A_51 = tpu.memref_slice %arg4[%add3A_47, %dma_wait3A_50] : memref<819200x64xf32, #tpu.memory_space<hbm>> -> memref<128x64xf32, #tpu.memory_space<hbm>>
    tpu.wait_dma2 semaphore(%arg16 : memref<!tpu.dma_semaphore, #tpu.memory_space<semaphore_mem>>) src(%arg8 : memref<128x64xf32, #tpu.memory_space<vmem>>) dst(%dma_wait3A_51 : memref<128x64xf32, #tpu.memory_space<hbm>>)
    %add3A_52 = arith.constant 25472 : i32
    %add3A_53 = arith.addi %mul3A_2, %add3A_52 : i32
    %dma_wait3A_54 = arith.constant 0 : i32
    %dma_wait3A_55 = tpu.memref_slice %arg4[%add3A_53, %dma_wait3A_54] : memref<819200x64xf32, #tpu.memory_space<hbm>> -> memref<128x64xf32, #tpu.memory_space<hbm>>
    %dma_wait3A_56 = arith.constant 0 : i32
    %dma_wait3A_57 = tpu.memref_slice %arg4[%add3A_53, %dma_wait3A_56] : memref<819200x64xf32, #tpu.memory_space<hbm>> -> memref<128x64xf32, #tpu.memory_space<hbm>>
    tpu.wait_dma2 semaphore(%arg17 : memref<!tpu.dma_semaphore, #tpu.memory_space<semaphore_mem>>) src(%arg9 : memref<128x64xf32, #tpu.memory_space<vmem>>) dst(%dma_wait3A_57 : memref<128x64xf32, #tpu.memory_space<hbm>>)
    return
  }
}

</mosaic_0001>

<sc_bundles>
// kernel: kernel.3.cloned.1.call-start
scs
__scs_entry_jumppad:
0x0: {  	(pc) =	sbr.rel $0x88, $3  }
0x1: {  	(tag) =	ssettag $0x0;
	lr =	simm.s32 $0x1  }
0x2: {  	[smem:$0x3F9F] =	sst lr;
	_ =	strace $0xD0000000  }
0x3: {  	_ = 	snop  }
0x4: {  	_ = 	snop  }
0x5: {  	_ = 	snop  }
0x6: {  	_ = 	snop  }
0x7: {  	_ = 	snop  }
__scs_overlays_trampoline_lowered:
0x8: {  	[smem:$0x3FAE] =	sst s0  }
0x9: {  	[smem:$0x3FAF] =	sst s1  }
0xa: {  	[smem:$0x3FB0] =	sst s2  }
0xb: {  	[smem:$0x3FB1] =	sst s3  }
0xc: {  	[smem:$0x3FB2] =	sst s4  }
0xd: {  	[smem:$0x3FB3] =	sst s5  }
0xe: {  	[smem:$0x3FB4] =	sst s6  }
0xf: {  	[smem:$0x3FB5] =	sst s7  }
0x10: {  	[smem:$0x3FB6] =	sst s8  }
0x11: {  	[smem:$0x3FB7] =	sst s9;
	s0 =	simm.s32 @!p0 $0x0  }
0x12: {  	s1 =	sld [smem:$0x3F9D];
	s0 =	simm.s32 @p0 $0x1  }
0x13: {  	[smem:$0x3FB8] =	sst s0;
	s0 =	simm.s32 @!p1 $0x0  }
0x14: {  	s2 =	sld [smem:$0x3F9C];
	s0 =	simm.s32 @p1 $0x1  }
0x15: {  	[smem:$0x3FB9] =	sst s0;
	s0 =	simm.s32 @!p2 $0x0  }
0x16: {  	s3 =	sld [smem:$0x3FDB];
	s0 =	simm.s32 @p2 $0x1  }
0x17: {  	s4 =	simm.s32 $0x1BF5;
	[smem:$0x3FBB] =	sst s0  }
0x18: {  	s0 =	sld [smem:$0x3F9E];
	_ =	swait.ge [sflag:s4], $0x0  }
0x19: {  	s7 =	sld [smem:$0x3F9F]  }
0x1a: {  	s8 =	sadd.s32 $0xFFFFE003, lr  }
0x1b: {  	s9 =	sadd.s32 $0xFFFFFEF7, lr;
	s5 =	simm.s32 $0xFFFFFFFF;
	p2 =	slt.u32 s8, $0xFFFFF086  }
0x1c: {  	p1 =	slt.u32 s9, $0xF7A;
	s5 =	simm.s32 @!p2 $0x0  }
0x1d: {  	s5 =	simm.s32 @p1 $0x1;
	p0 =	seq.s32 s7, s2  }
0x1e: {  	s7 =	smul.u32 @!p0 $0xF7A, s2;
	p2 =	seq.s32 @!p0 s5, $0x0  }
0x1f: {  	s9 =	smul.u32 $0xF7A, s1;
	s8 =	simm.s32 @!p0 $0x1BF5;
	p2 =	por !p2, p0  }
0x20: {  	[sflag:s8] =	ssyncset.s32 @!p0 $0xFFFFF086;
	s6 =	sadd.s32 @!p0 s3, s7;
	s7 =	simm.s32 @!p0 $0x108  }
0x21: {  	s3 =	sadd.s32 s3, s9;
	s6 =	sadd.s32 @!p0 $0x88, s6;
	s7 =	simm.s32 @p2 $0x1082  }
0x22: {  	[simem:s7], [sflag:s8] =	dma.local @!p0 [hbm:s6], $0xF7A  }
0x23: {  	s9 =	sor.u32 $0xD0000000, s2;
	s6 =	simm.s32 $0x108;
	_ =	swait.ge @!p0 [sflag:s8], $0x0  }
0x24: {  	s3 =	sadd.s32 $0x88, s3;
	s6 =	simm.s32 @!p1 $0x1082;
	[sflag:s4] =	ssyncset.s32 $0xFFFFF086  }
0x25: {  	[simem:s6], [sflag:s4] =	dma.local [hbm:s3], $0xF7A  }
0x26: {  	[smem:$0x3F9F] =	sst s1;
	(tag) =	ssettag s2;
	_ =	strace s9  }
0x27: {  	s1 =	sld [smem:$0x3FAF]  }
0x28: {  	s2 =	sld [smem:$0x3FB0]  }
0x29: {  	s4 =	sld [smem:$0x3FB2]  }
0x2a: {  	p0 =	seq.s32 s5, $0x0;
	s5 =	sld [smem:$0x3FB3]  }
0x2b: {  	s6 =	sld [smem:$0x3FB4]  }
0x2c: {  	s7 =	sld [smem:$0x3FB5]  }
0x2d: {  	s3 =	simm.s32 $0x108;
	s8 =	sld [smem:$0x3FB6]  }
0x2e: {  	s3 =	simm.s32 @!p0 $0x1082;
	s9 =	sld [smem:$0x3FB7]  }
0x2f: {  	lr =	sadd.s32 s0, s3;
	s0 =	sld [smem:$0x3FAE]  }
0x30: {  	s3 =	sld [smem:$0x3FB1]  }
0x31: {  	[smem:$0x3FBA] =	sst s10  }
0x32: {  	s10 =	sld [smem:$0x3FB8];
	_ =	sdelay $0x3  }
0x33: {  	p0 =	seq.s32 s10, $0x1;
	s10 =	sld [smem:$0x3FBA];
	_ =	sdelay $0x3  }
0x34: {  	[smem:$0x3FBA] =	sst s10  }
0x35: {  	s10 =	sld [smem:$0x3FB9];
	_ =	sdelay $0x3  }
0x36: {  	p1 =	seq.s32 s10, $0x1;
	s10 =	sld [smem:$0x3FBA];
	_ =	sdelay $0x3  }
0x37: {  	[smem:$0x3FBA] =	sst s10  }
0x38: {  	s10 =	sld [smem:$0x3FBB]  }
0x39: {  	_ = 	snop;
	(pc) =	sbr.ind lr, $3  }
0x3a: {  	_ = 	snop  }
0x3b: {  	_ = 	snop  }
0x3c: {  	p2 =	seq.s32 s10, $0x1;
	s10 =	sld [smem:$0x3FBA]  }
0x3d: {  	_ =	shalt  }
0x3e: {  	_ =	shalt  }
0x3f: {  	_ =	shalt  }
0x40: {  	_ =	shalt  }
0x41: {  	_ =	shalt  }
0x42: {  	_ =	shalt  }
0x43: {  	_ =	shalt  }
0x44: {  	_ =	shalt  }
0x45: {  	_ =	shalt  }
0x46: {  	_ =	shalt  }
0x47: {  	_ =	shalt  }
0x48: {  	_ =	shalt  }
0x49: {  	_ =	shalt  }
0x4a: {  	_ =	shalt  }
0x4b: {  	_ =	shalt  }
0x4c: {  	_ =	shalt  }
0x4d: {  	_ =	shalt  }
0x4e: {  	_ =	shalt  }
0x4f: {  	_ =	shalt  }
0x50: {  	_ =	shalt  }
0x51: {  	_ =	shalt  }
0x52: {  	_ =	shalt  }
0x53: {  	_ =	shalt  }
0x54: {  	_ =	shalt  }
0x55: {  	_ =	shalt  }
0x56: {  	_ =	shalt  }
0x57: {  	_ =	shalt  }
0x58: {  	_ =	shalt  }
0x59: {  	_ =	shalt  }
0x5a: {  	_ =	shalt  }
0x5b: {  	_ =	shalt  }
0x5c: {  	_ =	shalt  }
0x5d: {  	_ =	shalt  }
0x5e: {  	_ =	shalt  }
0x5f: {  	_ =	shalt  }
0x60: {  	_ =	shalt  }
0x61: {  	_ =	shalt  }
0x62: {  	_ =	shalt  }
0x63: {  	_ =	shalt  }
0x64: {  	_ =	shalt  }
0x65: {  	_ =	shalt  }
0x66: {  	_ =	shalt  }
0x67: {  	_ =	shalt  }
0x68: {  	_ =	shalt  }
0x69: {  	_ =	shalt  }
0x6a: {  	_ =	shalt  }
0x6b: {  	_ =	shalt  }
0x6c: {  	_ =	shalt  }
0x6d: {  	_ =	shalt  }
0x6e: {  	_ =	shalt  }
0x6f: {  	_ =	shalt  }
0x70: {  	_ =	shalt  }
0x71: {  	_ =	shalt  }
0x72: {  	_ =	shalt  }
0x73: {  	_ =	shalt  }
0x74: {  	_ =	shalt  }
0x75: {  	_ =	shalt  }
0x76: {  	_ =	shalt  }
0x77: {  	_ =	shalt  }
0x78: {  	_ =	shalt  }
0x79: {  	_ =	shalt  }
0x7a: {  	_ =	shalt  }
0x7b: {  	_ =	shalt  }
0x7c: {  	_ =	shalt  }
0x7d: {  	_ =	shalt  }
0x7e: {  	_ =	shalt  }
0x7f: {  	_ =	shalt  }
0x80: {  	_ =	shalt  }
0x81: {  	_ =	shalt  }
0x82: {  	_ =	shalt  }
0x83: {  	_ =	shalt  }
0x84: {  	_ =	shalt  }
0x85: {  	_ =	shalt  }
0x86: {  	_ =	shalt  }
0x87: {  	_ =	shalt  }
.Lfunc_end0:
.L_simem_size_0:
called_computation.1_lowered:
.L_overlay_start_0:
0x88: {  	s2 =	sld [smem:$0x3FD9]  }
0x89: {  	s3 =	sld [smem:$0x3FFE];
	_ =	sdelay $0x1  }
0x8a: {  	s1 =	srdreg.scid  }
0x8b: {  	s0 =	sand.u32 $0x1, s1  }
0x8c: {  	s17 =	sshll.u32 s0, $0xA;
	s2 =	sadd.s32 s3, s2  }
0x8d: {  	s2 =	sadd.s32 s2, s17  }
0x8e: {  	[smem:$0x3FC6] =	sst s2  }
0x8f: {  	_ = 	snop  }
0x90: {  	s2 =	sld [smem:$0x3FD0];
	(tm) =	ssettm $0x1  }
0x91: {  	s18 =	sld [smem:$0x3FFB];
	_ =	sdelay $0x3  }
0x92: {  	_ =	strace s18  }
0x93: {  	s3 =	sld [smem:$0x3FFC];
	_ =	sdelay $0x3  }
0x94: {  	_ =	strace s3  }
0x95: {  	s3 =	sld [smem:$0x3FFD];
	_ =	sdelay $0x3  }
0x96: {  	_ =	strace s3  }
0x97: {  	_ =	strace $0x8FFFFFFF  }
0x98: {  	s19 =	sld [smem:$0x3FDB];
	_ =	sdelay $0x1  }
0x99: {  	s4 =	simm.s32 $_scs_section_size  }
0x9a: {  	s5 =	simm.s32 $_size__tile_overlayer_lowered;
	s6 =	simm.s32 $_tile_overlayer_lowered  }
0x9b: {  	s22 =	simm.s32 $0x1BFF;
	s21 =	sshll.u32 s6, $0x1;
	s3 =	sadd.s32 s4, s19  }
0x9c: {  	s7 =	simm.s32 $0x0;
	s20 =	sshll.u32 s5, $0x1;
	s5 =	sadd.s32 s21, s3  }
0x9d: {  	[timem:s7], [sflag:s22] =	dma.local [hbm:s5], s20  }
0x9e: {  	_ =	swait.ge [sflag:s22], s20  }
0x9f: {  	s4 =	ssub.s32 $0x0, s20;
	[sflag:s22] =	ssyncset.done $0x0  }
0xa0: {  	[sflag:s22] =	ssyncadd.s32 s4;
	_ =	sdelay $0x1  }
0xa1: {  	s23 =	simm.s32 $0x1B8B  }
0xa2: {  	_ =	swait.ge [sflag:s23], $0x1  }
0xa3: {  	[sflag:s23] =	ssyncset.done $0x0  }
0xa4: {  	s25 =	simm.s32 $0x1B8E;
	s24 =	sld [smem:$0x3FFE];
	[sflag:s23] =	ssyncadd.s32 $0xFFFFFFFF  }
0xa5: {  	s26 =	simm.s32 $execute0_lowered;
	[smem:$0x3FD2] =	sst s25  }
0xa6: {  	s5 =	sshll.u32 s26, $0x1;
	_ =	strace $0x80000046;
	[dreg:$0x1] =	wrdreg $0xFFFFFFFF  }
0xa7: {  	s28 =	simm.s32 $_size_execute0_lowered;
	s3 =	sadd.s32 s3, s5;
	[dreg:$0x0] =	wrdreg $0x0  }
0xa8: {  	s5 =	sshll.u32 s28, $0x1;
	[dreg:$0x2] =	wrdreg s3  }
0xa9: {  	[dreg:$0x3] =	wrdreg s5  }
0xaa: {  	[dreg:$0x4] =	wrdreg $0xC0  }
0xab: {  	_ =	task [dreg:s7], $0x5FFFF  }
0xac: {  	[dreg:$0x1] =	wrdreg $0xFFFFFFFF  }
0xad: {  	[dreg:$0x0] =	wrdreg $0x60  }
0xae: {  	[dreg:$0x2] =	wrdreg s24  }
0xaf: {  	[dreg:$0x3] =	wrdreg s2  }
0xb0: {  	[dreg:$0x4] =	wrdreg $0x9  }
0xb1: {  	_ =	task.clear_ibuf [dreg:s7], $0x5FFFF;
	_ =	strace $0x90000046  }
0xb2: {  	s29 =	simm.s32 $0x9;
	_ =	strace $0x80000048  }
0xb3: {  	_ =	swait.ge [sflag:s29], $0x1  }
0xb4: {  	[sflag:s29] =	ssyncadd.s32 $0xFFFFFFFF  }
0xb5: {  	_ =	strace $0x90000048  }
0xb6: {  	_ =	sfence  }
0xb7: {  	s30 =	sld [smem:$0x0];
	_ =	sdelay $0x2  }
0xb8: {  	s31 =	sshll.u32 s1, $0xD;
	s1 =	sshrl.u32 s1, $0x2  }
0xb9: {  	s3 =	sand.u32 $0x4000, s31;
	s1 =	sadd.s32 s1, s30  }
0xba: {  	s0 =	sor.u32 s3, s0;
	s1 =	sshll.u32 s1, $0x11  }
0xbb: {  	s0 =	sor.u32 s1, s0  }
0xbc: {  	s0 =	sadd.s32 $0x8F2B, s0  }
0xbd: {  	[sflag:s0] =	ssyncadd.remote.s32 $0x1  }
0xbe: {  	_ =	sfence.sel $0xFFFF  }
0xbf: {  	[dreg:$0x0] =	wrdreg $0xFFFFFFFF;
	(pc) =	sbr.abs _section_cstart, $3  }
0xc0: {  	[dreg:$0x1] =	wrdreg $0xFFFFFFFF  }
0xc1: {  	_ =	task.clear_ibuf [dreg:s7], $0x2FFFF;
	_ =	strace $0x9FFFFFFF  }
0xc2: {  	(tm) =	ssettm $0x7FFFFFFF  }
0xc3: {  	_ =	shalt  }
tec
execute0_lowered:
.L_overlay_start_1:
0x0: {  	(tag) =	ssettag $0x1  }
0x1: {  	s5 =	rddreg [dreg:$0x0];
	s1 =	srdreg.scid  }
0x2: {  	s0 =	stileid.u32;
	s2 =	rddreg [dreg:$0x1]  }
0x3: {  	s3 =	simm.s32 $0x0;
	s9 =	simm.s32 $0x9;
	s10 =	simm.s32 $0x80  }
0x4: {  	s11 =	simm.s32 $0x6400;
	s12 =	simm.s32 $0x8400;
	s13 =	simm.s32 $0x100  }
0x5: {  	s14 =	simm.s32 $0xA400;
	s15 =	simm.s32 $0x180;
	s16 =	simm.s32 $0xC400  }
0x6: {  	s17 =	simm.s32 $0x1;
	s18 =	simm.s32 $0x2;
	s19 =	simm.s32 $0x3  }
0x7: {  	s20 =	simm.s32 $0x4;
	s21 =	simm.s32 $0x5;
	s22 =	simm.s32 $0x6  }
0x8: {  	s23 =	simm.s32 $0x7;
	s4 =	sand.u32 $0x1, s1;
	s6 =	sshll.u32 s0, $0x1  }
0x9: {  	s24 =	simm.s32 $0x8;
	s25 =	simm.s32 $0x0;
	s6 =	sor.u32 s4, s6  }
0xa: {  	[smem:$0x7FF] =	sst s3;
	s8 =	ssub.s32 $0x2, s4;
	s7 =	smul.u32 $0xC80, s6  }
0xb: {  	_ =	strace $0x80000047;
	s4 =	smul.u32 $0x190000, s6;
	s31 =	sshrl.u32 s8, $0x1  }
0xc: {  	s8 =	ssub.s32 s8, s31;
	s30 =	sadd.s32 s7, s5;
	s5 =	sadd.s32 $0xF42E00, s5  }
0xd: {  	s7 =	sor.u32 $0x2000, s4;
	s8 =	smax.u32 s8, $0x1;
	s6 =	sadd.s32 $0xA00, s30  }
.LBB2_1:
0xe: {  	[tilespmem:s3], [sflag:$0x9] =	stream.linear.gather [hbm4b:s6+s3], $0x6400, $0x38;
	[tilespmem:$0xE400] =	vst v63  }
0xf: {  	_ =	swait.ge [sflag:s9], $0x6400  }
0x10: {  	[sflag:s9] =	ssyncset.done $0x0  }
0x11: {  	[sflag:s9] =	ssyncadd.s32 $0xFFFF9C00  }
0x12: {  	[tilespmem:s11], [sflag:$0x1] =	stream.indirect.gather [hbm4b:s5+s10], $0x40, s3, s10, $0xb8;
	[tilespmem:$0xE400] =	vst v63  }
0x13: {  	_ = 	snop  }
0x14: {  	[tilespmem:s12], [sflag:$0x2] =	stream.indirect.gather [hbm4b:s5+s10], $0x40, s10, s10, $0xb8;
	[tilespmem:$0xE400] =	vst v63  }
0x15: {  	_ = 	snop  }
0x16: {  	[tilespmem:s14], [sflag:$0x3] =	stream.indirect.gather [hbm4b:s5+s10], $0x40, s13, s10, $0xb8;
	[tilespmem:$0xE400] =	vst v63  }
0x17: {  	s26 =	simm.s32 $0x0  }
0x18: {  	[tilespmem:s16], [sflag:$0x4] =	stream.indirect.gather [hbm4b:s5+s10], $0x40, s15, s10, $0xb8;
	[tilespmem:$0xE400] =	vst v63  }
.LBB2_2:
0x19: {  	_ =	swait.ge [sflag:s17], $0x2000  }
0x1a: {  	[sflag:s17] =	ssyncset.done $0x0  }
0x1b: {  	s28 =	simm.s32 $0x0;
	[sflag:s17] =	ssyncadd.s32 $0xFFFFE000  }
0x1c: {  	v0 =	vld [tilespmem:s28+$0x6400]  }
0x1d: {  	v1 =	vld [tilespmem:s28+$0x6410]  }
0x1e: {  	v2 =	vld [tilespmem:s28+$0x6420]  }
0x1f: {  	v3 =	vld [tilespmem:s28+$0x6430]  }
0x20: {  	v4 =	vld [tilespmem:s28+$0x6440]  }
0x21: {  	v5 =	vld [tilespmem:s28+$0x6450];
	v0 =	vmul.f32 $8.000000000e+00, v0  }
0x22: {  	v6 =	vld [tilespmem:s28+$0x6460];
	v1 =	vmul.f32 $8.000000000e+00, v1  }
0x23: {  	v2 =	vmul.f32 $8.000000000e+00, v2;
	[tilespmem:s28+$0x6400] =	vst v0;
	v0 =	vld [tilespmem:s28+$0x6470]  }
0x24: {  	v3 =	vmul.f32 $8.000000000e+00, v3;
	[tilespmem:s28+$0x6410] =	vst v1;
	v1 =	vld [tilespmem:s28+$0x6480]  }
0x25: {  	v4 =	vmul.f32 $8.000000000e+00, v4;
	[tilespmem:s28+$0x6420] =	vst v2;
	v2 =	vld [tilespmem:s28+$0x6490]  }
0x26: {  	v5 =	vmul.f32 $8.000000000e+00, v5;
	[tilespmem:s28+$0x6430] =	vst v3;
	v3 =	vld [tilespmem:s28+$0x64A0]  }
0x27: {  	v6 =	vmul.f32 $8.000000000e+00, v6;
	[tilespmem:s28+$0x6440] =	vst v4;
	v4 =	vld [tilespmem:s28+$0x64B0]  }
0x28: {  	[tilespmem:s28+$0x6450] =	vst v5;
	v5 =	vld [tilespmem:s28+$0x64C0];
	v0 =	vmul.f32 $8.000000000e+00, v0  }
0x29: {  	[tilespmem:s28+$0x6460] =	vst v6;
	v6 =	vld [tilespmem:s28+$0x64D0];
	v1 =	vmul.f32 $8.000000000e+00, v1  }
0x2a: {  	v2 =	vmul.f32 $8.000000000e+00, v2;
	[tilespmem:s28+$0x6470] =	vst v0;
	v0 =	vld [tilespmem:s28+$0x64E0]  }
0x2b: {  	v3 =	vmul.f32 $8.000000000e+00, v3;
	[tilespmem:s28+$0x6480] =	vst v1;
	v1 =	vld [tilespmem:s28+$0x64F0]  }
0x2c: {  	v4 =	vmul.f32 $8.000000000e+00, v4;
	[tilespmem:s28+$0x6490] =	vst v2;
	v2 =	vld [tilespmem:s28+$0x6500]  }
0x2d: {  	v5 =	vmul.f32 $8.000000000e+00, v5;
	[tilespmem:s28+$0x64A0] =	vst v3;
	v3 =	vld [tilespmem:s28+$0x6510]  }
0x2e: {  	v6 =	vmul.f32 $8.000000000e+00, v6;
	[tilespmem:s28+$0x64B0] =	vst v4;
	v4 =	vld [tilespmem:s28+$0x6520]  }
0x2f: {  	[tilespmem:s28+$0x64C0] =	vst v5;
	v5 =	vld [tilespmem:s28+$0x6530];
	v0 =	vmul.f32 $8.000000000e+00, v0  }
0x30: {  	[tilespmem:s28+$0x64D0] =	vst v6;
	v6 =	vld [tilespmem:s28+$0x6540]  }
0x31: {  	v1 =	vmul.f32 $8.000000000e+00, v1;
	[tilespmem:s28+$0x64E0] =	vst v0;
	v0 =	vld [tilespmem:s28+$0x6550]  }
0x32: {  	v2 =	vmul.f32 $8.000000000e+00, v2  }
0x33: {  	[tilespmem:s28+$0x64F0] =	vst v1;
	v1 =	vmul.f32 $8.000000000e+00, v3;
	v3 =	vld [tilespmem:s28+$0x6570]  }
0x34: {  	v7 =	vld [tilespmem:s28+$0x6560];
	[tilespmem:s28+$0x6500] =	vst v2;
	v2 =	vmul.f32 $8.000000000e+00, v4  }
0x35: {  	v4 =	vld [tilespmem:s28+$0x6580];
	[tilespmem:s28+$0x6510] =	vst v1;
	v1 =	vmul.f32 $8.000000000e+00, v5  }
0x36: {  	[tilespmem:s28+$0x6520] =	vst v2;
	v5 =	vld [tilespmem:s28+$0x6590];
	v2 =	vmul.f32 $8.000000000e+00, v6;
	v6 =	vmul.f32 $8.000000000e+00, v0  }
0x37: {  	[tilespmem:s28+$0x6530] =	vst v1;
	v1 =	vld [tilespmem:s28+$0x65A0]  }
0x38: {  	v0 =	vld [tilespmem:s28+$0x65B0];
	[tilespmem:s28+$0x6550] =	vst v6;
	v6 =	vmul.f32 $8.000000000e+00, v3  }
0x39: {  	v7 =	vmul.f32 $8.000000000e+00, v7;
	[tilespmem:s28+$0x6540] =	vst v2;
	v2 =	vld [tilespmem:s28+$0x65C0]  }
0x3a: {  	v3 =	vld [tilespmem:s28+$0x65D0];
	[tilespmem:s28+$0x6570] =	vst v6;
	v6 =	vmul.f32 $8.000000000e+00, v4  }
0x3b: {  	s29 =	simm.s32 $0x800;
	[tilespmem:s28+$0x6560] =	vst v7;
	v5 =	vmul.f32 $8.000000000e+00, v5;
	v4 =	vld [tilespmem:s28+$0x65E0]  }
.LBB2_3:
0x3c: {  	s30 =	sshra.s32 s29, $0x2;
	p0 =	sne.s32 s29, $0x7800;
	[tilespmem:s28+$0x6580] =	vst v6;
	v1 =	vmul.f32 $8.000000000e+00, v1;
	v6 =	vld [tilespmem:s28+$0x65F0]  }
0x3d: {  	v7 =	vld [tilespmem:s30+$0x6400];
	[tilespmem:s28+$0x6590] =	vst v5;
	v0 =	vmul.f32 $8.000000000e+00, v0  }
0x3e: {  	v5 =	vld [tilespmem:s30+$0x6410];
	[tilespmem:s28+$0x65A0] =	vst v1;
	v1 =	vmul.f32 $8.000000000e+00, v2  }
0x3f: {  	v2 =	vld [tilespmem:s30+$0x6420];
	[tilespmem:s28+$0x65B0] =	vst v0;
	v0 =	vmul.f32 $8.000000000e+00, v3  }
0x40: {  	v3 =	vld [tilespmem:s30+$0x6430];
	[tilespmem:s28+$0x65C0] =	vst v1;
	v1 =	vmul.f32 $8.000000000e+00, v4  }
0x41: {  	v4 =	vld [tilespmem:s30+$0x6440];
	[tilespmem:s28+$0x65D0] =	vst v0;
	v0 =	vmul.f32 $8.000000000e+00, v6  }
0x42: {  	v6 =	vmul.f32 $8.000000000e+00, v7;
	v7 =	vld [tilespmem:s30+$0x6450];
	[tilespmem:s28+$0x65E0] =	vst v1  }
0x43: {  	v1 =	vmul.f32 $8.000000000e+00, v5;
	v5 =	vld [tilespmem:s30+$0x6460];
	[tilespmem:s28+$0x65F0] =	vst v0;
	s28 =	smov.u32 s30  }
0x44: {  	[tilespmem:s28+$0x6400] =	vst v6;
	v0 =	vmul.f32 $8.000000000e+00, v2;
	v2 =	vld [tilespmem:s28+$0x6470]  }
0x45: {  	[tilespmem:s28+$0x6410] =	vst v1;
	v1 =	vmul.f32 $8.000000000e+00, v3;
	v3 =	vld [tilespmem:s28+$0x6480]  }
0x46: {  	[tilespmem:s28+$0x6420] =	vst v0;
	v0 =	vmul.f32 $8.000000000e+00, v4;
	v4 =	vld [tilespmem:s28+$0x6490]  }
0x47: {  	[tilespmem:s28+$0x6430] =	vst v1;
	v1 =	vmul.f32 $8.000000000e+00, v7;
	v6 =	vld [tilespmem:s28+$0x64A0]  }
0x48: {  	[tilespmem:s28+$0x6440] =	vst v0;
	v0 =	vmul.f32 $8.000000000e+00, v5;
	v5 =	vld [tilespmem:s28+$0x64B0]  }
0x49: {  	[tilespmem:s28+$0x6450] =	vst v1;
	v1 =	vmul.f32 $8.000000000e+00, v2;
	v2 =	vld [tilespmem:s28+$0x64C0]  }
0x4a: {  	[tilespmem:s28+$0x6460] =	vst v0;
	v0 =	vmul.f32 $8.000000000e+00, v3;
	v3 =	vld [tilespmem:s28+$0x64D0]  }
0x4b: {  	[tilespmem:s28+$0x6470] =	vst v1;
	v1 =	vmul.f32 $8.000000000e+00, v4;
	v4 =	vld [tilespmem:s28+$0x64E0]  }
0x4c: {  	[tilespmem:s28+$0x6480] =	vst v0;
	v0 =	vmul.f32 $8.000000000e+00, v6;
	v6 =	vld [tilespmem:s28+$0x64F0]  }
0x4d: {  	[tilespmem:s28+$0x6490] =	vst v1;
	v1 =	vmul.f32 $8.000000000e+00, v5;
	v5 =	vld [tilespmem:s28+$0x6500]  }
0x4e: {  	[tilespmem:s28+$0x64A0] =	vst v0;
	v0 =	vmul.f32 $8.000000000e+00, v2;
	v2 =	vld [tilespmem:s28+$0x6510]  }
0x4f: {  	[tilespmem:s28+$0x64B0] =	vst v1;
	v1 =	vmul.f32 $8.000000000e+00, v3;
	v3 =	vld [tilespmem:s28+$0x6520]  }
0x50: {  	[tilespmem:s28+$0x64C0] =	vst v0;
	v0 =	vmul.f32 $8.000000000e+00, v4;
	v4 =	vld [tilespmem:s28+$0x6530]  }
0x51: {  	[tilespmem:s28+$0x64D0] =	vst v1;
	v1 =	vmul.f32 $8.000000000e+00, v6;
	v6 =	vld [tilespmem:s28+$0x6540]  }
0x52: {  	[tilespmem:s28+$0x64E0] =	vst v0;
	v0 =	vmul.f32 $8.000000000e+00, v5;
	v5 =	vld [tilespmem:s28+$0x6550]  }
0x53: {  	[tilespmem:s28+$0x64F0] =	vst v1;
	v1 =	vmul.f32 $8.000000000e+00, v2;
	v2 =	vld [tilespmem:s28+$0x6560]  }
0x54: {  	[tilespmem:s28+$0x6500] =	vst v0;
	v0 =	vmul.f32 $8.000000000e+00, v3;
	v3 =	vld [tilespmem:s28+$0x6570]  }
0x55: {  	[tilespmem:s28+$0x6510] =	vst v1;
	v1 =	vmul.f32 $8.000000000e+00, v4;
	v4 =	vld [tilespmem:s28+$0x6580]  }
0x56: {  	[tilespmem:s28+$0x6520] =	vst v0;
	v0 =	vmul.f32 $8.000000000e+00, v6;
	v7 =	vld [tilespmem:s28+$0x6590]  }
.Ltmp0:
0x57: {  	[tilespmem:s28+$0x6530] =	vst v1;
	v5 =	vmul.f32 $8.000000000e+00, v5;
	v1 =	vld [tilespmem:s28+$0x65A0];
	(pc) =	sbr.rel @p0 .LBB2_3-.Ltmp0, $4  }
0x58: {  	[tilespmem:s28+$0x6540] =	vst v0;
	v6 =	vmul.f32 $8.000000000e+00, v2;
	v0 =	vld [tilespmem:s28+$0x65B0]  }
0x59: {  	[tilespmem:s28+$0x6550] =	vst v5;
	v5 =	vmul.f32 $8.000000000e+00, v3;
	v2 =	vld [tilespmem:s28+$0x65C0]  }
0x5a: {  	[tilespmem:s28+$0x6560] =	vst v6;
	v6 =	vmul.f32 $8.000000000e+00, v4;
	v3 =	vld [tilespmem:s28+$0x65D0]  }
0x5b: {  	s29 =	sadd.s32 $0x800, s29;
	[tilespmem:s28+$0x6570] =	vst v5;
	v5 =	vmul.f32 $8.000000000e+00, v7;
	v4 =	vld [tilespmem:s28+$0x65E0]  }
0x5c: {  	[tilespmem:s28+$0x6580] =	vst v6;
	v1 =	vmul.f32 $8.000000000e+00, v1;
	v6 =	vld [tilespmem:s28+$0x65F0]  }
0x5d: {  	[tilespmem:s28+$0x6590] =	vst v5;
	v0 =	vmul.f32 $8.000000000e+00, v0  }
0x5e: {  	[tilespmem:s28+$0x65A0] =	vst v1;
	v1 =	vmul.f32 $8.000000000e+00, v2  }
0x5f: {  	[tilespmem:s28+$0x65B0] =	vst v0;
	v0 =	vmul.f32 $8.000000000e+00, v3  }
0x60: {  	s29 =	sshll.u32 s26, $0xF;
	[tilespmem:s28+$0x65C0] =	vst v1;
	v1 =	vmul.f32 $8.000000000e+00, v4  }
0x61: {  	s30 =	sadd.s32 s4, s29;
	[tilespmem:s28+$0x65D0] =	vst v0;
	v0 =	vmul.f32 $8.000000000e+00, v6  }
0x62: {  	s30 =	sshrl.u32 s30, $0x3;
	[tilespmem:s28+$0x65E0] =	vst v1  }
0x63: {  	s30 =	sadd.s32 s2, s30;
	[tilespmem:s28+$0x65F0] =	vst v0;
	s28 =	sshll.u32 s26, $0x2  }
0x64: {  	[hbm4b:s30+s3] =	stream.linear.scatter [tilespmem:s11], [sflag:$0x5], $0x2000, $0x38;
	[tilespmem:$0xE400] =	vst v63  }
0x65: {  	s30 =	sadd.s32 $0xFFFFFFFC, s28  }
0x66: {  	p0 =	sgt.u32 s30, $0xC3  }
0x67: {  	s30 =	simm.s32 @!p0 $0x7  }
0x68: {  	_ =	swait.ge @!p0 [sflag:s30], $0x2000  }
0x69: {  	s31 =	sshll.u32 @!p0 s26, $0x9;
	[sflag:s30] =	ssyncset.done @!p0 $0x0  }
0x6a: {  	[sflag:s30] =	ssyncadd.s32 @!p0 $0xFFFFE000;
	s30 =	sand.u32 @!p0 $0x3FFFFE00, s31  }
0x6b: {  	s1 =	simm.s32 @!p0 $0xA400;
	s31 =	simm.s32 @!p0 $0x80;
	s30 =	sor.u32 @!p0 $0x100, s30  }
0x6c: {  	[tilespmem:s1], [sflag:$0x3] =	stream.indirect.gather @!p0 [hbm4b:s5+s31], $0x40, s30, s31, $0xb8;
	[tilespmem:$0xE400] =	vst v63  }
0x6d: {  	_ =	swait.ge [sflag:s18], $0x2000  }
0x6e: {  	[sflag:s18] =	ssyncset.done $0x0  }
0x6f: {  	s30 =	simm.s32 $0x0;
	[sflag:s18] =	ssyncadd.s32 $0xFFFFE000  }
0x70: {  	v0 =	vld [tilespmem:s30+$0x8400]  }
0x71: {  	v1 =	vld [tilespmem:s30+$0x8410]  }
0x72: {  	v2 =	vld [tilespmem:s30+$0x8420]  }
0x73: {  	v3 =	vld [tilespmem:s30+$0x8430]  }
0x74: {  	v4 =	vld [tilespmem:s30+$0x8440]  }
0x75: {  	v5 =	vld [tilespmem:s30+$0x8450];
	v0 =	vmul.f32 $8.000000000e+00, v0  }
0x76: {  	v6 =	vld [tilespmem:s30+$0x8460];
	v1 =	vmul.f32 $8.000000000e+00, v1  }
0x77: {  	v2 =	vmul.f32 $8.000000000e+00, v2;
	[tilespmem:s30+$0x8400] =	vst v0;
	v0 =	vld [tilespmem:s30+$0x8470]  }
0x78: {  	v3 =	vmul.f32 $8.000000000e+00, v3;
	[tilespmem:s30+$0x8410] =	vst v1;
	v1 =	vld [tilespmem:s30+$0x8480]  }
0x79: {  	v4 =	vmul.f32 $8.000000000e+00, v4;
	[tilespmem:s30+$0x8420] =	vst v2;
	v2 =	vld [tilespmem:s30+$0x8490]  }
0x7a: {  	v5 =	vmul.f32 $8.000000000e+00, v5;
	[tilespmem:s30+$0x8430] =	vst v3;
	v3 =	vld [tilespmem:s30+$0x84A0]  }
0x7b: {  	v6 =	vmul.f32 $8.000000000e+00, v6;
	[tilespmem:s30+$0x8440] =	vst v4;
	v4 =	vld [tilespmem:s30+$0x84B0]  }
0x7c: {  	[tilespmem:s30+$0x8450] =	vst v5;
	v5 =	vld [tilespmem:s30+$0x84C0];
	v0 =	vmul.f32 $8.000000000e+00, v0  }
0x7d: {  	[tilespmem:s30+$0x8460] =	vst v6;
	v6 =	vld [tilespmem:s30+$0x84D0];
	v1 =	vmul.f32 $8.000000000e+00, v1  }
0x7e: {  	v2 =	vmul.f32 $8.000000000e+00, v2;
	[tilespmem:s30+$0x8470] =	vst v0;
	v0 =	vld [tilespmem:s30+$0x84E0]  }
0x7f: {  	v3 =	vmul.f32 $8.000000000e+00, v3;
	[tilespmem:s30+$0x8480] =	vst v1;
	v1 =	vld [tilespmem:s30+$0x84F0]  }
0x80: {  	v4 =	vmul.f32 $8.000000000e+00, v4;
	[tilespmem:s30+$0x8490] =	vst v2;
	v2 =	vld [tilespmem:s30+$0x8500]  }
0x81: {  	v5 =	vmul.f32 $8.000000000e+00, v5;
	[tilespmem:s30+$0x84A0] =	vst v3;
	v3 =	vld [tilespmem:s30+$0x8510]  }
0x82: {  	v6 =	vmul.f32 $8.000000000e+00, v6;
	[tilespmem:s30+$0x84B0] =	vst v4;
	v4 =	vld [tilespmem:s30+$0x8520]  }
0x83: {  	[tilespmem:s30+$0x84C0] =	vst v5;
	v5 =	vld [tilespmem:s30+$0x8530];
	v0 =	vmul.f32 $8.000000000e+00, v0  }
0x84: {  	[tilespmem:s30+$0x84D0] =	vst v6;
	v6 =	vld [tilespmem:s30+$0x8540]  }
0x85: {  	v1 =	vmul.f32 $8.000000000e+00, v1;
	[tilespmem:s30+$0x84E0] =	vst v0;
	v0 =	vld [tilespmem:s30+$0x8550]  }
0x86: {  	v2 =	vmul.f32 $8.000000000e+00, v2  }
0x87: {  	[tilespmem:s30+$0x84F0] =	vst v1;
	v1 =	vmul.f32 $8.000000000e+00, v3;
	v3 =	vld [tilespmem:s30+$0x8570]  }
0x88: {  	v7 =	vld [tilespmem:s30+$0x8560];
	[tilespmem:s30+$0x8500] =	vst v2;
	v2 =	vmul.f32 $8.000000000e+00, v4  }
0x89: {  	v4 =	vld [tilespmem:s30+$0x8580];
	[tilespmem:s30+$0x8510] =	vst v1;
	v1 =	vmul.f32 $8.000000000e+00, v5  }
0x8a: {  	[tilespmem:s30+$0x8520] =	vst v2;
	v5 =	vld [tilespmem:s30+$0x8590];
	v2 =	vmul.f32 $8.000000000e+00, v6;
	v6 =	vmul.f32 $8.000000000e+00, v0  }
0x8b: {  	[tilespmem:s30+$0x8530] =	vst v1;
	v1 =	vld [tilespmem:s30+$0x85A0]  }
0x8c: {  	v0 =	vld [tilespmem:s30+$0x85B0];
	[tilespmem:s30+$0x8550] =	vst v6;
	v6 =	vmul.f32 $8.000000000e+00, v3  }
0x8d: {  	v7 =	vmul.f32 $8.000000000e+00, v7;
	[tilespmem:s30+$0x8540] =	vst v2;
	v2 =	vld [tilespmem:s30+$0x85C0]  }
0x8e: {  	v3 =	vld [tilespmem:s30+$0x85D0];
	[tilespmem:s30+$0x8570] =	vst v6;
	v6 =	vmul.f32 $8.000000000e+00, v4  }
0x8f: {  	s31 =	simm.s32 $0x800;
	[tilespmem:s30+$0x8560] =	vst v7;
	v5 =	vmul.f32 $8.000000000e+00, v5;
	v4 =	vld [tilespmem:s30+$0x85E0]  }
.LBB2_5:
0x90: {  	s1 =	sshra.s32 s31, $0x2;
	p0 =	sne.s32 s31, $0x7800;
	[tilespmem:s30+$0x8580] =	vst v6;
	v1 =	vmul.f32 $8.000000000e+00, v1;
	v6 =	vld [tilespmem:s30+$0x85F0]  }
0x91: {  	v7 =	vld [tilespmem:s1+$0x8400];
	[tilespmem:s30+$0x8590] =	vst v5;
	v0 =	vmul.f32 $8.000000000e+00, v0  }
0x92: {  	v5 =	vld [tilespmem:s1+$0x8410];
	[tilespmem:s30+$0x85A0] =	vst v1;
	v1 =	vmul.f32 $8.000000000e+00, v2  }
0x93: {  	v2 =	vld [tilespmem:s1+$0x8420];
	[tilespmem:s30+$0x85B0] =	vst v0;
	v0 =	vmul.f32 $8.000000000e+00, v3  }
0x94: {  	v3 =	vld [tilespmem:s1+$0x8430];
	[tilespmem:s30+$0x85C0] =	vst v1;
	v1 =	vmul.f32 $8.000000000e+00, v4  }
0x95: {  	v4 =	vld [tilespmem:s1+$0x8440];
	[tilespmem:s30+$0x85D0] =	vst v0;
	v0 =	vmul.f32 $8.000000000e+00, v6  }
0x96: {  	v6 =	vmul.f32 $8.000000000e+00, v7;
	v7 =	vld [tilespmem:s1+$0x8450];
	[tilespmem:s30+$0x85E0] =	vst v1  }
0x97: {  	v1 =	vmul.f32 $8.000000000e+00, v5;
	v5 =	vld [tilespmem:s1+$0x8460];
	[tilespmem:s30+$0x85F0] =	vst v0;
	s30 =	smov.u32 s1  }
0x98: {  	[tilespmem:s30+$0x8400] =	vst v6;
	v0 =	vmul.f32 $8.000000000e+00, v2;
	v2 =	vld [tilespmem:s30+$0x8470]  }
0x99: {  	[tilespmem:s30+$0x8410] =	vst v1;
	v1 =	vmul.f32 $8.000000000e+00, v3;
	v3 =	vld [tilespmem:s30+$0x8480]  }
0x9a: {  	[tilespmem:s30+$0x8420] =	vst v0;
	v0 =	vmul.f32 $8.000000000e+00, v4;
	v4 =	vld [tilespmem:s30+$0x8490]  }
0x9b: {  	[tilespmem:s30+$0x8430] =	vst v1;
	v1 =	vmul.f32 $8.000000000e+00, v7;
	v6 =	vld [tilespmem:s30+$0x84A0]  }
0x9c: {  	[tilespmem:s30+$0x8440] =	vst v0;
	v0 =	vmul.f32 $8.000000000e+00, v5;
	v5 =	vld [tilespmem:s30+$0x84B0]  }
0x9d: {  	[tilespmem:s30+$0x8450] =	vst v1;
	v1 =	vmul.f32 $8.000000000e+00, v2;
	v2 =	vld [tilespmem:s30+$0x84C0]  }
0x9e: {  	[tilespmem:s30+$0x8460] =	vst v0;
	v0 =	vmul.f32 $8.000000000e+00, v3;
	v3 =	vld [tilespmem:s30+$0x84D0]  }
0x9f: {  	[tilespmem:s30+$0x8470] =	vst v1;
	v1 =	vmul.f32 $8.000000000e+00, v4;
	v4 =	vld [tilespmem:s30+$0x84E0]  }
0xa0: {  	[tilespmem:s30+$0x8480] =	vst v0;
	v0 =	vmul.f32 $8.000000000e+00, v6;
	v6 =	vld [tilespmem:s30+$0x84F0]  }
0xa1: {  	[tilespmem:s30+$0x8490] =	vst v1;
	v1 =	vmul.f32 $8.000000000e+00, v5;
	v5 =	vld [tilespmem:s30+$0x8500]  }
0xa2: {  	[tilespmem:s30+$0x84A0] =	vst v0;
	v0 =	vmul.f32 $8.000000000e+00, v2;
	v2 =	vld [tilespmem:s30+$0x8510]  }
0xa3: {  	[tilespmem:s30+$0x84B0] =	vst v1;
	v1 =	vmul.f32 $8.000000000e+00, v3;
	v3 =	vld [tilespmem:s30+$0x8520]  }
0xa4: {  	[tilespmem:s30+$0x84C0] =	vst v0;
	v0 =	vmul.f32 $8.000000000e+00, v4;
	v4 =	vld [tilespmem:s30+$0x8530]  }
0xa5: {  	[tilespmem:s30+$0x84D0] =	vst v1;
	v1 =	vmul.f32 $8.000000000e+00, v6;
	v6 =	vld [tilespmem:s30+$0x8540]  }
0xa6: {  	[tilespmem:s30+$0x84E0] =	vst v0;
	v0 =	vmul.f32 $8.000000000e+00, v5;
	v5 =	vld [tilespmem:s30+$0x8550]  }
0xa7: {  	[tilespmem:s30+$0x84F0] =	vst v1;
	v1 =	vmul.f32 $8.000000000e+00, v2;
	v2 =	vld [tilespmem:s30+$0x8560]  }
0xa8: {  	[tilespmem:s30+$0x8500] =	vst v0;
	v0 =	vmul.f32 $8.000000000e+00, v3;
	v3 =	vld [tilespmem:s30+$0x8570]  }
0xa9: {  	[tilespmem:s30+$0x8510] =	vst v1;
	v1 =	vmul.f32 $8.000000000e+00, v4;
	v4 =	vld [tilespmem:s30+$0x8580]  }
0xaa: {  	[tilespmem:s30+$0x8520] =	vst v0;
	v0 =	vmul.f32 $8.000000000e+00, v6;
	v7 =	vld [tilespmem:s30+$0x8590]  }
.Ltmp1:
0xab: {  	[tilespmem:s30+$0x8530] =	vst v1;
	v5 =	vmul.f32 $8.000000000e+00, v5;
	v1 =	vld [tilespmem:s30+$0x85A0];
	(pc) =	sbr.rel @p0 .LBB2_5-.Ltmp1, $4  }
0xac: {  	[tilespmem:s30+$0x8540] =	vst v0;
	v6 =	vmul.f32 $8.000000000e+00, v2;
	v0 =	vld [tilespmem:s30+$0x85B0]  }
0xad: {  	[tilespmem:s30+$0x8550] =	vst v5;
	v5 =	vmul.f32 $8.000000000e+00, v3;
	v2 =	vld [tilespmem:s30+$0x85C0]  }
0xae: {  	[tilespmem:s30+$0x8560] =	vst v6;
	v6 =	vmul.f32 $8.000000000e+00, v4;
	v3 =	vld [tilespmem:s30+$0x85D0]  }
0xaf: {  	s31 =	sadd.s32 $0x800, s31;
	[tilespmem:s30+$0x8570] =	vst v5;
	v5 =	vmul.f32 $8.000000000e+00, v7;
	v4 =	vld [tilespmem:s30+$0x85E0]  }
0xb0: {  	[tilespmem:s30+$0x8580] =	vst v6;
	v1 =	vmul.f32 $8.000000000e+00, v1;
	v6 =	vld [tilespmem:s30+$0x85F0]  }
0xb1: {  	[tilespmem:s30+$0x8590] =	vst v5;
	v0 =	vmul.f32 $8.000000000e+00, v0  }
0xb2: {  	[tilespmem:s30+$0x85A0] =	vst v1;
	v1 =	vmul.f32 $8.000000000e+00, v2  }
0xb3: {  	[tilespmem:s30+$0x85B0] =	vst v0;
	v0 =	vmul.f32 $8.000000000e+00, v3  }
0xb4: {  	[tilespmem:s30+$0x85C0] =	vst v1;
	v1 =	vmul.f32 $8.000000000e+00, v4  }
0xb5: {  	s1 =	sadd.s32 s29, s7;
	[tilespmem:s30+$0x85D0] =	vst v0;
	v0 =	vmul.f32 $8.000000000e+00, v6  }
0xb6: {  	s1 =	sshrl.u32 s1, $0x3;
	[tilespmem:s30+$0x85E0] =	vst v1  }
0xb7: {  	p0 =	seq.s32 s26, $0x0;
	s1 =	sadd.s32 s2, s1;
	[tilespmem:s30+$0x85F0] =	vst v0  }
0xb8: {  	[hbm4b:s1+s3] =	stream.linear.scatter [tilespmem:s12], [sflag:$0x6], $0x2000, $0x38;
	[tilespmem:$0xE400] =	vst v63  }
0xb9: {  	s1 =	simm.s32 @!p0 $0x8  }
0xba: {  	_ =	swait.ge @!p0 [sflag:s1], $0x2000  }
0xbb: {  	s29 =	sshll.u32 @!p0 s26, $0x9;
	[sflag:s1] =	ssyncset.done @!p0 $0x0  }
0xbc: {  	[sflag:s1] =	ssyncadd.s32 @!p0 $0xFFFFE000;
	s1 =	sand.u32 @!p0 $0x3FFFFE00, s29  }
0xbd: {  	s30 =	simm.s32 @!p0 $0xC400;
	s29 =	simm.s32 @!p0 $0x80;
	s1 =	sor.u32 @!p0 $0x180, s1  }
0xbe: {  	[tilespmem:s30], [sflag:$0x4] =	stream.indirect.gather @!p0 [hbm4b:s5+s29], $0x40, s1, s29, $0xb8;
	[tilespmem:$0xE400] =	vst v63  }
0xbf: {  	_ =	swait.ge [sflag:s19], $0x2000  }
0xc0: {  	[sflag:s19] =	ssyncset.done $0x0  }
0xc1: {  	s29 =	simm.s32 $0x0;
	[sflag:s19] =	ssyncadd.s32 $0xFFFFE000  }
0xc2: {  	v0 =	vld [tilespmem:s29+$0xA400]  }
0xc3: {  	v1 =	vld [tilespmem:s29+$0xA410]  }
0xc4: {  	v2 =	vld [tilespmem:s29+$0xA420]  }
0xc5: {  	v3 =	vld [tilespmem:s29+$0xA430]  }
0xc6: {  	v4 =	vld [tilespmem:s29+$0xA440]  }
0xc7: {  	v5 =	vld [tilespmem:s29+$0xA450];
	v0 =	vmul.f32 $8.000000000e+00, v0  }
0xc8: {  	v6 =	vld [tilespmem:s29+$0xA460];
	v1 =	vmul.f32 $8.000000000e+00, v1  }
0xc9: {  	v2 =	vmul.f32 $8.000000000e+00, v2;
	[tilespmem:s29+$0xA400] =	vst v0;
	v0 =	vld [tilespmem:s29+$0xA470]  }
0xca: {  	v3 =	vmul.f32 $8.000000000e+00, v3;
	[tilespmem:s29+$0xA410] =	vst v1;
	v1 =	vld [tilespmem:s29+$0xA480]  }
0xcb: {  	v4 =	vmul.f32 $8.000000000e+00, v4;
	[tilespmem:s29+$0xA420] =	vst v2;
	v2 =	vld [tilespmem:s29+$0xA490]  }
0xcc: {  	v5 =	vmul.f32 $8.000000000e+00, v5;
	[tilespmem:s29+$0xA430] =	vst v3;
	v3 =	vld [tilespmem:s29+$0xA4A0]  }
0xcd: {  	v6 =	vmul.f32 $8.000000000e+00, v6;
	[tilespmem:s29+$0xA440] =	vst v4;
	v4 =	vld [tilespmem:s29+$0xA4B0]  }
0xce: {  	[tilespmem:s29+$0xA450] =	vst v5;
	v5 =	vld [tilespmem:s29+$0xA4C0];
	v0 =	vmul.f32 $8.000000000e+00, v0  }
0xcf: {  	[tilespmem:s29+$0xA460] =	vst v6;
	v6 =	vld [tilespmem:s29+$0xA4D0];
	v1 =	vmul.f32 $8.000000000e+00, v1  }
0xd0: {  	v2 =	vmul.f32 $8.000000000e+00, v2;
	[tilespmem:s29+$0xA470] =	vst v0;
	v0 =	vld [tilespmem:s29+$0xA4E0]  }
0xd1: {  	v3 =	vmul.f32 $8.000000000e+00, v3;
	[tilespmem:s29+$0xA480] =	vst v1;
	v1 =	vld [tilespmem:s29+$0xA4F0]  }
0xd2: {  	v4 =	vmul.f32 $8.000000000e+00, v4;
	[tilespmem:s29+$0xA490] =	vst v2;
	v2 =	vld [tilespmem:s29+$0xA500]  }
0xd3: {  	v5 =	vmul.f32 $8.000000000e+00, v5;
	[tilespmem:s29+$0xA4A0] =	vst v3;
	v3 =	vld [tilespmem:s29+$0xA510]  }
0xd4: {  	v6 =	vmul.f32 $8.000000000e+00, v6;
	[tilespmem:s29+$0xA4B0] =	vst v4;
	v4 =	vld [tilespmem:s29+$0xA520]  }
0xd5: {  	[tilespmem:s29+$0xA4C0] =	vst v5;
	v5 =	vld [tilespmem:s29+$0xA530];
	v0 =	vmul.f32 $8.000000000e+00, v0  }
0xd6: {  	[tilespmem:s29+$0xA4D0] =	vst v6;
	v6 =	vld [tilespmem:s29+$0xA540]  }
0xd7: {  	v1 =	vmul.f32 $8.000000000e+00, v1;
	[tilespmem:s29+$0xA4E0] =	vst v0;
	v0 =	vld [tilespmem:s29+$0xA550]  }
0xd8: {  	v2 =	vmul.f32 $8.000000000e+00, v2  }
0xd9: {  	[tilespmem:s29+$0xA4F0] =	vst v1;
	v1 =	vmul.f32 $8.000000000e+00, v3;
	v3 =	vld [tilespmem:s29+$0xA570]  }
0xda: {  	v7 =	vld [tilespmem:s29+$0xA560];
	[tilespmem:s29+$0xA500] =	vst v2;
	v2 =	vmul.f32 $8.000000000e+00, v4  }
0xdb: {  	v4 =	vld [tilespmem:s29+$0xA580];
	[tilespmem:s29+$0xA510] =	vst v1;
	v1 =	vmul.f32 $8.000000000e+00, v5  }
0xdc: {  	[tilespmem:s29+$0xA520] =	vst v2;
	v5 =	vld [tilespmem:s29+$0xA590];
	v2 =	vmul.f32 $8.000000000e+00, v6;
	v6 =	vmul.f32 $8.000000000e+00, v0  }
0xdd: {  	[tilespmem:s29+$0xA530] =	vst v1;
	v1 =	vld [tilespmem:s29+$0xA5A0]  }
0xde: {  	v0 =	vld [tilespmem:s29+$0xA5B0];
	[tilespmem:s29+$0xA550] =	vst v6;
	v6 =	vmul.f32 $8.000000000e+00, v3  }
0xdf: {  	v7 =	vmul.f32 $8.000000000e+00, v7;
	[tilespmem:s29+$0xA540] =	vst v2;
	v2 =	vld [tilespmem:s29+$0xA5C0]  }
0xe0: {  	v3 =	vld [tilespmem:s29+$0xA5D0];
	[tilespmem:s29+$0xA570] =	vst v6;
	v6 =	vmul.f32 $8.000000000e+00, v4  }
0xe1: {  	s30 =	simm.s32 $0x800;
	[tilespmem:s29+$0xA560] =	vst v7;
	v5 =	vmul.f32 $8.000000000e+00, v5;
	v4 =	vld [tilespmem:s29+$0xA5E0]  }
.LBB2_7:
0xe2: {  	s1 =	sshra.s32 s30, $0x2;
	p0 =	sne.s32 s30, $0x7800;
	[tilespmem:s29+$0xA580] =	vst v6;
	v1 =	vmul.f32 $8.000000000e+00, v1;
	v6 =	vld [tilespmem:s29+$0xA5F0]  }
0xe3: {  	v7 =	vld [tilespmem:s1+$0xA400];
	[tilespmem:s29+$0xA590] =	vst v5;
	v0 =	vmul.f32 $8.000000000e+00, v0  }
0xe4: {  	v5 =	vld [tilespmem:s1+$0xA410];
	[tilespmem:s29+$0xA5A0] =	vst v1;
	v1 =	vmul.f32 $8.000000000e+00, v2  }
0xe5: {  	v2 =	vld [tilespmem:s1+$0xA420];
	[tilespmem:s29+$0xA5B0] =	vst v0;
	v0 =	vmul.f32 $8.000000000e+00, v3  }
0xe6: {  	v3 =	vld [tilespmem:s1+$0xA430];
	[tilespmem:s29+$0xA5C0] =	vst v1;
	v1 =	vmul.f32 $8.000000000e+00, v4  }
0xe7: {  	v4 =	vld [tilespmem:s1+$0xA440];
	[tilespmem:s29+$0xA5D0] =	vst v0;
	v0 =	vmul.f32 $8.000000000e+00, v6  }
0xe8: {  	v6 =	vmul.f32 $8.000000000e+00, v7;
	v7 =	vld [tilespmem:s1+$0xA450];
	[tilespmem:s29+$0xA5E0] =	vst v1  }
0xe9: {  	v1 =	vmul.f32 $8.000000000e+00, v5;
	v5 =	vld [tilespmem:s1+$0xA460];
	[tilespmem:s29+$0xA5F0] =	vst v0;
	s29 =	smov.u32 s1  }
0xea: {  	[tilespmem:s29+$0xA400] =	vst v6;
	v0 =	vmul.f32 $8.000000000e+00, v2;
	v2 =	vld [tilespmem:s29+$0xA470]  }
0xeb: {  	[tilespmem:s29+$0xA410] =	vst v1;
	v1 =	vmul.f32 $8.000000000e+00, v3;
	v3 =	vld [tilespmem:s29+$0xA480]  }
0xec: {  	[tilespmem:s29+$0xA420] =	vst v0;
	v0 =	vmul.f32 $8.000000000e+00, v4;
	v4 =	vld [tilespmem:s29+$0xA490]  }
0xed: {  	[tilespmem:s29+$0xA430] =	vst v1;
	v1 =	vmul.f32 $8.000000000e+00, v7;
	v6 =	vld [tilespmem:s29+$0xA4A0]  }
0xee: {  	[tilespmem:s29+$0xA440] =	vst v0;
	v0 =	vmul.f32 $8.000000000e+00, v5;
	v5 =	vld [tilespmem:s29+$0xA4B0]  }
0xef: {  	[tilespmem:s29+$0xA450] =	vst v1;
	v1 =	vmul.f32 $8.000000000e+00, v2;
	v2 =	vld [tilespmem:s29+$0xA4C0]  }
0xf0: {  	[tilespmem:s29+$0xA460] =	vst v0;
	v0 =	vmul.f32 $8.000000000e+00, v3;
	v3 =	vld [tilespmem:s29+$0xA4D0]  }
0xf1: {  	[tilespmem:s29+$0xA470] =	vst v1;
	v1 =	vmul.f32 $8.000000000e+00, v4;
	v4 =	vld [tilespmem:s29+$0xA4E0]  }
0xf2: {  	[tilespmem:s29+$0xA480] =	vst v0;
	v0 =	vmul.f32 $8.000000000e+00, v6;
	v6 =	vld [tilespmem:s29+$0xA4F0]  }
0xf3: {  	[tilespmem:s29+$0xA490] =	vst v1;
	v1 =	vmul.f32 $8.000000000e+00, v5;
	v5 =	vld [tilespmem:s29+$0xA500]  }
0xf4: {  	[tilespmem:s29+$0xA4A0] =	vst v0;
	v0 =	vmul.f32 $8.000000000e+00, v2;
	v2 =	vld [tilespmem:s29+$0xA510]  }
0xf5: {  	[tilespmem:s29+$0xA4B0] =	vst v1;
	v1 =	vmul.f32 $8.000000000e+00, v3;
	v3 =	vld [tilespmem:s29+$0xA520]  }
0xf6: {  	[tilespmem:s29+$0xA4C0] =	vst v0;
	v0 =	vmul.f32 $8.000000000e+00, v4;
	v4 =	vld [tilespmem:s29+$0xA530]  }
0xf7: {  	[tilespmem:s29+$0xA4D0] =	vst v1;
	v1 =	vmul.f32 $8.000000000e+00, v6;
	v6 =	vld [tilespmem:s29+$0xA540]  }
0xf8: {  	[tilespmem:s29+$0xA4E0] =	vst v0;
	v0 =	vmul.f32 $8.000000000e+00, v5;
	v5 =	vld [tilespmem:s29+$0xA550]  }
0xf9: {  	[tilespmem:s29+$0xA4F0] =	vst v1;
	v1 =	vmul.f32 $8.000000000e+00, v2;
	v2 =	vld [tilespmem:s29+$0xA560]  }
0xfa: {  	[tilespmem:s29+$0xA500] =	vst v0;
	v0 =	vmul.f32 $8.000000000e+00, v3;
	v3 =	vld [tilespmem:s29+$0xA570]  }
0xfb: {  	[tilespmem:s29+$0xA510] =	vst v1;
	v1 =	vmul.f32 $8.000000000e+00, v4;
	v4 =	vld [tilespmem:s29+$0xA580]  }
0xfc: {  	[tilespmem:s29+$0xA520] =	vst v0;
	v0 =	vmul.f32 $8.000000000e+00, v6;
	v7 =	vld [tilespmem:s29+$0xA590]  }
.Ltmp2:
0xfd: {  	[tilespmem:s29+$0xA530] =	vst v1;
	v5 =	vmul.f32 $8.000000000e+00, v5;
	v1 =	vld [tilespmem:s29+$0xA5A0];
	(pc) =	sbr.rel @p0 .LBB2_7-.Ltmp2, $4  }
0xfe: {  	[tilespmem:s29+$0xA540] =	vst v0;
	v6 =	vmul.f32 $8.000000000e+00, v2;
	v0 =	vld [tilespmem:s29+$0xA5B0]  }
0xff: {  	[tilespmem:s29+$0xA550] =	vst v5;
	v5 =	vmul.f32 $8.000000000e+00, v3;
	v2 =	vld [tilespmem:s29+$0xA5C0]  }
0x100: {  	[tilespmem:s29+$0xA560] =	vst v6;
	v6 =	vmul.f32 $8.000000000e+00, v4;
	v3 =	vld [tilespmem:s29+$0xA5D0]  }
0x101: {  	s30 =	sadd.s32 $0x800, s30;
	[tilespmem:s29+$0xA570] =	vst v5;
	v5 =	vmul.f32 $8.000000000e+00, v7;
	v4 =	vld [tilespmem:s29+$0xA5E0]  }
0x102: {  	[tilespmem:s29+$0xA580] =	vst v6;
	v1 =	vmul.f32 $8.000000000e+00, v1;
	v6 =	vld [tilespmem:s29+$0xA5F0]  }
0x103: {  	[tilespmem:s29+$0xA590] =	vst v5;
	v0 =	vmul.f32 $8.000000000e+00, v0  }
0x104: {  	[tilespmem:s29+$0xA5A0] =	vst v1;
	v1 =	vmul.f32 $8.000000000e+00, v2  }
0x105: {  	s1 =	sor.u32 $0x2, s28;
	[tilespmem:s29+$0xA5B0] =	vst v0;
	v0 =	vmul.f32 $8.000000000e+00, v3  }
0x106: {  	s30 =	sshll.u32 s1, $0xD;
	[tilespmem:s29+$0xA5C0] =	vst v1;
	v1 =	vmul.f32 $8.000000000e+00, v4  }
0x107: {  	s30 =	sadd.s32 s4, s30;
	[tilespmem:s29+$0xA5D0] =	vst v0;
	v0 =	vmul.f32 $8.000000000e+00, v6  }
0x108: {  	p0 =	sgt.u32 s1, $0xC5;
	s30 =	sshrl.u32 s30, $0x3;
	[tilespmem:s29+$0xA5E0] =	vst v1  }
0x109: {  	s1 =	simm.s32 @!p0 $0x5;
	[tilespmem:s29+$0xA5F0] =	vst v0;
	s29 =	sadd.s32 s2, s30  }
0x10a: {  	[hbm4b:s29+s3] =	stream.linear.scatter [tilespmem:s14], [sflag:$0x7], $0x2000, $0x38;
	[tilespmem:$0xE400] =	vst v63  }
0x10b: {  	_ =	swait.ge @!p0 [sflag:s1], $0x2000  }
0x10c: {  	s29 =	sshll.u32 @!p0 s26, $0x9;
	[sflag:s1] =	ssyncset.done @!p0 $0x0  }
0x10d: {  	[sflag:s1] =	ssyncadd.s32 @!p0 $0xFFFFE000;
	s1 =	sand.u32 @!p0 $0x3FFFFE00, s29  }
0x10e: {  	s30 =	simm.s32 @!p0 $0x6400;
	s29 =	simm.s32 @!p0 $0x80;
	s1 =	sadd.s32 @!p0 $0x200, s1  }
0x10f: {  	[tilespmem:s30], [sflag:$0x1] =	stream.indirect.gather @!p0 [hbm4b:s5+s29], $0x40, s1, s29, $0xb8;
	[tilespmem:$0xE400] =	vst v63  }
0x110: {  	_ =	swait.ge [sflag:s20], $0x2000  }
0x111: {  	[sflag:s20] =	ssyncset.done $0x0  }
0x112: {  	s29 =	simm.s32 $0x0;
	[sflag:s20] =	ssyncadd.s32 $0xFFFFE000  }
0x113: {  	v0 =	vld [tilespmem:s29+$0xC400]  }
0x114: {  	v1 =	vld [tilespmem:s29+$0xC410]  }
0x115: {  	v2 =	vld [tilespmem:s29+$0xC420]  }
0x116: {  	v3 =	vld [tilespmem:s29+$0xC430]  }
0x117: {  	v4 =	vld [tilespmem:s29+$0xC440]  }
0x118: {  	v5 =	vld [tilespmem:s29+$0xC450];
	v0 =	vmul.f32 $8.000000000e+00, v0  }
0x119: {  	v6 =	vld [tilespmem:s29+$0xC460];
	v1 =	vmul.f32 $8.000000000e+00, v1  }
0x11a: {  	v2 =	vmul.f32 $8.000000000e+00, v2;
	[tilespmem:s29+$0xC400] =	vst v0;
	v0 =	vld [tilespmem:s29+$0xC470]  }
0x11b: {  	v3 =	vmul.f32 $8.000000000e+00, v3;
	[tilespmem:s29+$0xC410] =	vst v1;
	v1 =	vld [tilespmem:s29+$0xC480]  }
0x11c: {  	v4 =	vmul.f32 $8.000000000e+00, v4;
	[tilespmem:s29+$0xC420] =	vst v2;
	v2 =	vld [tilespmem:s29+$0xC490]  }
0x11d: {  	v5 =	vmul.f32 $8.000000000e+00, v5;
	[tilespmem:s29+$0xC430] =	vst v3;
	v3 =	vld [tilespmem:s29+$0xC4A0]  }
0x11e: {  	v6 =	vmul.f32 $8.000000000e+00, v6;
	[tilespmem:s29+$0xC440] =	vst v4;
	v4 =	vld [tilespmem:s29+$0xC4B0]  }
0x11f: {  	[tilespmem:s29+$0xC450] =	vst v5;
	v5 =	vld [tilespmem:s29+$0xC4C0];
	v0 =	vmul.f32 $8.000000000e+00, v0  }
0x120: {  	[tilespmem:s29+$0xC460] =	vst v6;
	v6 =	vld [tilespmem:s29+$0xC4D0];
	v1 =	vmul.f32 $8.000000000e+00, v1  }
0x121: {  	v2 =	vmul.f32 $8.000000000e+00, v2;
	[tilespmem:s29+$0xC470] =	vst v0;
	v0 =	vld [tilespmem:s29+$0xC4E0]  }
0x122: {  	v3 =	vmul.f32 $8.000000000e+00, v3;
	[tilespmem:s29+$0xC480] =	vst v1;
	v1 =	vld [tilespmem:s29+$0xC4F0]  }
0x123: {  	v4 =	vmul.f32 $8.000000000e+00, v4;
	[tilespmem:s29+$0xC490] =	vst v2;
	v2 =	vld [tilespmem:s29+$0xC500]  }
0x124: {  	v5 =	vmul.f32 $8.000000000e+00, v5;
	[tilespmem:s29+$0xC4A0] =	vst v3;
	v3 =	vld [tilespmem:s29+$0xC510]  }
0x125: {  	v6 =	vmul.f32 $8.000000000e+00, v6;
	[tilespmem:s29+$0xC4B0] =	vst v4;
	v4 =	vld [tilespmem:s29+$0xC520]  }
0x126: {  	[tilespmem:s29+$0xC4C0] =	vst v5;
	v5 =	vld [tilespmem:s29+$0xC530];
	v0 =	vmul.f32 $8.000000000e+00, v0  }
0x127: {  	[tilespmem:s29+$0xC4D0] =	vst v6;
	v6 =	vld [tilespmem:s29+$0xC540]  }
0x128: {  	v1 =	vmul.f32 $8.000000000e+00, v1;
	[tilespmem:s29+$0xC4E0] =	vst v0;
	v0 =	vld [tilespmem:s29+$0xC550]  }
0x129: {  	v2 =	vmul.f32 $8.000000000e+00, v2  }
0x12a: {  	[tilespmem:s29+$0xC4F0] =	vst v1;
	v1 =	vmul.f32 $8.000000000e+00, v3;
	v3 =	vld [tilespmem:s29+$0xC570]  }
0x12b: {  	v7 =	vld [tilespmem:s29+$0xC560];
	[tilespmem:s29+$0xC500] =	vst v2;
	v2 =	vmul.f32 $8.000000000e+00, v4  }
0x12c: {  	v4 =	vld [tilespmem:s29+$0xC580];
	[tilespmem:s29+$0xC510] =	vst v1;
	v1 =	vmul.f32 $8.000000000e+00, v5  }
0x12d: {  	[tilespmem:s29+$0xC520] =	vst v2;
	v5 =	vld [tilespmem:s29+$0xC590];
	v2 =	vmul.f32 $8.000000000e+00, v6;
	v6 =	vmul.f32 $8.000000000e+00, v0  }
0x12e: {  	[tilespmem:s29+$0xC530] =	vst v1;
	v1 =	vld [tilespmem:s29+$0xC5A0]  }
0x12f: {  	v0 =	vld [tilespmem:s29+$0xC5B0];
	[tilespmem:s29+$0xC550] =	vst v6;
	v6 =	vmul.f32 $8.000000000e+00, v3  }
0x130: {  	v7 =	vmul.f32 $8.000000000e+00, v7;
	[tilespmem:s29+$0xC540] =	vst v2;
	v2 =	vld [tilespmem:s29+$0xC5C0]  }
0x131: {  	v3 =	vld [tilespmem:s29+$0xC5D0];
	[tilespmem:s29+$0xC570] =	vst v6;
	v6 =	vmul.f32 $8.000000000e+00, v4  }
0x132: {  	s30 =	simm.s32 $0x800;
	[tilespmem:s29+$0xC560] =	vst v7;
	v5 =	vmul.f32 $8.000000000e+00, v5;
	v4 =	vld [tilespmem:s29+$0xC5E0]  }
.LBB2_9:
0x133: {  	s1 =	sshra.s32 s30, $0x2;
	p0 =	sne.s32 s30, $0x7800;
	[tilespmem:s29+$0xC580] =	vst v6;
	v1 =	vmul.f32 $8.000000000e+00, v1;
	v6 =	vld [tilespmem:s29+$0xC5F0]  }
0x134: {  	v7 =	vld [tilespmem:s1+$0xC400];
	[tilespmem:s29+$0xC590] =	vst v5;
	v0 =	vmul.f32 $8.000000000e+00, v0  }
0x135: {  	v5 =	vld [tilespmem:s1+$0xC410];
	[tilespmem:s29+$0xC5A0] =	vst v1;
	v1 =	vmul.f32 $8.000000000e+00, v2  }
0x136: {  	v2 =	vld [tilespmem:s1+$0xC420];
	[tilespmem:s29+$0xC5B0] =	vst v0;
	v0 =	vmul.f32 $8.000000000e+00, v3  }
0x137: {  	v3 =	vld [tilespmem:s1+$0xC430];
	[tilespmem:s29+$0xC5C0] =	vst v1;
	v1 =	vmul.f32 $8.000000000e+00, v4  }
0x138: {  	v4 =	vld [tilespmem:s1+$0xC440];
	[tilespmem:s29+$0xC5D0] =	vst v0;
	v0 =	vmul.f32 $8.000000000e+00, v6  }
0x139: {  	v6 =	vmul.f32 $8.000000000e+00, v7;
	v7 =	vld [tilespmem:s1+$0xC450];
	[tilespmem:s29+$0xC5E0] =	vst v1  }
0x13a: {  	v1 =	vmul.f32 $8.000000000e+00, v5;
	v5 =	vld [tilespmem:s1+$0xC460];
	[tilespmem:s29+$0xC5F0] =	vst v0;
	s29 =	smov.u32 s1  }
0x13b: {  	[tilespmem:s29+$0xC400] =	vst v6;
	v0 =	vmul.f32 $8.000000000e+00, v2;
	v2 =	vld [tilespmem:s29+$0xC470]  }
0x13c: {  	[tilespmem:s29+$0xC410] =	vst v1;
	v1 =	vmul.f32 $8.000000000e+00, v3;
	v3 =	vld [tilespmem:s29+$0xC480]  }
0x13d: {  	[tilespmem:s29+$0xC420] =	vst v0;
	v0 =	vmul.f32 $8.000000000e+00, v4;
	v4 =	vld [tilespmem:s29+$0xC490]  }
0x13e: {  	[tilespmem:s29+$0xC430] =	vst v1;
	v1 =	vmul.f32 $8.000000000e+00, v7;
	v6 =	vld [tilespmem:s29+$0xC4A0]  }
0x13f: {  	[tilespmem:s29+$0xC440] =	vst v0;
	v0 =	vmul.f32 $8.000000000e+00, v5;
	v5 =	vld [tilespmem:s29+$0xC4B0]  }
0x140: {  	[tilespmem:s29+$0xC450] =	vst v1;
	v1 =	vmul.f32 $8.000000000e+00, v2;
	v2 =	vld [tilespmem:s29+$0xC4C0]  }
0x141: {  	[tilespmem:s29+$0xC460] =	vst v0;
	v0 =	vmul.f32 $8.000000000e+00, v3;
	v3 =	vld [tilespmem:s29+$0xC4D0]  }
0x142: {  	[tilespmem:s29+$0xC470] =	vst v1;
	v1 =	vmul.f32 $8.000000000e+00, v4;
	v4 =	vld [tilespmem:s29+$0xC4E0]  }
0x143: {  	[tilespmem:s29+$0xC480] =	vst v0;
	v0 =	vmul.f32 $8.000000000e+00, v6;
	v6 =	vld [tilespmem:s29+$0xC4F0]  }
0x144: {  	[tilespmem:s29+$0xC490] =	vst v1;
	v1 =	vmul.f32 $8.000000000e+00, v5;
	v5 =	vld [tilespmem:s29+$0xC500]  }
0x145: {  	[tilespmem:s29+$0xC4A0] =	vst v0;
	v0 =	vmul.f32 $8.000000000e+00, v2;
	v2 =	vld [tilespmem:s29+$0xC510]  }
0x146: {  	[tilespmem:s29+$0xC4B0] =	vst v1;
	v1 =	vmul.f32 $8.000000000e+00, v3;
	v3 =	vld [tilespmem:s29+$0xC520]  }
0x147: {  	[tilespmem:s29+$0xC4C0] =	vst v0;
	v0 =	vmul.f32 $8.000000000e+00, v4;
	v4 =	vld [tilespmem:s29+$0xC530]  }
0x148: {  	[tilespmem:s29+$0xC4D0] =	vst v1;
	v1 =	vmul.f32 $8.000000000e+00, v6;
	v6 =	vld [tilespmem:s29+$0xC540]  }
0x149: {  	[tilespmem:s29+$0xC4E0] =	vst v0;
	v0 =	vmul.f32 $8.000000000e+00, v5;
	v5 =	vld [tilespmem:s29+$0xC550]  }
0x14a: {  	[tilespmem:s29+$0xC4F0] =	vst v1;
	v1 =	vmul.f32 $8.000000000e+00, v2;
	v2 =	vld [tilespmem:s29+$0xC560]  }
0x14b: {  	[tilespmem:s29+$0xC500] =	vst v0;
	v0 =	vmul.f32 $8.000000000e+00, v3;
	v3 =	vld [tilespmem:s29+$0xC570]  }
0x14c: {  	[tilespmem:s29+$0xC510] =	vst v1;
	v1 =	vmul.f32 $8.000000000e+00, v4;
	v4 =	vld [tilespmem:s29+$0xC580]  }
0x14d: {  	[tilespmem:s29+$0xC520] =	vst v0;
	v0 =	vmul.f32 $8.000000000e+00, v6;
	v7 =	vld [tilespmem:s29+$0xC590]  }
.Ltmp3:
0x14e: {  	[tilespmem:s29+$0xC530] =	vst v1;
	v5 =	vmul.f32 $8.000000000e+00, v5;
	v1 =	vld [tilespmem:s29+$0xC5A0];
	(pc) =	sbr.rel @p0 .LBB2_9-.Ltmp3, $4  }
0x14f: {  	[tilespmem:s29+$0xC540] =	vst v0;
	v6 =	vmul.f32 $8.000000000e+00, v2;
	v0 =	vld [tilespmem:s29+$0xC5B0]  }
0x150: {  	[tilespmem:s29+$0xC550] =	vst v5;
	v5 =	vmul.f32 $8.000000000e+00, v3;
	v2 =	vld [tilespmem:s29+$0xC5C0]  }
0x151: {  	[tilespmem:s29+$0xC560] =	vst v6;
	v6 =	vmul.f32 $8.000000000e+00, v4;
	v3 =	vld [tilespmem:s29+$0xC5D0]  }
0x152: {  	s30 =	sadd.s32 $0x800, s30;
	[tilespmem:s29+$0xC570] =	vst v5;
	v5 =	vmul.f32 $8.000000000e+00, v7;
	v4 =	vld [tilespmem:s29+$0xC5E0]  }
0x153: {  	[tilespmem:s29+$0xC580] =	vst v6;
	v1 =	vmul.f32 $8.000000000e+00, v1;
	v59 =	vld [tilespmem:s29+$0xC5F0]  }
0x154: {  	[tilespmem:s29+$0xC590] =	vst v5;
	v0 =	vmul.f32 $8.000000000e+00, v0  }
0x155: {  	[tilespmem:s29+$0xC5A0] =	vst v1;
	v60 =	vmul.f32 $8.000000000e+00, v2  }
0x156: {  	s1 =	sor.u32 $0x3, s28;
	[tilespmem:s29+$0xC5B0] =	vst v0;
	v61 =	vmul.f32 $8.000000000e+00, v3  }
0x157: {  	s28 =	sshll.u32 s1, $0xD;
	[tilespmem:s29+$0xC5C0] =	vst v60;
	v62 =	vmul.f32 $8.000000000e+00, v4  }
0x158: {  	s28 =	sadd.s32 s4, s28;
	[tilespmem:s29+$0xC5D0] =	vst v61;
	v63 =	vmul.f32 $8.000000000e+00, v59  }
0x159: {  	p0 =	sgt.u32 s1, $0xC5;
	s28 =	sshrl.u32 s28, $0x3;
	[tilespmem:s29+$0xC5E0] =	vst v62  }
0x15a: {  	s1 =	simm.s32 @!p0 $0x6;
	s28 =	sadd.s32 s2, s28;
	[tilespmem:s29+$0xC5F0] =	vst v63  }
0x15b: {  	[hbm4b:s28+s3] =	stream.linear.scatter [tilespmem:s16], [sflag:$0x8], $0x2000, $0x38;
	[tilespmem:$0xE400] =	vst v63  }
0x15c: {  	_ =	swait.ge @!p0 [sflag:s1], $0x2000  }
0x15d: {  	s28 =	sshll.u32 @!p0 s26, $0x9;
	[sflag:s1] =	ssyncset.done @!p0 $0x0  }
0x15e: {  	s29 =	simm.s32 @!p0 $0x8400;
	[sflag:s1] =	ssyncadd.s32 @!p0 $0xFFFFE000;
	s1 =	sand.u32 @!p0 $0x3FFFFE00, s28  }
0x15f: {  	s26 =	sadd.s32 $0x1, s26;
	s28 =	simm.s32 @!p0 $0x80;
	s1 =	sadd.s32 @!p0 $0x280, s1  }
0x160: {  	[tilespmem:s29], [sflag:$0x2] =	stream.indirect.gather @!p0 [hbm4b:s5+s28], $0x40, s1, s28, $0xb8;
	[tilespmem:$0xE400] =	vst v63  }
0x161: {  	p0 =	sne.s32 s26, $0x32  }
.Ltmp4:
0x162: {  	_ = 	snop;
	(pc) =	sbr.rel @p0 .LBB2_2-.Ltmp4, $1  }
0x163: {  	_ =	sdelay $0x3  }
0x164: {  	_ =	swait.ge [sflag:s21], $0x2000  }
0x165: {  	[sflag:s21] =	ssyncset.done $0x0  }
0x166: {  	[sflag:s21] =	ssyncadd.s32 $0xFFFFE000  }
0x167: {  	_ =	swait.ge [sflag:s22], $0x2000  }
0x168: {  	[sflag:s22] =	ssyncset.done $0x0  }
0x169: {  	s25 =	sadd.s32 $0x1, s25;
	[sflag:s22] =	ssyncadd.s32 $0xFFFFE000  }
0x16a: {  	p0 =	sne.s32 s25, s8;
	_ =	swait.ge [sflag:s23], $0x2000  }
.Ltmp5:
0x16b: {  	[sflag:s23] =	ssyncset.done $0x0;
	(pc) =	sbr.rel @p0 .LBB2_1-.Ltmp5, $4  }
0x16c: {  	[sflag:s23] =	ssyncadd.s32 $0xFFFFE000  }
0x16d: {  	_ =	swait.ge [sflag:s24], $0x2000  }
0x16e: {  	[sflag:s24] =	ssyncset.done $0x0  }
0x16f: {  	[sflag:s24] =	ssyncadd.s32 $0xFFFFE000  }
0x170: {  	_ =	sfence.sel $0x180000  }
0x171: {  	[bflag:$0x0] =	sbarrier.arrive $0xFFFF  }
0x172: {  	_ =	strace $0x90000047  }
0x173: {  	[bflag:$0x2] =	sbarrier.arrive $0xFFFF  }
0x174: {  	p0 =	sne.s32 s0, $0x0;
	s0 =	rddreg [dreg:$0x2]  }
0x175: {  	s0 =	sadd.s32 @!p0 $0x100000, s0  }
0x176: {  	[sflag:s0] =	ssyncadd.tile.s32 @!p0 $0x1;
	_ =	shalt  }
.Lfunc_end2:
_tile_overlayer_lowered:
.L_overlay_start_2:
0x177: {  	(tag) =	ssettag $0x2  }
0x178: {  	s0 =	rddreg [dreg:$0x0];
	s2 =	stileid.u32  }
0x179: {  	s1 =	rddreg [dreg:$0x1];
	p0 =	sne.s32 s2, $0x0  }
0x17a: {  	s3 =	rddreg [dreg:$0x2];
	[bflag:$0x3] =	sbarrier.arrive $0xFFFF;
	s2 =	simm.s32 @!p0 $0x1C09  }
0x17b: {  	[timem:s3], [sflag:s2] =	dma.local @!p0 [hbm:s0], s1  }
0x17c: {  	s0 =	simm.s32 @!p0 $0x9  }
0x17d: {  	_ =	swait.ge @!p0 [sflag:s0], s1  }
0x17e: {  	s1 =	ssub.s32 @!p0 $0x0, s1;
	[sflag:s0] =	ssyncset.done @!p0 $0x0  }
0x17f: {  	[sflag:s0] =	ssyncadd.s32 @!p0 s1  }
0x180: {  	[bflag:$0x3] =	sbarrier.arrive $0xFFFF  }
0x181: {  	_ =	shalt  }

// kernel: sparse-core-data-format-call.cloned.1.call-start
scs
called_computation_lowered:
.L_overlay_start_0:
0x0: {  	s2 =	sld [smem:$0x3FD9]  }
0x1: {  	s3 =	sld [smem:$0x3FFE];
	_ =	sdelay $0x1  }
0x2: {  	s1 =	srdreg.scid  }
0x3: {  	s0 =	sand.u32 $0x1, s1  }
0x4: {  	s18 =	sshll.u32 s0, $0xA;
	s2 =	sadd.s32 s3, s2  }
0x5: {  	s2 =	sadd.s32 s2, s18  }
0x6: {  	[smem:$0x3FC6] =	sst s2  }
0x7: {  	_ = 	snop  }
0x8: {  	s2 =	sld [smem:$0x3FD0];
	(tm) =	ssettm $0x1  }
0x9: {  	s19 =	sld [smem:$0x3FFB];
	_ =	sdelay $0x3  }
0xa: {  	_ =	strace s19  }
0xb: {  	s3 =	sld [smem:$0x3FFC];
	_ =	sdelay $0x3  }
0xc: {  	_ =	strace s3  }
0xd: {  	s3 =	sld [smem:$0x3FFD];
	_ =	sdelay $0x3  }
0xe: {  	_ =	strace s3  }
0xf: {  	_ =	strace $0x8FFFFFFF  }
0x10: {  	s20 =	sld [smem:$0x3FDB];
	_ =	sdelay $0x1  }
0x11: {  	s4 =	simm.s32 $_scs_section_size  }
0x12: {  	s5 =	simm.s32 $_size__tile_overlayer_lowered;
	s6 =	simm.s32 $_tile_overlayer_lowered  }
0x13: {  	s23 =	simm.s32 $0x1BFF;
	s22 =	sshll.u32 s6, $0x1;
	s3 =	sadd.s32 s4, s20  }
0x14: {  	s7 =	simm.s32 $0x0;
	s21 =	sshll.u32 s5, $0x1;
	s5 =	sadd.s32 s22, s3  }
0x15: {  	[timem:s7], [sflag:s23] =	dma.local [hbm:s5], s21  }
0x16: {  	_ =	swait.ge [sflag:s23], s21  }
0x17: {  	s4 =	ssub.s32 $0x0, s21;
	[sflag:s23] =	ssyncset.done $0x0  }
0x18: {  	[sflag:s23] =	ssyncadd.s32 s4;
	_ =	sdelay $0x1  }
0x19: {  	s24 =	simm.s32 $0x1B8B  }
0x1a: {  	_ =	swait.ge [sflag:s24], $0x1  }
0x1b: {  	[sflag:s24] =	ssyncset.done $0x0  }
0x1c: {  	s26 =	simm.s32 $0x1B8E;
	s25 =	sld [smem:$0x3FFE];
	[sflag:s24] =	ssyncadd.s32 $0xFFFFFFFF  }
0x1d: {  	s27 =	simm.s32 $execute0_lowered;
	[smem:$0x3FD2] =	sst s26  }
0x1e: {  	s5 =	sshll.u32 s27, $0x1;
	_ =	strace $0x80000049;
	[dreg:$0x1] =	wrdreg $0xFFFFFFFF  }
0x1f: {  	s28 =	simm.s32 $_size_execute0_lowered;
	s3 =	sadd.s32 s3, s5;
	[dreg:$0x0] =	wrdreg $0x0  }
0x20: {  	s5 =	sshll.u32 s28, $0x1;
	[dreg:$0x2] =	wrdreg s3  }
0x21: {  	[dreg:$0x3] =	wrdreg s5  }
0x22: {  	[dreg:$0x4] =	wrdreg $0xC0  }
0x23: {  	_ =	task [dreg:s7], $0x5FFFF  }
0x24: {  	[dreg:$0x1] =	wrdreg $0xFFFFFFFF  }
0x25: {  	[dreg:$0x0] =	wrdreg $0x60  }
0x26: {  	[dreg:$0x2] =	wrdreg s25  }
0x27: {  	[dreg:$0x3] =	wrdreg s2  }
0x28: {  	[dreg:$0x4] =	wrdreg $0x9  }
0x29: {  	_ =	task.clear_ibuf [dreg:s7], $0x5FFFF;
	_ =	strace $0x90000049  }
0x2a: {  	s29 =	simm.s32 $0x9;
	_ =	strace $0x8000004B  }
0x2b: {  	_ =	swait.ge [sflag:s29], $0x1  }
0x2c: {  	[sflag:s29] =	ssyncadd.s32 $0xFFFFFFFF  }
0x2d: {  	_ =	strace $0x9000004B  }
0x2e: {  	_ =	sfence  }
0x2f: {  	s30 =	sld [smem:$0x0];
	_ =	sdelay $0x2  }
0x30: {  	s31 =	sshll.u32 s1, $0xD;
	s1 =	sshrl.u32 s1, $0x2  }
0x31: {  	s3 =	sand.u32 $0x4000, s31;
	s1 =	sadd.s32 s1, s30  }
0x32: {  	s0 =	sor.u32 s3, s0;
	s1 =	sshll.u32 s1, $0x11  }
0x33: {  	s0 =	sor.u32 s1, s0  }
0x34: {  	s0 =	sadd.s32 $0x8F2B, s0  }
0x35: {  	[sflag:s0] =	ssyncadd.remote.s32 $0x1  }
0x36: {  	_ =	sfence.sel $0xFFFF  }
0x37: {  	[dreg:$0x0] =	wrdreg $0xFFFFFFFF;
	(pc) =	sbr.abs _section_cstart, $3  }
0x38: {  	[dreg:$0x1] =	wrdreg $0xFFFFFFFF  }
0x39: {  	_ =	task.clear_ibuf [dreg:s7], $0x2FFFF;
	_ =	strace $0x9FFFFFFF  }
0x3a: {  	(tm) =	ssettm $0x7FFFFFFF  }
0x3b: {  	_ =	shalt  }
tec
execute0_lowered:
.L_overlay_start_1:
0x0: {  	(tag) =	ssettag $0x1  }
0x1: {  	s0 =	srdreg.scid  }
0x2: {  	s1 =	sshll.u32 s0, $0x4  }
0x3: {  	s0 =	stileid.u32;
	s1 =	sand.u32 $0x10, s1  }
0x4: {  	s1 =	sor.u32 s0, s1  }
0x5: {  	s6 =	rddreg [dreg:$0x0];
	s4 =	simm.s32 $0x1;
	s2 =	sshll.u32 s1, $0x7  }
0x6: {  	s7 =	simm.s32 $0x2;
	s12 =	simm.s32 $0x0;
	s1 =	ssub.s32 $0x1000, s2  }
0x7: {  	s8 =	simm.s32 $0x8000;
	s13 =	simm.s32 $0x0;
	s3 =	sand.u32 $0xF80, s1  }
0x8: {  	s9 =	simm.s32 $0x0;
	s5 =	sshrl.u32 s1, $0xC;
	p0 =	sne.s32 s3, $0x0  }
.Ltmp0:
0x9: {  	s1 =	rddreg [dreg:$0x2];
	s4 =	simm.s32 @!p0 $0x0;
	(pc) =	sbr.rel .LBB1_1-.Ltmp0, $4  }
0xa: {  	s11 =	simm.s32 $0x0;
	s3 =	rddreg [dreg:$0x1];
	s5 =	sadd.s32 s4, s5  }
0xb: {  	_ =	strace $0x8000004A;
	s4 =	simm.s32 $0x1;
	s5 =	smul.u32 $0xC8, s5  }
0xc: {  	s6 =	sadd.s32 $0xA00, s6;
	s10 =	smov.u32 s2;
	[sflag:s4] =	ssyncpa.u1 $0x0  }
0xd: {  	p0 =	por $0x0, $0x0;
	[sflag:s7] =	ssyncpa.u1 $0x0;
	s7 =	sor.u32 $0x1, s5  }
.LBB1_4:
0xe: {  	s16 =	sshll.u32 s13, $0x3;
	s17 =	sand.u32 $0x78, s13  }
0xf: {  	s30 =	sand.u32 $0x7E00, s13;
	s12 =	sshll.u32 s12, $0xF;
	s16 =	sand.u32 $0xC00, s16  }
0x10: {  	[tilespmem:s15+$0x810 ss:$0x81] =	vst.msk $0xffff, v2;
	s31 =	sand.u32 $0x7, s13;
	s16 =	sor.u32 s17, s16;
	s17 =	sadd.s32 s3, s30  }
0x11: {  	[tilespmem:s15+$0x1020 ss:$0x81] =	vst.msk $0xffff, v0;
	s13 =	sshll.u32 s31, $0x12;
	s12 =	sadd.s32 s12, s17;
	s16 =	sshrl.u32 s16, $0x3  }
0x12: {  	[tilespmem:s15+$0x0 ss:$0x81] =	vst.msk $0xffff, v1;
	s13 =	sor.u32 $0x400, s13;
	s12 =	sadd.s32 s16, s12  }
0x13: {  	[hbm4b:s12+s13] =	stream.strided.scatter [tilespmem:s14], [sflag:$0x2], $0x2000, s8, s13, $0x20;
	[tilespmem:$0x8080] =	vst v63  }
.LBB1_5:
0x14: {  	s14 =	sadd.s32 $0x1, s9  }
0x15: {  	s12 =	sadd.s32 $0x1000, s10;
	s16 =	smov.u32 s10;
	p2 =	sgt.s32 s14, $0xC7  }
0x16: {  	s16 =	smov.u32 @p2 s12  }
0x17: {  	s14 =	simm.s32 @p2 $0x0;
	p2 =	sgt.s32 s16, $0xFFF  }
0x18: {  	s16 =	smov.u32 @p2 s2;
	p2 =	sne.s32 s11, s7  }
.Ltmp1:
0x19: {  	p1 =	slt.u32 s11, $0x2;
	(pc) =	sbr.rel @!p2 .LBB1_6-.Ltmp1, $4  }
0x1a: {  	s15 =	simm.s32 @!p1 $0x2  }
0x1b: {  	s13 =	smov.u32 s10;
	p0 =	por !p0, !p0;
	_ =	swait.ge @!p1 [sflag:s15], $0x2000  }
0x1c: {  	s12 =	smov.u32 s9;
	[sflag:s15] =	ssyncset.done @!p1 $0x0;
	s9 =	smov.u32 s14  }
0x1d: {  	s11 =	sadd.s32 $0x1, s11;
	[sflag:s15] =	ssyncadd.s32 @!p1 $0xFFFFE000;
	s10 =	smov.u32 s16  }
.LBB1_1:
0x1e: {  	p1 =	sge.u32 s11, s5  }
0x1f: {  	s14 =	sand.u32 @!p1 $0x1FFFFFF, s9  }
0x20: {  	s15 =	smulhi.u32 @!p1 $0x147AE15, s14;
	_ =	sdelay $0x1  }
0x21: {  	s15 =	smul.u32 @!p1 $0xC8, s15  }
0x22: {  	s16 =	sxor.u32 @!p1 $0xFFFFFFFF, s11;
	s17 =	smul.u32 @!p1 $0xC80, s10  }
0x23: {  	s31 =	sadd.s32 $0xFFFFFFFF, s11;
	s16 =	sshll.u32 @!p1 s16, $0xD;
	s14 =	ssub.s32 @!p1 s14, s15  }
0x24: {  	s15 =	sand.u32 @!p1 $0x2000, s16;
	s16 =	sadd.s32 @!p1 s6, s17;
	s14 =	sshll.u32 @!p1 s14, $0x4  }
0x25: {  	s17 =	simm.s32 @!p1 $0x6400;
	s14 =	sadd.s32 @!p1 s14, s16;
	s16 =	simm.s32 @!p1 $0x40  }
0x26: {  	[tilespmem:s15], [sflag:$0x1] =	stream.strided.gather @!p1 [hbm4b:s14+s16], $0x2000, s17, s16, $0x38;
	[tilespmem:$0x8080] =	vst v63  }
0x27: {  	p1 =	sge.u32 s31, s5  }
.Ltmp2:
0x28: {  	_ = 	snop;
	(pc) =	sbr.rel @p1 .LBB1_5-.Ltmp2, $1  }
0x29: {  	_ =	sdelay $0x3  }
0x2a: {  	s14 =	simm.s32 $0x1  }
0x2b: {  	_ =	swait.ge [sflag:s4], $0x2000;
	s14 =	simm.s32 @!p0 $0x0  }
0x2c: {  	[sflag:s4] =	ssyncset.done $0x0;
	s15 =	sshll.u32 s14, $0xD  }
0x2d: {  	[sflag:s4] =	ssyncadd.s32 $0xFFFFE000;
	s18 =	sor.u32 $0x20, s15  }
0x2e: {  	s14 =	smul.u32 $0x8100, s14;
	v3 =	vld [tilespmem:s18+$0x10]  }
0x2f: {  	s30 =	sand.u32 $0x1, s11;
	v2 =	vld [tilespmem:s18+$0xFFFFFFF0]  }
0x30: {  	s15 =	smul.u32 $0x8100, s30;
	s14 =	sshrl.u32 s14, $0x2;
	v0 =	vld [tilespmem:s18+$0x0]  }
0x31: {  	v1 =	vld [tilespmem:s18+$0xFFFFFFE0];
	s16 =	sor.u32 $0x4000, s14  }
0x32: {  	s31 =	sshrl.u32 s15, $0x2;
	s15 =	sadd.s32 $0x0, s16  }
0x33: {  	s17 =	simm.s32 $0x4;
	s18 =	sadd.s32 $0x40, s18;
	s14 =	sor.u32 $0x4000, s31;
	[tilespmem:s15+$0x1830 ss:$0x81] =	vst.msk $0xffff, v3  }
.LBB1_3:
0x34: {  	v3 =	vld [tilespmem:s18+$0x10];
	p1 =	sne.s32 s17, $0x1FC;
	[tilespmem:s15+$0x810 ss:$0x81] =	vst.msk $0xffff, v2;
	s19 =	smov.u32 s17;
	s17 =	sadd.s32 $0x4, s17  }
.Ltmp3:
0x35: {  	v2 =	vld [tilespmem:s18+$0xFFFFFFF0];
	[tilespmem:s15+$0x1020 ss:$0x81] =	vst.msk $0xffff, v0;
	(pc) =	sbr.rel @p1 .LBB1_3-.Ltmp3, $4  }
0x36: {  	v0 =	vld [tilespmem:s18+$0x0];
	[tilespmem:s15+$0x0 ss:$0x81] =	vst.msk $0xffff, v1  }
0x37: {  	s15 =	sshra.s32 s19, $0x2;
	v1 =	vld [tilespmem:s18+$0xFFFFFFE0]  }
0x38: {  	s15 =	sadd.s32 s15, s16  }
0x39: {  	s18 =	sadd.s32 $0x40, s18;
	[tilespmem:s15+$0x1830 ss:$0x81] =	vst.msk $0xffff, v3  }
.Ltmp4:
0x3a: {  	_ = 	snop;
	(pc) =	sbr.rel .LBB1_4-.Ltmp4, $1  }
0x3b: {  	_ =	sdelay $0x3  }
.LBB1_6:
0x3c: {  	_ =	sfence.sel $0x180000  }
0x3d: {  	s2 =	simm.s32 $0x1;
	[bflag:$0x0] =	sbarrier.arrive $0xFFFF  }
0x3e: {  	s31 =	simm.s32 $0x2;
	[sflag:s2] =	ssyncpa.u1 $0x1  }
0x3f: {  	[sflag:s31] =	ssyncpa.u1 $0x1  }
0x40: {  	p0 =	sne.s32 s0, $0x0;
	_ =	strace $0x9000004A  }
0x41: {  	s0 =	sadd.s32 @!p0 $0x100000, s1;
	[bflag:$0x2] =	sbarrier.arrive $0xFFFF  }
0x42: {  	[sflag:s0] =	ssyncadd.tile.s32 @!p0 $0x1;
	_ =	shalt  }
.Lfunc_end1:
_tile_overlayer_lowered:
.L_overlay_start_2:
0x43: {  	(tag) =	ssettag $0x2  }
0x44: {  	s0 =	rddreg [dreg:$0x0];
	s2 =	stileid.u32  }
0x45: {  	s1 =	rddreg [dreg:$0x1];
	p0 =	sne.s32 s2, $0x0  }
0x46: {  	s3 =	rddreg [dreg:$0x2];
	[bflag:$0x3] =	sbarrier.arrive $0xFFFF;
	s2 =	simm.s32 @!p0 $0x1C01  }
0x47: {  	[timem:s3], [sflag:s2] =	dma.local @!p0 [hbm:s0], s1  }
0x48: {  	s0 =	simm.s32 @!p0 $0x1  }
0x49: {  	_ =	swait.ge @!p0 [sflag:s0], s1  }
0x4a: {  	s1 =	ssub.s32 @!p0 $0x0, s1;
	[sflag:s0] =	ssyncset.done @!p0 $0x0  }
0x4b: {  	[sflag:s0] =	ssyncadd.s32 @!p0 s1  }
0x4c: {  	[bflag:$0x3] =	sbarrier.arrive $0xFFFF  }
0x4d: {  	_ =	shalt  }

</sc_bundles>
